<compile_context>
chip_gen: v7x
topology: tpu7x:2x2x1
jax: 0.10.2.dev20260603
libtpu: 0.0.44.dev20260713+nightly
codegen_flags: <defaults>
</compile_context>

<pallas_src>
import jax
import jax.numpy as jnp
from jax import lax
from jax.experimental import pallas as pl
from jax.experimental.pallas import tpu as pltpu
from jax.experimental.pallas import tpu_sc as plsc

N = 10000
E = 320000
DF = 128
DE = 4
DEP = 16
DH = 300
DHP = 384
G = 128

NC, NS = 2, 16
NW = NC * NS
CHUNK = 64
CPW = 162
EPAD = NW * CPW * CHUNK
NCH = EPAD // CHUNK
XP = 10240
TROWS = EPAD + XP
NP = 10240
RPT = NP // NS
ZR = 128
EB = 1024
NEB = EPAD // EB
TBLK = NEB + XP // EB


def _sc_body(tab_hbm, sd_hbm, outx_hbm,
             aggx_sh, sd0, sd1, tbuf0, tbuf1,
             gsem0, gsem1, ssem0, ssem1):
    cid = lax.axis_index("c")
    sid = lax.axis_index("s")
    wid = cid * NS + sid
    sds = (sd0, sd1)
    tbufs = (tbuf0, tbuf1)
    gsems, ssems = (gsem0, gsem1), (ssem0, ssem1)

    zeros16 = jnp.zeros((16,), jnp.float32)

    @pl.loop(0, ZR)
    def _zero(i):
        for j in range(DF // 16):
            sl = pl.ds(j * 16, 16)
            tbuf0[i, sl] = zeros16
            tbuf1[i, sl] = zeros16

    def _ramp(ref, r, base):
        for j in range(2 * CHUNK // 16):
            ref[r, 0, pl.ds(j * 16, 16)] = lax.iota(jnp.int32, 16) + (base + j * 16)

    for k in range(RPT // ZR):
        r0 = sid * RPT + k * ZR
        _ramp(sd0, 0, r0)
        pltpu.sync_copy(tbuf0, aggx_sh.at[sd0.at[0, 0]])
    plsc.subcore_barrier()

    def _scat(b):
        return pltpu.make_async_copy(tbufs[b], aggx_sh.at[sds[b].at[1, 0]],
                                     ssems[b])

    for b in range(2):
        _ramp(sds[b], 1, 0)
        _scat(b).start(add=True)

    def _fire(c, b):
        _scat(b).wait()
        pltpu.sync_copy(sd_hbm.at[wid * CPW + c], sds[b])
        pltpu.async_copy(tab_hbm.at[sds[b].at[0, 0]], tbufs[b], gsems[b])

    def _drain_and_add(c, b):
        pltpu.make_async_copy(tab_hbm.at[sds[b].at[0, 0]], tbufs[b],
                              gsems[b]).wait()
        _scat(b).start(add=True)

    _fire(0, 0)

    @pl.loop(0, CPW // 2)
    def _edges(g):
        for b in range(2):
            c = g * 2 + b

            @pl.when(c + 1 < CPW)
            def _():
                _fire(c + 1, 1 - b)

            _drain_and_add(c, b)

    _scat(0).wait()
    _scat(1).wait()
    plsc.subcore_barrier()

    for k in range(RPT // ZR):
        r0 = sid * RPT + k * ZR
        o0 = cid * NP + r0
        _ramp(sd0, 0, r0)
        pltpu.sync_copy(aggx_sh.at[sd0.at[0, 0]], tbuf0)
        pltpu.sync_copy(tbuf0, outx_hbm.at[pl.ds(o0, ZR), :])


def _sc_agg(table, sd4):
    return pl.kernel(
        _sc_body,
        out_type=jax.ShapeDtypeStruct((NC * NP, DF), jnp.float32),
        mesh=plsc.VectorSubcoreMesh(core_axis_name="c", subcore_axis_name="s"),
        scratch_types=[
            pltpu.VMEM_SHARED((NP, DF), jnp.float32),
            pltpu.VMEM((2, 1, 2 * CHUNK), jnp.int32),
            pltpu.VMEM((2, 1, 2 * CHUNK), jnp.int32),
            pltpu.VMEM((2 * CHUNK, DF), jnp.float32),
            pltpu.VMEM((2 * CHUNK, DF), jnp.float32),
            pltpu.SemaphoreType.DMA,
            pltpu.SemaphoreType.DMA,
            pltpu.SemaphoreType.DMA,
            pltpu.SemaphoreType.DMA,
        ],
    )(table, sd4)


def _table_body(ea_ref, x_ref, we_ref, out_ref):
    pid = pl.program_id(0)
    mm = jnp.dot(ea_ref[...], we_ref[...], preferred_element_type=jnp.float32)
    out_ref[...] = jnp.where(pid < NEB, mm, x_ref[...])


_table_call = pl.pallas_call(
    _table_body,
    grid=(TBLK,),
    in_specs=[
        pl.BlockSpec((EB, DE), lambda i: (jnp.minimum(i, NEB - 1), 0)),
        pl.BlockSpec((EB, DF), lambda i: (jnp.maximum(i - NEB, 0), 0)),
        pl.BlockSpec((DE, DF), lambda i: (0, 0)),
    ],
    out_specs=pl.BlockSpec((EB, DF), lambda i: (i, 0)),
    out_shape=jax.ShapeDtypeStruct((TROWS, DF), jnp.float32),
)


def _tc_body(paggx, x, batch, W_gnn, b_gnn, W_imp, b_imp,
             W_p1, b_p1, W_p2, b_p2, out_ref):
    f32 = jnp.float32
    t = paggx[0:N, :] + paggx[NP:NP + N, :] + x[...]

    imp_pre = jnp.dot(t, W_imp[...], preferred_element_type=f32) + b_imp[0, 0]
    imp = 1.0 / (1.0 + jnp.exp(-imp_pre))
    impT_pre = lax.dot_general(W_imp[...], t, (((0,), (1,)), ((), ())),
                               preferred_element_type=f32) + b_imp[0, 0]
    impT = 1.0 / (1.0 + jnp.exp(-impT_pre))

    h = jnp.maximum(jnp.dot(t, W_gnn[...], preferred_element_type=f32)
                    + b_gnn[...], 0.0)

    gid = lax.broadcasted_iota(jnp.int32, (G, N), 0)
    oh = jnp.broadcast_to(batch[...], (G, N)) == gid
    ohf = oh.astype(f32)

    impb = jnp.broadcast_to(impT[0:1, :], (G, N))
    m10 = jnp.max(jnp.where(oh, impb, -1.0), axis=1, keepdims=True) * 10.0
    node_m = lax.dot_general(ohf, m10, (((0,), (0,)), ((), ())),
                             preferred_element_type=f32)
    wgt = imp[:, 0:1] / node_m + 0.9

    hw = h * jnp.broadcast_to(wgt, (N, DHP))
    sums = jnp.dot(ohf, hw, preferred_element_type=f32)
    counts = jnp.sum(ohf, axis=1, keepdims=True)
    pooled = sums / jnp.maximum(counts, 1.0)

    hid = jnp.maximum(jnp.dot(pooled, W_p1[...], preferred_element_type=f32)
                      + b_p1[...], 0.0)
    out_ref[...] = jnp.dot(hid, W_p2[...], preferred_element_type=f32) + b_p2[...]


_tc_call = pl.pallas_call(
    _tc_body,
    out_shape=jax.ShapeDtypeStruct((G, DHP), jnp.float32),
)


def kernel(x, edge_index, edge_attr, batch, W_edge, W_gnn, b_gnn, W_imp, b_imp,
           W_p1, b_p1, W_p2, b_p2):
    src = edge_index[0]
    dst = edge_index[1]

    pad = EPAD - E
    x_pad = jnp.zeros((XP, DF), jnp.float32).at[:N].set(x)
    src_pad = jnp.concatenate([src, jnp.full((pad,), N, jnp.int32)])
    dst_pad = jnp.concatenate([dst, jnp.zeros((pad,), jnp.int32)])

    gidx = jnp.concatenate(
        [(EPAD + src_pad).reshape(NCH, 1, CHUNK),
         jnp.arange(EPAD, dtype=jnp.int32).reshape(NCH, 1, CHUNK)], axis=2)
    sidx = jnp.concatenate([dst_pad.reshape(NCH, 1, CHUNK)] * 2, axis=2)
    sd4 = jnp.concatenate([gidx, sidx], axis=1).reshape(NCH, 2, 1, 2 * CHUNK)

    ea_pad = jnp.pad(edge_attr, ((0, pad), (0, 0)))
    table = _table_call(ea_pad, x_pad, W_edge)
    paggx = _sc_agg(table, sd4)

    W_gnn_p = jnp.pad(W_gnn, ((0, 0), (0, DHP - DH)))
    b_gnn_p = jnp.pad(b_gnn, (0, DHP - DH)).reshape(1, DHP)
    W_imp_p = jnp.broadcast_to(W_imp, (DF, 8))
    b_imp_p = b_imp.reshape(1, 1)
    W_p1_p = jnp.pad(W_p1, ((0, DHP - DH), (0, DHP - DH)))
    b_p1_p = jnp.pad(b_p1, (0, DHP - DH)).reshape(1, DHP)
    W_p2_p = jnp.pad(W_p2, ((0, DHP - DH), (0, DHP - DH)))
    b_p2_p = jnp.pad(b_p2, (0, DHP - DH)).reshape(1, DHP)
    batch2 = batch.reshape(1, N)

    z = _tc_call(paggx, x, batch2, W_gnn_p, b_gnn_p,
                 W_imp_p, b_imp_p, W_p1_p, b_p1_p, W_p2_p, b_p2_p)
    return z[:, :DH]

# --- scband reference (transcript-rebuilt; emitter-appended) ---
"""Pipeline reference for scband-graphcl-82248623719027 (READ-ONLY COPY).

The authoritative reference and input builder live on the scoring server;
editing this copy changes nothing except your own understanding.
"""

import jax, jax.numpy as jnp
import numpy as np

N_NODES = 10000
N_EDGES = 320000
D_FEAT = 128
D_EDGE = 4
D_HID = 300
N_GRAPHS = 128

def setup_inputs(seed: int = 0) -> dict:
    key = jax.random.key(seed)
    ks = jax.random.split(key, 16)
    x = jax.random.normal(ks[0], (N_NODES, D_FEAT), dtype=jnp.float32)
    edge_index = jax.random.randint(ks[1], (2, N_EDGES), 0, N_NODES, dtype=jnp.int64 if jax.config.jax_enable_x64 else jnp.int32).astype(jnp.int32)
    edge_attr = jax.random.uniform(ks[2], (N_EDGES, D_EDGE), dtype=jnp.float32)
    batch = jnp.sort(jax.random.randint(ks[3], (N_NODES,), 0, N_GRAPHS).astype(jnp.int32))
    s = 1.0 / np.sqrt(D_FEAT)
    W_edge = jax.random.normal(ks[4], (D_EDGE, D_FEAT), dtype=jnp.float32) * (1.0 / np.sqrt(D_EDGE))
    W_gnn = jax.random.normal(ks[5], (D_FEAT, D_HID), dtype=jnp.float32) * s
    b_gnn = jnp.zeros((D_HID,), dtype=jnp.float32)
    W_imp = jax.random.normal(ks[6], (D_FEAT, 1), dtype=jnp.float32) * s
    b_imp = jnp.zeros((1,), dtype=jnp.float32)
    sp = 1.0 / np.sqrt(D_HID)
    W_p1 = jax.random.normal(ks[7], (D_HID, D_HID), dtype=jnp.float32) * sp
    b_p1 = jnp.zeros((D_HID,), dtype=jnp.float32)
    W_p2 = jax.random.normal(ks[8], (D_HID, D_HID), dtype=jnp.float32) * sp
    b_p2 = jnp.zeros((D_HID,), dtype=jnp.float32)
    return {"x": x, "edge_index": edge_index, "edge_attr": edge_attr, "batch": batch,
            "W_edge": W_edge, "W_gnn": W_gnn, "b_gnn": b_gnn, "W_imp": W_imp, "b_imp": b_imp,
            "W_p1": W_p1, "b_p1": b_p1, "W_p2": W_p2, "b_p2": b_p2}

def reference(x, edge_index, edge_attr, batch, W_edge, W_gnn, b_gnn, W_imp, b_imp, W_p1, b_p1, W_p2, b_p2):
    N = x.shape[0]
    src = edge_index[0]
    dst = edge_index[1]
    e = edge_attr @ W_edge                                   # [E, D_FEAT]
    msg = x[src] + e                                         # gather + add
    agg = jax.ops.segment_sum(msg, dst, num_segments=N)      # scatter-add
    # node_imp_estimator(x, edge_index, edge_attr, batch) -> [N, 1]
    node_imp = jax.nn.sigmoid((agg + x) @ W_imp + b_imp)     # [N, 1]
    # gnn(x, edge_index, edge_attr) -> [N, 300]
    h = jax.nn.relu((agg + x) @ W_gnn + b_gnn)               # [N, 300]
    # scatter_max of node_imp over batch, then gather back
    out = jax.ops.segment_max(node_imp[:, 0], batch, num_segments=N_GRAPHS)  # [B]
    out = out.reshape(-1, 1)[batch]                          # [N, 1]
    node_imp = node_imp / (out * 10.0)
    node_imp = node_imp + 0.9
    node_imp = jnp.broadcast_to(node_imp, (N, D_HID))        # expand(-1, 300)
    h = h * node_imp
    # global_mean_pool
    sums = jax.ops.segment_sum(h, batch, num_segments=N_GRAPHS)
    counts = jax.ops.segment_sum(jnp.ones((N, 1), dtype=h.dtype), batch, num_segments=N_GRAPHS)
    pooled = sums / jnp.maximum(counts, 1.0)                 # [B, 300]
    # projection head
    z = jax.nn.relu(pooled @ W_p1 + b_p1) @ W_p2 + b_p2
    return z

if __name__ == "__main__":
    import jax
    _d = setup_inputs()
    print(jax.jit(kernel)(*tuple(_d.values())))

</pallas_src>

<mosaic_0001>
#map = affine_map<(d0, d1) -> (0, 0)>
#map1 = affine_map<(d0, d1) -> (0, 0, 0, 0)>
module attributes {stable_mosaic.version = 14 : i64} {
  func.func @_sc_body(%arg0: i32, %arg1: i32, %arg2: memref<342016x128xf32, #tpu.memory_space<hbm>>, %arg3: memref<5184x2x1x128xi32, #tpu.memory_space<hbm>>, %arg4: memref<20480x128xf32, #tpu.memory_space<hbm>>, %arg5: memref<10240x128xf32, #tpu.memory_space<vmem_shared>>, %arg6: memref<2x1x128xi32, #tpu.memory_space<vmem>>, %arg7: memref<2x1x128xi32, #tpu.memory_space<vmem>>, %arg8: memref<128x128xf32, #tpu.memory_space<vmem>>, %arg9: memref<128x128xf32, #tpu.memory_space<vmem>>, %arg10: memref<!tpu.dma_semaphore, #tpu.memory_space<semaphore_mem>>, %arg11: memref<!tpu.dma_semaphore, #tpu.memory_space<semaphore_mem>>, %arg12: memref<!tpu.dma_semaphore, #tpu.memory_space<semaphore_mem>>, %arg13: memref<!tpu.dma_semaphore, #tpu.memory_space<semaphore_mem>>) attributes {dimension_semantics = [#tpu.dimension_semantics<core_parallel>, #tpu.dimension_semantics<subcore_parallel>], iteration_bounds = array<i64: 2, 16>, scalar_prefetch = 0 : i64, scratch_operands = 9 : i64, tpu.core_type = #tpu.core_type<sc_vector_subcore>, window_params = [{transform_indices = #map}, {transform_indices = #map1}, {transform_indices = #map}]} {
    %mul3A = arith.constant 16 : i32
    %mul3A_0 = arith.muli %arg0, %mul3A : i32
    %add3A = arith.addi %mul3A_0, %arg1 : i32
    %broadcast_in_dim3A = arith.constant 0.000000e+00 : f32
    %broadcast_in_dim3A_1 = vector.broadcast %broadcast_in_dim3A : f32 to vector<16xf32>
    %scan3A = arith.constant 0 : i32
    %scan3A_2 = arith.constant 128 : i32
    %scan3A_3 = arith.addi %scan3A, %scan3A_2 : i32
    %scan3A_4 = arith.constant 1 : i32
    scf.for %scan3A_1366 = %scan3A to %scan3A_3 step %scan3A_4  : i32 {
      %mul3A_1367 = arith.constant 1 : i32
      %mul3A_1368 = arith.muli %scan3A_1366, %mul3A_1367 : i32
      %add3A_1369 = arith.constant 0 : i32
      %add3A_1370 = arith.addi %add3A_1369, %mul3A_1368 : i32
      %swap3A_1371 = arith.index_cast %add3A_1370 : i32 to index
      %swap3A_1372 = arith.constant 0 : index
      %swap3A_1373 = tpu.vector_load %arg8[%swap3A_1371, %swap3A_1372] {strides = array<i32>} : memref<128x128xf32, #tpu.memory_space<vmem>>, vector<1x16xf32>,
      %swap3A_1374 = vector.shape_cast %swap3A_1373 : vector<1x16xf32> to vector<16xf32>
      %swap3A_1375 = vector.shape_cast %broadcast_in_dim3A_1 : vector<16xf32> to vector<1x16xf32>
      tpu.vector_store %arg8[%swap3A_1371, %swap3A_1372], %swap3A_1375 {strides = array<i32>} : memref<128x128xf32, #tpu.memory_space<vmem>>, vector<1x16xf32>,
      %swap3A_1376 = arith.index_cast %add3A_1370 : i32 to index
      %swap3A_1377 = arith.constant 0 : index
      %swap3A_1378 = tpu.vector_load %arg9[%swap3A_1376, %swap3A_1377] {strides = array<i32>} : memref<128x128xf32, #tpu.memory_space<vmem>>, vector<1x16xf32>,
      %swap3A_1379 = vector.shape_cast %swap3A_1378 : vector<1x16xf32> to vector<16xf32>
      %swap3A_1380 = vector.shape_cast %broadcast_in_dim3A_1 : vector<16xf32> to vector<1x16xf32>
      tpu.vector_store %arg9[%swap3A_1376, %swap3A_1377], %swap3A_1380 {strides = array<i32>} : memref<128x128xf32, #tpu.memory_space<vmem>>, vector<1x16xf32>,
      %swap3A_1381 = arith.index_cast %add3A_1370 : i32 to index
      %swap3A_1382 = arith.constant 16 : index
      %swap3A_1383 = tpu.vector_load %arg8[%swap3A_1381, %swap3A_1382] {strides = array<i32>} : memref<128x128xf32, #tpu.memory_space<vmem>>, vector<1x16xf32>,
      %swap3A_1384 = vector.shape_cast %swap3A_1383 : vector<1x16xf32> to vector<16xf32>
      %swap3A_1385 = vector.shape_cast %broadcast_in_dim3A_1 : vector<16xf32> to vector<1x16xf32>
      tpu.vector_store %arg8[%swap3A_1381, %swap3A_1382], %swap3A_1385 {strides = array<i32>} : memref<128x128xf32, #tpu.memory_space<vmem>>, vector<1x16xf32>,
      %swap3A_1386 = arith.index_cast %add3A_1370 : i32 to index
      %swap3A_1387 = arith.constant 16 : index
      %swap3A_1388 = tpu.vector_load %arg9[%swap3A_1386, %swap3A_1387] {strides = array<i32>} : memref<128x128xf32, #tpu.memory_space<vmem>>, vector<1x16xf32>,
      %swap3A_1389 = vector.shape_cast %swap3A_1388 : vector<1x16xf32> to vector<16xf32>
      %swap3A_1390 = vector.shape_cast %broadcast_in_dim3A_1 : vector<16xf32> to vector<1x16xf32>
      tpu.vector_store %arg9[%swap3A_1386, %swap3A_1387], %swap3A_1390 {strides = array<i32>} : memref<128x128xf32, #tpu.memory_space<vmem>>, vector<1x16xf32>,
      %swap3A_1391 = arith.index_cast %add3A_1370 : i32 to index
      %swap3A_1392 = arith.constant 32 : index
      %swap3A_1393 = tpu.vector_load %arg8[%swap3A_1391, %swap3A_1392] {strides = array<i32>} : memref<128x128xf32, #tpu.memory_space<vmem>>, vector<1x16xf32>,
      %swap3A_1394 = vector.shape_cast %swap3A_1393 : vector<1x16xf32> to vector<16xf32>
      %swap3A_1395 = vector.shape_cast %broadcast_in_dim3A_1 : vector<16xf32> to vector<1x16xf32>
      tpu.vector_store %arg8[%swap3A_1391, %swap3A_1392], %swap3A_1395 {strides = array<i32>} : memref<128x128xf32, #tpu.memory_space<vmem>>, vector<1x16xf32>,
      %swap3A_1396 = arith.index_cast %add3A_1370 : i32 to index
      %swap3A_1397 = arith.constant 32 : index
      %swap3A_1398 = tpu.vector_load %arg9[%swap3A_1396, %swap3A_1397] {strides = array<i32>} : memref<128x128xf32, #tpu.memory_space<vmem>>, vector<1x16xf32>,
      %swap3A_1399 = vector.shape_cast %swap3A_1398 : vector<1x16xf32> to vector<16xf32>
      %swap3A_1400 = vector.shape_cast %broadcast_in_dim3A_1 : vector<16xf32> to vector<1x16xf32>
      tpu.vector_store %arg9[%swap3A_1396, %swap3A_1397], %swap3A_1400 {strides = array<i32>} : memref<128x128xf32, #tpu.memory_space<vmem>>, vector<1x16xf32>,
      %swap3A_1401 = arith.index_cast %add3A_1370 : i32 to index
      %swap3A_1402 = arith.constant 48 : index
      %swap3A_1403 = tpu.vector_load %arg8[%swap3A_1401, %swap3A_1402] {strides = array<i32>} : memref<128x128xf32, #tpu.memory_space<vmem>>, vector<1x16xf32>,
      %swap3A_1404 = vector.shape_cast %swap3A_1403 : vector<1x16xf32> to vector<16xf32>
      %swap3A_1405 = vector.shape_cast %broadcast_in_dim3A_1 : vector<16xf32> to vector<1x16xf32>
      tpu.vector_store %arg8[%swap3A_1401, %swap3A_1402], %swap3A_1405 {strides = array<i32>} : memref<128x128xf32, #tpu.memory_space<vmem>>, vector<1x16xf32>,
      %swap3A_1406 = arith.index_cast %add3A_1370 : i32 to index
      %swap3A_1407 = arith.constant 48 : index
      %swap3A_1408 = tpu.vector_load %arg9[%swap3A_1406, %swap3A_1407] {strides = array<i32>} : memref<128x128xf32, #tpu.memory_space<vmem>>, vector<1x16xf32>,
      %swap3A_1409 = vector.shape_cast %swap3A_1408 : vector<1x16xf32> to vector<16xf32>
      %swap3A_1410 = vector.shape_cast %broadcast_in_dim3A_1 : vector<16xf32> to vector<1x16xf32>
      tpu.vector_store %arg9[%swap3A_1406, %swap3A_1407], %swap3A_1410 {strides = array<i32>} : memref<128x128xf32, #tpu.memory_space<vmem>>, vector<1x16xf32>,
      %swap3A_1411 = arith.index_cast %add3A_1370 : i32 to index
      %swap3A_1412 = arith.constant 64 : index
      %swap3A_1413 = tpu.vector_load %arg8[%swap3A_1411, %swap3A_1412] {strides = array<i32>} : memref<128x128xf32, #tpu.memory_space<vmem>>, vector<1x16xf32>,
      %swap3A_1414 = vector.shape_cast %swap3A_1413 : vector<1x16xf32> to vector<16xf32>
      %swap3A_1415 = vector.shape_cast %broadcast_in_dim3A_1 : vector<16xf32> to vector<1x16xf32>
      tpu.vector_store %arg8[%swap3A_1411, %swap3A_1412], %swap3A_1415 {strides = array<i32>} : memref<128x128xf32, #tpu.memory_space<vmem>>, vector<1x16xf32>,
      %swap3A_1416 = arith.index_cast %add3A_1370 : i32 to index
      %swap3A_1417 = arith.constant 64 : index
      %swap3A_1418 = tpu.vector_load %arg9[%swap3A_1416, %swap3A_1417] {strides = array<i32>} : memref<128x128xf32, #tpu.memory_space<vmem>>, vector<1x16xf32>,
      %swap3A_1419 = vector.shape_cast %swap3A_1418 : vector<1x16xf32> to vector<16xf32>
      %swap3A_1420 = vector.shape_cast %broadcast_in_dim3A_1 : vector<16xf32> to vector<1x16xf32>
      tpu.vector_store %arg9[%swap3A_1416, %swap3A_1417], %swap3A_1420 {strides = array<i32>} : memref<128x128xf32, #tpu.memory_space<vmem>>, vector<1x16xf32>,
      %swap3A_1421 = arith.index_cast %add3A_1370 : i32 to index
      %swap3A_1422 = arith.constant 80 : index
      %swap3A_1423 = tpu.vector_load %arg8[%swap3A_1421, %swap3A_1422] {strides = array<i32>} : memref<128x128xf32, #tpu.memory_space<vmem>>, vector<1x16xf32>,
      %swap3A_1424 = vector.shape_cast %swap3A_1423 : vector<1x16xf32> to vector<16xf32>
      %swap3A_1425 = vector.shape_cast %broadcast_in_dim3A_1 : vector<16xf32> to vector<1x16xf32>
      tpu.vector_store %arg8[%swap3A_1421, %swap3A_1422], %swap3A_1425 {strides = array<i32>} : memref<128x128xf32, #tpu.memory_space<vmem>>, vector<1x16xf32>,
      %swap3A_1426 = arith.index_cast %add3A_1370 : i32 to index
      %swap3A_1427 = arith.constant 80 : index
      %swap3A_1428 = tpu.vector_load %arg9[%swap3A_1426, %swap3A_1427] {strides = array<i32>} : memref<128x128xf32, #tpu.memory_space<vmem>>, vector<1x16xf32>,
      %swap3A_1429 = vector.shape_cast %swap3A_1428 : vector<1x16xf32> to vector<16xf32>
      %swap3A_1430 = vector.shape_cast %broadcast_in_dim3A_1 : vector<16xf32> to vector<1x16xf32>
      tpu.vector_store %arg9[%swap3A_1426, %swap3A_1427], %swap3A_1430 {strides = array<i32>} : memref<128x128xf32, #tpu.memory_space<vmem>>, vector<1x16xf32>,
      %swap3A_1431 = arith.index_cast %add3A_1370 : i32 to index
      %swap3A_1432 = arith.constant 96 : index
      %swap3A_1433 = tpu.vector_load %arg8[%swap3A_1431, %swap3A_1432] {strides = array<i32>} : memref<128x128xf32, #tpu.memory_space<vmem>>, vector<1x16xf32>,
      %swap3A_1434 = vector.shape_cast %swap3A_1433 : vector<1x16xf32> to vector<16xf32>
      %swap3A_1435 = vector.shape_cast %broadcast_in_dim3A_1 : vector<16xf32> to vector<1x16xf32>
      tpu.vector_store %arg8[%swap3A_1431, %swap3A_1432], %swap3A_1435 {strides = array<i32>} : memref<128x128xf32, #tpu.memory_space<vmem>>, vector<1x16xf32>,
      %swap3A_1436 = arith.index_cast %add3A_1370 : i32 to index
      %swap3A_1437 = arith.constant 96 : index
      %swap3A_1438 = tpu.vector_load %arg9[%swap3A_1436, %swap3A_1437] {strides = array<i32>} : memref<128x128xf32, #tpu.memory_space<vmem>>, vector<1x16xf32>,
      %swap3A_1439 = vector.shape_cast %swap3A_1438 : vector<1x16xf32> to vector<16xf32>
      %swap3A_1440 = vector.shape_cast %broadcast_in_dim3A_1 : vector<16xf32> to vector<1x16xf32>
      tpu.vector_store %arg9[%swap3A_1436, %swap3A_1437], %swap3A_1440 {strides = array<i32>} : memref<128x128xf32, #tpu.memory_space<vmem>>, vector<1x16xf32>,
      %swap3A_1441 = arith.index_cast %add3A_1370 : i32 to index
      %swap3A_1442 = arith.constant 112 : index
      %swap3A_1443 = tpu.vector_load %arg8[%swap3A_1441, %swap3A_1442] {strides = array<i32>} : memref<128x128xf32, #tpu.memory_space<vmem>>, vector<1x16xf32>,
      %swap3A_1444 = vector.shape_cast %swap3A_1443 : vector<1x16xf32> to vector<16xf32>
      %swap3A_1445 = vector.shape_cast %broadcast_in_dim3A_1 : vector<16xf32> to vector<1x16xf32>
      tpu.vector_store %arg8[%swap3A_1441, %swap3A_1442], %swap3A_1445 {strides = array<i32>} : memref<128x128xf32, #tpu.memory_space<vmem>>, vector<1x16xf32>,
      %swap3A_1446 = arith.index_cast %add3A_1370 : i32 to index
      %swap3A_1447 = arith.constant 112 : index
      %swap3A_1448 = tpu.vector_load %arg9[%swap3A_1446, %swap3A_1447] {strides = array<i32>} : memref<128x128xf32, #tpu.memory_space<vmem>>, vector<1x16xf32>,
      %swap3A_1449 = vector.shape_cast %swap3A_1448 : vector<1x16xf32> to vector<16xf32>
      %swap3A_1450 = vector.shape_cast %broadcast_in_dim3A_1 : vector<16xf32> to vector<1x16xf32>
      tpu.vector_store %arg9[%swap3A_1446, %swap3A_1447], %swap3A_1450 {strides = array<i32>} : memref<128x128xf32, #tpu.memory_space<vmem>>, vector<1x16xf32>,
    }
    %scan3A_5 = arith.constant 128 : i32
    %mul3A_6 = arith.constant 640 : i32
    %mul3A_7 = arith.muli %arg1, %mul3A_6 : i32
    %add3A_8 = arith.constant 0 : i32
    %add3A_9 = arith.addi %mul3A_7, %add3A_8 : i32
    %iota3A = tpu.iota {dimensions = array<i32: 0>} : vector<16xi32>
    %add3A_10 = arith.constant 0 : i32
    %add3A_11 = arith.addi %add3A_9, %add3A_10 : i32
    %add3A_12 = vector.broadcast %add3A_11 : i32 to vector<16xi32>
    %add3A_13 = arith.addi %iota3A, %add3A_12 : vector<16xi32>
    %swap3A = arith.constant 0 : i32
    %swap3A_14 = arith.constant 0 : i32
    %swap3A_15 = arith.index_cast %swap3A : i32 to index
    %swap3A_16 = arith.index_cast %swap3A_14 : i32 to index
    %swap3A_17 = arith.constant 0 : index
    %swap3A_18 = tpu.vector_load %arg6[%swap3A_15, %swap3A_16, %swap3A_17] {strides = array<i32>} : memref<2x1x128xi32, #tpu.memory_space<vmem>>, vector<1x1x16xi32>,
    %swap3A_19 = vector.shape_cast %swap3A_18 : vector<1x1x16xi32> to vector<16xi32>
    %swap3A_20 = vector.shape_cast %add3A_13 : vector<16xi32> to vector<1x1x16xi32>
    tpu.vector_store %arg6[%swap3A_15, %swap3A_16, %swap3A_17], %swap3A_20 {strides = array<i32>} : memref<2x1x128xi32, #tpu.memory_space<vmem>>, vector<1x1x16xi32>,
    %iota3A_21 = tpu.iota {dimensions = array<i32: 0>} : vector<16xi32>
    %add3A_22 = arith.constant 16 : i32
    %add3A_23 = arith.addi %add3A_9, %add3A_22 : i32
    %add3A_24 = vector.broadcast %add3A_23 : i32 to vector<16xi32>
    %add3A_25 = arith.addi %iota3A_21, %add3A_24 : vector<16xi32>
    %swap3A_26 = arith.constant 0 : i32
    %swap3A_27 = arith.constant 0 : i32
    %swap3A_28 = arith.index_cast %swap3A_26 : i32 to index
    %swap3A_29 = arith.index_cast %swap3A_27 : i32 to index
    %swap3A_30 = arith.constant 16 : index
    %swap3A_31 = tpu.vector_load %arg6[%swap3A_28, %swap3A_29, %swap3A_30] {strides = array<i32>} : memref<2x1x128xi32, #tpu.memory_space<vmem>>, vector<1x1x16xi32>,
    %swap3A_32 = vector.shape_cast %swap3A_31 : vector<1x1x16xi32> to vector<16xi32>
    %swap3A_33 = vector.shape_cast %add3A_25 : vector<16xi32> to vector<1x1x16xi32>
    tpu.vector_store %arg6[%swap3A_28, %swap3A_29, %swap3A_30], %swap3A_33 {strides = array<i32>} : memref<2x1x128xi32, #tpu.memory_space<vmem>>, vector<1x1x16xi32>,
    %iota3A_34 = tpu.iota {dimensions = array<i32: 0>} : vector<16xi32>
    %add3A_35 = arith.constant 32 : i32
    %add3A_36 = arith.addi %add3A_9, %add3A_35 : i32
    %add3A_37 = vector.broadcast %add3A_36 : i32 to vector<16xi32>
    %add3A_38 = arith.addi %iota3A_34, %add3A_37 : vector<16xi32>
    %swap3A_39 = arith.constant 0 : i32
    %swap3A_40 = arith.constant 0 : i32
    %swap3A_41 = arith.index_cast %swap3A_39 : i32 to index
    %swap3A_42 = arith.index_cast %swap3A_40 : i32 to index
    %swap3A_43 = arith.constant 32 : index
    %swap3A_44 = tpu.vector_load %arg6[%swap3A_41, %swap3A_42, %swap3A_43] {strides = array<i32>} : memref<2x1x128xi32, #tpu.memory_space<vmem>>, vector<1x1x16xi32>,
    %swap3A_45 = vector.shape_cast %swap3A_44 : vector<1x1x16xi32> to vector<16xi32>
    %swap3A_46 = vector.shape_cast %add3A_38 : vector<16xi32> to vector<1x1x16xi32>
    tpu.vector_store %arg6[%swap3A_41, %swap3A_42, %swap3A_43], %swap3A_46 {strides = array<i32>} : memref<2x1x128xi32, #tpu.memory_space<vmem>>, vector<1x1x16xi32>,
    %iota3A_47 = tpu.iota {dimensions = array<i32: 0>} : vector<16xi32>
    %add3A_48 = arith.constant 48 : i32
    %add3A_49 = arith.addi %add3A_9, %add3A_48 : i32
    %add3A_50 = vector.broadcast %add3A_49 : i32 to vector<16xi32>
    %add3A_51 = arith.addi %iota3A_47, %add3A_50 : vector<16xi32>
    %swap3A_52 = arith.constant 0 : i32
    %swap3A_53 = arith.constant 0 : i32
    %swap3A_54 = arith.index_cast %swap3A_52 : i32 to index
    %swap3A_55 = arith.index_cast %swap3A_53 : i32 to index
    %swap3A_56 = arith.constant 48 : index
    %swap3A_57 = tpu.vector_load %arg6[%swap3A_54, %swap3A_55, %swap3A_56] {strides = array<i32>} : memref<2x1x128xi32, #tpu.memory_space<vmem>>, vector<1x1x16xi32>,
    %swap3A_58 = vector.shape_cast %swap3A_57 : vector<1x1x16xi32> to vector<16xi32>
    %swap3A_59 = vector.shape_cast %add3A_51 : vector<16xi32> to vector<1x1x16xi32>
    tpu.vector_store %arg6[%swap3A_54, %swap3A_55, %swap3A_56], %swap3A_59 {strides = array<i32>} : memref<2x1x128xi32, #tpu.memory_space<vmem>>, vector<1x1x16xi32>,
    %iota3A_60 = tpu.iota {dimensions = array<i32: 0>} : vector<16xi32>
    %add3A_61 = arith.constant 64 : i32
    %add3A_62 = arith.addi %add3A_9, %add3A_61 : i32
    %add3A_63 = vector.broadcast %add3A_62 : i32 to vector<16xi32>
    %add3A_64 = arith.addi %iota3A_60, %add3A_63 : vector<16xi32>
    %swap3A_65 = arith.constant 0 : i32
    %swap3A_66 = arith.constant 0 : i32
    %swap3A_67 = arith.index_cast %swap3A_65 : i32 to index
    %swap3A_68 = arith.index_cast %swap3A_66 : i32 to index
    %swap3A_69 = arith.constant 64 : index
    %swap3A_70 = tpu.vector_load %arg6[%swap3A_67, %swap3A_68, %swap3A_69] {strides = array<i32>} : memref<2x1x128xi32, #tpu.memory_space<vmem>>, vector<1x1x16xi32>,
    %swap3A_71 = vector.shape_cast %swap3A_70 : vector<1x1x16xi32> to vector<16xi32>
    %swap3A_72 = vector.shape_cast %add3A_64 : vector<16xi32> to vector<1x1x16xi32>
    tpu.vector_store %arg6[%swap3A_67, %swap3A_68, %swap3A_69], %swap3A_72 {strides = array<i32>} : memref<2x1x128xi32, #tpu.memory_space<vmem>>, vector<1x1x16xi32>,
    %iota3A_73 = tpu.iota {dimensions = array<i32: 0>} : vector<16xi32>
    %add3A_74 = arith.constant 80 : i32
    %add3A_75 = arith.addi %add3A_9, %add3A_74 : i32
    %add3A_76 = vector.broadcast %add3A_75 : i32 to vector<16xi32>
    %add3A_77 = arith.addi %iota3A_73, %add3A_76 : vector<16xi32>
    %swap3A_78 = arith.constant 0 : i32
    %swap3A_79 = arith.constant 0 : i32
    %swap3A_80 = arith.index_cast %swap3A_78 : i32 to index
    %swap3A_81 = arith.index_cast %swap3A_79 : i32 to index
    %swap3A_82 = arith.constant 80 : index
    %swap3A_83 = tpu.vector_load %arg6[%swap3A_80, %swap3A_81, %swap3A_82] {strides = array<i32>} : memref<2x1x128xi32, #tpu.memory_space<vmem>>, vector<1x1x16xi32>,
    %swap3A_84 = vector.shape_cast %swap3A_83 : vector<1x1x16xi32> to vector<16xi32>
    %swap3A_85 = vector.shape_cast %add3A_77 : vector<16xi32> to vector<1x1x16xi32>
    tpu.vector_store %arg6[%swap3A_80, %swap3A_81, %swap3A_82], %swap3A_85 {strides = array<i32>} : memref<2x1x128xi32, #tpu.memory_space<vmem>>, vector<1x1x16xi32>,
    %iota3A_86 = tpu.iota {dimensions = array<i32: 0>} : vector<16xi32>
    %add3A_87 = arith.constant 96 : i32
    %add3A_88 = arith.addi %add3A_9, %add3A_87 : i32
    %add3A_89 = vector.broadcast %add3A_88 : i32 to vector<16xi32>
    %add3A_90 = arith.addi %iota3A_86, %add3A_89 : vector<16xi32>
    %swap3A_91 = arith.constant 0 : i32
    %swap3A_92 = arith.constant 0 : i32
    %swap3A_93 = arith.index_cast %swap3A_91 : i32 to index
    %swap3A_94 = arith.index_cast %swap3A_92 : i32 to index
    %swap3A_95 = arith.constant 96 : index
    %swap3A_96 = tpu.vector_load %arg6[%swap3A_93, %swap3A_94, %swap3A_95] {strides = array<i32>} : memref<2x1x128xi32, #tpu.memory_space<vmem>>, vector<1x1x16xi32>,
    %swap3A_97 = vector.shape_cast %swap3A_96 : vector<1x1x16xi32> to vector<16xi32>
    %swap3A_98 = vector.shape_cast %add3A_90 : vector<16xi32> to vector<1x1x16xi32>
    tpu.vector_store %arg6[%swap3A_93, %swap3A_94, %swap3A_95], %swap3A_98 {strides = array<i32>} : memref<2x1x128xi32, #tpu.memory_space<vmem>>, vector<1x1x16xi32>,
    %iota3A_99 = tpu.iota {dimensions = array<i32: 0>} : vector<16xi32>
    %add3A_100 = arith.constant 112 : i32
    %add3A_101 = arith.addi %add3A_9, %add3A_100 : i32
    %add3A_102 = vector.broadcast %add3A_101 : i32 to vector<16xi32>
    %add3A_103 = arith.addi %iota3A_99, %add3A_102 : vector<16xi32>
    %swap3A_104 = arith.constant 0 : i32
    %swap3A_105 = arith.constant 0 : i32
    %swap3A_106 = arith.index_cast %swap3A_104 : i32 to index
    %swap3A_107 = arith.index_cast %swap3A_105 : i32 to index
    %swap3A_108 = arith.constant 112 : index
    %swap3A_109 = tpu.vector_load %arg6[%swap3A_106, %swap3A_107, %swap3A_108] {strides = array<i32>} : memref<2x1x128xi32, #tpu.memory_space<vmem>>, vector<1x1x16xi32>,
    %swap3A_110 = vector.shape_cast %swap3A_109 : vector<1x1x16xi32> to vector<16xi32>
    %swap3A_111 = vector.shape_cast %add3A_103 : vector<16xi32> to vector<1x1x16xi32>
    tpu.vector_store %arg6[%swap3A_106, %swap3A_107, %swap3A_108], %swap3A_111 {strides = array<i32>} : memref<2x1x128xi32, #tpu.memory_space<vmem>>, vector<1x1x16xi32>,
    %run_scoped3A = arith.constant 0 : i32
    %run_scoped3A_112 = arith.constant 0 : i32
    "tpu.region"() ({
      %run_scoped3A_1366 = tpu.sem_alloc : memref<!tpu.dma_semaphore, #tpu.memory_space<semaphore_mem>>
      %dma_start3A_1367 = arith.constant 0 : i32
      %dma_start3A_1368 = tpu.memref_slice %arg6[%run_scoped3A, %run_scoped3A_112, %dma_start3A_1367] : memref<2x1x128xi32, #tpu.memory_space<vmem>> -> memref<1x1x128xi32, #tpu.memory_space<vmem>>
      %dma_start3A_1369 = tpu.memref_squeeze %dma_start3A_1368 : memref<1x1x128xi32, #tpu.memory_space<vmem>> -> memref<128xi32, #tpu.memory_space<vmem>>
      %dma_start3A_1370 = arith.constant 0 : i32
      %dma_start3A_1371 = arith.constant 0 : i32
      %dma_start3A_1372 = tpu.memref_slice %arg5[%dma_start3A_1370, %dma_start3A_1371] : memref<10240x128xf32, #tpu.memory_space<vmem_shared>> -> memref<10240x128xf32, #tpu.memory_space<vmem_shared>>
      tpu.enqueue_indirect_dma source(%arg8 : memref<128x128xf32, #tpu.memory_space<vmem>>) target(%dma_start3A_1372 : memref<10240x128xf32, #tpu.memory_space<vmem_shared>>) offsets(%dma_start3A_1369 : memref<128xi32, #tpu.memory_space<vmem>>) semaphore(%run_scoped3A_1366 : memref<!tpu.dma_semaphore, #tpu.memory_space<semaphore_mem>>)
      %dma_wait3A_1373 = arith.constant 0 : i32
      %dma_wait3A_1374 = tpu.memref_slice %arg6[%run_scoped3A, %run_scoped3A_112, %dma_wait3A_1373] : memref<2x1x128xi32, #tpu.memory_space<vmem>> -> memref<1x1x128xi32, #tpu.memory_space<vmem>>
      %dma_wait3A_1375 = tpu.memref_squeeze %dma_wait3A_1374 : memref<1x1x128xi32, #tpu.memory_space<vmem>> -> memref<128xi32, #tpu.memory_space<vmem>>
      %dma_wait3A_1376 = arith.constant 0 : i32
      %dma_wait3A_1377 = arith.constant 0 : i32
      %dma_wait3A_1378 = tpu.memref_slice %arg5[%dma_wait3A_1376, %dma_wait3A_1377] : memref<10240x128xf32, #tpu.memory_space<vmem_shared>> -> memref<10240x128xf32, #tpu.memory_space<vmem_shared>>
      tpu.wait_indirect_dma semaphore(%run_scoped3A_1366 : memref<!tpu.dma_semaphore, #tpu.memory_space<semaphore_mem>>) src(%arg8 : memref<128x128xf32, #tpu.memory_space<vmem>>) dst(%dma_wait3A_1378 : memref<10240x128xf32, #tpu.memory_space<vmem_shared>>)
      tpu.yield
    }) : () -> ()
    %mul3A_113 = arith.constant 640 : i32
    %mul3A_114 = arith.muli %arg1, %mul3A_113 : i32
    %add3A_115 = arith.constant 128 : i32
    %add3A_116 = arith.addi %mul3A_114, %add3A_115 : i32
    %iota3A_117 = tpu.iota {dimensions = array<i32: 0>} : vector<16xi32>
    %add3A_118 = arith.constant 0 : i32
    %add3A_119 = arith.addi %add3A_116, %add3A_118 : i32
    %add3A_120 = vector.broadcast %add3A_119 : i32 to vector<16xi32>
    %add3A_121 = arith.addi %iota3A_117, %add3A_120 : vector<16xi32>
    %swap3A_122 = arith.constant 0 : i32
    %swap3A_123 = arith.constant 0 : i32
    %swap3A_124 = arith.index_cast %swap3A_122 : i32 to index
    %swap3A_125 = arith.index_cast %swap3A_123 : i32 to index
    %swap3A_126 = arith.constant 0 : index
    %swap3A_127 = tpu.vector_load %arg6[%swap3A_124, %swap3A_125, %swap3A_126] {strides = array<i32>} : memref<2x1x128xi32, #tpu.memory_space<vmem>>, vector<1x1x16xi32>,
    %swap3A_128 = vector.shape_cast %swap3A_127 : vector<1x1x16xi32> to vector<16xi32>
    %swap3A_129 = vector.shape_cast %add3A_121 : vector<16xi32> to vector<1x1x16xi32>
    tpu.vector_store %arg6[%swap3A_124, %swap3A_125, %swap3A_126], %swap3A_129 {strides = array<i32>} : memref<2x1x128xi32, #tpu.memory_space<vmem>>, vector<1x1x16xi32>,
    %iota3A_130 = tpu.iota {dimensions = array<i32: 0>} : vector<16xi32>
    %add3A_131 = arith.constant 16 : i32
    %add3A_132 = arith.addi %add3A_116, %add3A_131 : i32
    %add3A_133 = vector.broadcast %add3A_132 : i32 to vector<16xi32>
    %add3A_134 = arith.addi %iota3A_130, %add3A_133 : vector<16xi32>
    %swap3A_135 = arith.constant 0 : i32
    %swap3A_136 = arith.constant 0 : i32
    %swap3A_137 = arith.index_cast %swap3A_135 : i32 to index
    %swap3A_138 = arith.index_cast %swap3A_136 : i32 to index
    %swap3A_139 = arith.constant 16 : index
    %swap3A_140 = tpu.vector_load %arg6[%swap3A_137, %swap3A_138, %swap3A_139] {strides = array<i32>} : memref<2x1x128xi32, #tpu.memory_space<vmem>>, vector<1x1x16xi32>,
    %swap3A_141 = vector.shape_cast %swap3A_140 : vector<1x1x16xi32> to vector<16xi32>
    %swap3A_142 = vector.shape_cast %add3A_134 : vector<16xi32> to vector<1x1x16xi32>
    tpu.vector_store %arg6[%swap3A_137, %swap3A_138, %swap3A_139], %swap3A_142 {strides = array<i32>} : memref<2x1x128xi32, #tpu.memory_space<vmem>>, vector<1x1x16xi32>,
    %iota3A_143 = tpu.iota {dimensions = array<i32: 0>} : vector<16xi32>
    %add3A_144 = arith.constant 32 : i32
    %add3A_145 = arith.addi %add3A_116, %add3A_144 : i32
    %add3A_146 = vector.broadcast %add3A_145 : i32 to vector<16xi32>
    %add3A_147 = arith.addi %iota3A_143, %add3A_146 : vector<16xi32>
    %swap3A_148 = arith.constant 0 : i32
    %swap3A_149 = arith.constant 0 : i32
    %swap3A_150 = arith.index_cast %swap3A_148 : i32 to index
    %swap3A_151 = arith.index_cast %swap3A_149 : i32 to index
    %swap3A_152 = arith.constant 32 : index
    %swap3A_153 = tpu.vector_load %arg6[%swap3A_150, %swap3A_151, %swap3A_152] {strides = array<i32>} : memref<2x1x128xi32, #tpu.memory_space<vmem>>, vector<1x1x16xi32>,
    %swap3A_154 = vector.shape_cast %swap3A_153 : vector<1x1x16xi32> to vector<16xi32>
    %swap3A_155 = vector.shape_cast %add3A_147 : vector<16xi32> to vector<1x1x16xi32>
    tpu.vector_store %arg6[%swap3A_150, %swap3A_151, %swap3A_152], %swap3A_155 {strides = array<i32>} : memref<2x1x128xi32, #tpu.memory_space<vmem>>, vector<1x1x16xi32>,
    %iota3A_156 = tpu.iota {dimensions = array<i32: 0>} : vector<16xi32>
    %add3A_157 = arith.constant 48 : i32
    %add3A_158 = arith.addi %add3A_116, %add3A_157 : i32
    %add3A_159 = vector.broadcast %add3A_158 : i32 to vector<16xi32>
    %add3A_160 = arith.addi %iota3A_156, %add3A_159 : vector<16xi32>
    %swap3A_161 = arith.constant 0 : i32
    %swap3A_162 = arith.constant 0 : i32
    %swap3A_163 = arith.index_cast %swap3A_161 : i32 to index
    %swap3A_164 = arith.index_cast %swap3A_162 : i32 to index
    %swap3A_165 = arith.constant 48 : index
    %swap3A_166 = tpu.vector_load %arg6[%swap3A_163, %swap3A_164, %swap3A_165] {strides = array<i32>} : memref<2x1x128xi32, #tpu.memory_space<vmem>>, vector<1x1x16xi32>,
    %swap3A_167 = vector.shape_cast %swap3A_166 : vector<1x1x16xi32> to vector<16xi32>
    %swap3A_168 = vector.shape_cast %add3A_160 : vector<16xi32> to vector<1x1x16xi32>
    tpu.vector_store %arg6[%swap3A_163, %swap3A_164, %swap3A_165], %swap3A_168 {strides = array<i32>} : memref<2x1x128xi32, #tpu.memory_space<vmem>>, vector<1x1x16xi32>,
    %iota3A_169 = tpu.iota {dimensions = array<i32: 0>} : vector<16xi32>
    %add3A_170 = arith.constant 64 : i32
    %add3A_171 = arith.addi %add3A_116, %add3A_170 : i32
    %add3A_172 = vector.broadcast %add3A_171 : i32 to vector<16xi32>
    %add3A_173 = arith.addi %iota3A_169, %add3A_172 : vector<16xi32>
    %swap3A_174 = arith.constant 0 : i32
    %swap3A_175 = arith.constant 0 : i32
    %swap3A_176 = arith.index_cast %swap3A_174 : i32 to index
    %swap3A_177 = arith.index_cast %swap3A_175 : i32 to index
    %swap3A_178 = arith.constant 64 : index
    %swap3A_179 = tpu.vector_load %arg6[%swap3A_176, %swap3A_177, %swap3A_178] {strides = array<i32>} : memref<2x1x128xi32, #tpu.memory_space<vmem>>, vector<1x1x16xi32>,
    %swap3A_180 = vector.shape_cast %swap3A_179 : vector<1x1x16xi32> to vector<16xi32>
    %swap3A_181 = vector.shape_cast %add3A_173 : vector<16xi32> to vector<1x1x16xi32>
    tpu.vector_store %arg6[%swap3A_176, %swap3A_177, %swap3A_178], %swap3A_181 {strides = array<i32>} : memref<2x1x128xi32, #tpu.memory_space<vmem>>, vector<1x1x16xi32>,
    %iota3A_182 = tpu.iota {dimensions = array<i32: 0>} : vector<16xi32>
    %add3A_183 = arith.constant 80 : i32
    %add3A_184 = arith.addi %add3A_116, %add3A_183 : i32
    %add3A_185 = vector.broadcast %add3A_184 : i32 to vector<16xi32>
    %add3A_186 = arith.addi %iota3A_182, %add3A_185 : vector<16xi32>
    %swap3A_187 = arith.constant 0 : i32
    %swap3A_188 = arith.constant 0 : i32
    %swap3A_189 = arith.index_cast %swap3A_187 : i32 to index
    %swap3A_190 = arith.index_cast %swap3A_188 : i32 to index
    %swap3A_191 = arith.constant 80 : index
    %swap3A_192 = tpu.vector_load %arg6[%swap3A_189, %swap3A_190, %swap3A_191] {strides = array<i32>} : memref<2x1x128xi32, #tpu.memory_space<vmem>>, vector<1x1x16xi32>,
    %swap3A_193 = vector.shape_cast %swap3A_192 : vector<1x1x16xi32> to vector<16xi32>
    %swap3A_194 = vector.shape_cast %add3A_186 : vector<16xi32> to vector<1x1x16xi32>
    tpu.vector_store %arg6[%swap3A_189, %swap3A_190, %swap3A_191], %swap3A_194 {strides = array<i32>} : memref<2x1x128xi32, #tpu.memory_space<vmem>>, vector<1x1x16xi32>,
    %iota3A_195 = tpu.iota {dimensions = array<i32: 0>} : vector<16xi32>
    %add3A_196 = arith.constant 96 : i32
    %add3A_197 = arith.addi %add3A_116, %add3A_196 : i32
    %add3A_198 = vector.broadcast %add3A_197 : i32 to vector<16xi32>
    %add3A_199 = arith.addi %iota3A_195, %add3A_198 : vector<16xi32>
    %swap3A_200 = arith.constant 0 : i32
    %swap3A_201 = arith.constant 0 : i32
    %swap3A_202 = arith.index_cast %swap3A_200 : i32 to index
    %swap3A_203 = arith.index_cast %swap3A_201 : i32 to index
    %swap3A_204 = arith.constant 96 : index
    %swap3A_205 = tpu.vector_load %arg6[%swap3A_202, %swap3A_203, %swap3A_204] {strides = array<i32>} : memref<2x1x128xi32, #tpu.memory_space<vmem>>, vector<1x1x16xi32>,
    %swap3A_206 = vector.shape_cast %swap3A_205 : vector<1x1x16xi32> to vector<16xi32>
    %swap3A_207 = vector.shape_cast %add3A_199 : vector<16xi32> to vector<1x1x16xi32>
    tpu.vector_store %arg6[%swap3A_202, %swap3A_203, %swap3A_204], %swap3A_207 {strides = array<i32>} : memref<2x1x128xi32, #tpu.memory_space<vmem>>, vector<1x1x16xi32>,
    %iota3A_208 = tpu.iota {dimensions = array<i32: 0>} : vector<16xi32>
    %add3A_209 = arith.constant 112 : i32
    %add3A_210 = arith.addi %add3A_116, %add3A_209 : i32
    %add3A_211 = vector.broadcast %add3A_210 : i32 to vector<16xi32>
    %add3A_212 = arith.addi %iota3A_208, %add3A_211 : vector<16xi32>
    %swap3A_213 = arith.constant 0 : i32
    %swap3A_214 = arith.constant 0 : i32
    %swap3A_215 = arith.index_cast %swap3A_213 : i32 to index
    %swap3A_216 = arith.index_cast %swap3A_214 : i32 to index
    %swap3A_217 = arith.constant 112 : index
    %swap3A_218 = tpu.vector_load %arg6[%swap3A_215, %swap3A_216, %swap3A_217] {strides = array<i32>} : memref<2x1x128xi32, #tpu.memory_space<vmem>>, vector<1x1x16xi32>,
    %swap3A_219 = vector.shape_cast %swap3A_218 : vector<1x1x16xi32> to vector<16xi32>
    %swap3A_220 = vector.shape_cast %add3A_212 : vector<16xi32> to vector<1x1x16xi32>
    tpu.vector_store %arg6[%swap3A_215, %swap3A_216, %swap3A_217], %swap3A_220 {strides = array<i32>} : memref<2x1x128xi32, #tpu.memory_space<vmem>>, vector<1x1x16xi32>,
    %run_scoped3A_221 = arith.constant 0 : i32
    %run_scoped3A_222 = arith.constant 0 : i32
    "tpu.region"() ({
      %run_scoped3A_1366 = tpu.sem_alloc : memref<!tpu.dma_semaphore, #tpu.memory_space<semaphore_mem>>
      %dma_start3A_1367 = arith.constant 0 : i32
      %dma_start3A_1368 = tpu.memref_slice %arg6[%run_scoped3A_221, %run_scoped3A_222, %dma_start3A_1367] : memref<2x1x128xi32, #tpu.memory_space<vmem>> -> memref<1x1x128xi32, #tpu.memory_space<vmem>>
      %dma_start3A_1369 = tpu.memref_squeeze %dma_start3A_1368 : memref<1x1x128xi32, #tpu.memory_space<vmem>> -> memref<128xi32, #tpu.memory_space<vmem>>
      %dma_start3A_1370 = arith.constant 0 : i32
      %dma_start3A_1371 = arith.constant 0 : i32
      %dma_start3A_1372 = tpu.memref_slice %arg5[%dma_start3A_1370, %dma_start3A_1371] : memref<10240x128xf32, #tpu.memory_space<vmem_shared>> -> memref<10240x128xf32, #tpu.memory_space<vmem_shared>>
      tpu.enqueue_indirect_dma source(%arg8 : memref<128x128xf32, #tpu.memory_space<vmem>>) target(%dma_start3A_1372 : memref<10240x128xf32, #tpu.memory_space<vmem_shared>>) offsets(%dma_start3A_1369 : memref<128xi32, #tpu.memory_space<vmem>>) semaphore(%run_scoped3A_1366 : memref<!tpu.dma_semaphore, #tpu.memory_space<semaphore_mem>>)
      %dma_wait3A_1373 = arith.constant 0 : i32
      %dma_wait3A_1374 = tpu.memref_slice %arg6[%run_scoped3A_221, %run_scoped3A_222, %dma_wait3A_1373] : memref<2x1x128xi32, #tpu.memory_space<vmem>> -> memref<1x1x128xi32, #tpu.memory_space<vmem>>
      %dma_wait3A_1375 = tpu.memref_squeeze %dma_wait3A_1374 : memref<1x1x128xi32, #tpu.memory_space<vmem>> -> memref<128xi32, #tpu.memory_space<vmem>>
      %dma_wait3A_1376 = arith.constant 0 : i32
      %dma_wait3A_1377 = arith.constant 0 : i32
      %dma_wait3A_1378 = tpu.memref_slice %arg5[%dma_wait3A_1376, %dma_wait3A_1377] : memref<10240x128xf32, #tpu.memory_space<vmem_shared>> -> memref<10240x128xf32, #tpu.memory_space<vmem_shared>>
      tpu.wait_indirect_dma semaphore(%run_scoped3A_1366 : memref<!tpu.dma_semaphore, #tpu.memory_space<semaphore_mem>>) src(%arg8 : memref<128x128xf32, #tpu.memory_space<vmem>>) dst(%dma_wait3A_1378 : memref<10240x128xf32, #tpu.memory_space<vmem_shared>>)
      tpu.yield
    }) : () -> ()
    %mul3A_223 = arith.constant 640 : i32
    %mul3A_224 = arith.muli %arg1, %mul3A_223 : i32
    %add3A_225 = arith.constant 256 : i32
    %add3A_226 = arith.addi %mul3A_224, %add3A_225 : i32
    %iota3A_227 = tpu.iota {dimensions = array<i32: 0>} : vector<16xi32>
    %add3A_228 = arith.constant 0 : i32
    %add3A_229 = arith.addi %add3A_226, %add3A_228 : i32
    %add3A_230 = vector.broadcast %add3A_229 : i32 to vector<16xi32>
    %add3A_231 = arith.addi %iota3A_227, %add3A_230 : vector<16xi32>
    %swap3A_232 = arith.constant 0 : i32
    %swap3A_233 = arith.constant 0 : i32
    %swap3A_234 = arith.index_cast %swap3A_232 : i32 to index
    %swap3A_235 = arith.index_cast %swap3A_233 : i32 to index
    %swap3A_236 = arith.constant 0 : index
    %swap3A_237 = tpu.vector_load %arg6[%swap3A_234, %swap3A_235, %swap3A_236] {strides = array<i32>} : memref<2x1x128xi32, #tpu.memory_space<vmem>>, vector<1x1x16xi32>,
    %swap3A_238 = vector.shape_cast %swap3A_237 : vector<1x1x16xi32> to vector<16xi32>
    %swap3A_239 = vector.shape_cast %add3A_231 : vector<16xi32> to vector<1x1x16xi32>
    tpu.vector_store %arg6[%swap3A_234, %swap3A_235, %swap3A_236], %swap3A_239 {strides = array<i32>} : memref<2x1x128xi32, #tpu.memory_space<vmem>>, vector<1x1x16xi32>,
    %iota3A_240 = tpu.iota {dimensions = array<i32: 0>} : vector<16xi32>
    %add3A_241 = arith.constant 16 : i32
    %add3A_242 = arith.addi %add3A_226, %add3A_241 : i32
    %add3A_243 = vector.broadcast %add3A_242 : i32 to vector<16xi32>
    %add3A_244 = arith.addi %iota3A_240, %add3A_243 : vector<16xi32>
    %swap3A_245 = arith.constant 0 : i32
    %swap3A_246 = arith.constant 0 : i32
    %swap3A_247 = arith.index_cast %swap3A_245 : i32 to index
    %swap3A_248 = arith.index_cast %swap3A_246 : i32 to index
    %swap3A_249 = arith.constant 16 : index
    %swap3A_250 = tpu.vector_load %arg6[%swap3A_247, %swap3A_248, %swap3A_249] {strides = array<i32>} : memref<2x1x128xi32, #tpu.memory_space<vmem>>, vector<1x1x16xi32>,
    %swap3A_251 = vector.shape_cast %swap3A_250 : vector<1x1x16xi32> to vector<16xi32>
    %swap3A_252 = vector.shape_cast %add3A_244 : vector<16xi32> to vector<1x1x16xi32>
    tpu.vector_store %arg6[%swap3A_247, %swap3A_248, %swap3A_249], %swap3A_252 {strides = array<i32>} : memref<2x1x128xi32, #tpu.memory_space<vmem>>, vector<1x1x16xi32>,
    %iota3A_253 = tpu.iota {dimensions = array<i32: 0>} : vector<16xi32>
    %add3A_254 = arith.constant 32 : i32
    %add3A_255 = arith.addi %add3A_226, %add3A_254 : i32
    %add3A_256 = vector.broadcast %add3A_255 : i32 to vector<16xi32>
    %add3A_257 = arith.addi %iota3A_253, %add3A_256 : vector<16xi32>
    %swap3A_258 = arith.constant 0 : i32
    %swap3A_259 = arith.constant 0 : i32
    %swap3A_260 = arith.index_cast %swap3A_258 : i32 to index
    %swap3A_261 = arith.index_cast %swap3A_259 : i32 to index
    %swap3A_262 = arith.constant 32 : index
    %swap3A_263 = tpu.vector_load %arg6[%swap3A_260, %swap3A_261, %swap3A_262] {strides = array<i32>} : memref<2x1x128xi32, #tpu.memory_space<vmem>>, vector<1x1x16xi32>,
    %swap3A_264 = vector.shape_cast %swap3A_263 : vector<1x1x16xi32> to vector<16xi32>
    %swap3A_265 = vector.shape_cast %add3A_257 : vector<16xi32> to vector<1x1x16xi32>
    tpu.vector_store %arg6[%swap3A_260, %swap3A_261, %swap3A_262], %swap3A_265 {strides = array<i32>} : memref<2x1x128xi32, #tpu.memory_space<vmem>>, vector<1x1x16xi32>,
    %iota3A_266 = tpu.iota {dimensions = array<i32: 0>} : vector<16xi32>
    %add3A_267 = arith.constant 48 : i32
    %add3A_268 = arith.addi %add3A_226, %add3A_267 : i32
    %add3A_269 = vector.broadcast %add3A_268 : i32 to vector<16xi32>
    %add3A_270 = arith.addi %iota3A_266, %add3A_269 : vector<16xi32>
    %swap3A_271 = arith.constant 0 : i32
    %swap3A_272 = arith.constant 0 : i32
    %swap3A_273 = arith.index_cast %swap3A_271 : i32 to index
    %swap3A_274 = arith.index_cast %swap3A_272 : i32 to index
    %swap3A_275 = arith.constant 48 : index
    %swap3A_276 = tpu.vector_load %arg6[%swap3A_273, %swap3A_274, %swap3A_275] {strides = array<i32>} : memref<2x1x128xi32, #tpu.memory_space<vmem>>, vector<1x1x16xi32>,
    %swap3A_277 = vector.shape_cast %swap3A_276 : vector<1x1x16xi32> to vector<16xi32>
    %swap3A_278 = vector.shape_cast %add3A_270 : vector<16xi32> to vector<1x1x16xi32>
    tpu.vector_store %arg6[%swap3A_273, %swap3A_274, %swap3A_275], %swap3A_278 {strides = array<i32>} : memref<2x1x128xi32, #tpu.memory_space<vmem>>, vector<1x1x16xi32>,
    %iota3A_279 = tpu.iota {dimensions = array<i32: 0>} : vector<16xi32>
    %add3A_280 = arith.constant 64 : i32
    %add3A_281 = arith.addi %add3A_226, %add3A_280 : i32
    %add3A_282 = vector.broadcast %add3A_281 : i32 to vector<16xi32>
    %add3A_283 = arith.addi %iota3A_279, %add3A_282 : vector<16xi32>
    %swap3A_284 = arith.constant 0 : i32
    %swap3A_285 = arith.constant 0 : i32
    %swap3A_286 = arith.index_cast %swap3A_284 : i32 to index
    %swap3A_287 = arith.index_cast %swap3A_285 : i32 to index
    %swap3A_288 = arith.constant 64 : index
    %swap3A_289 = tpu.vector_load %arg6[%swap3A_286, %swap3A_287, %swap3A_288] {strides = array<i32>} : memref<2x1x128xi32, #tpu.memory_space<vmem>>, vector<1x1x16xi32>,
    %swap3A_290 = vector.shape_cast %swap3A_289 : vector<1x1x16xi32> to vector<16xi32>
    %swap3A_291 = vector.shape_cast %add3A_283 : vector<16xi32> to vector<1x1x16xi32>
    tpu.vector_store %arg6[%swap3A_286, %swap3A_287, %swap3A_288], %swap3A_291 {strides = array<i32>} : memref<2x1x128xi32, #tpu.memory_space<vmem>>, vector<1x1x16xi32>,
    %iota3A_292 = tpu.iota {dimensions = array<i32: 0>} : vector<16xi32>
    %add3A_293 = arith.constant 80 : i32
    %add3A_294 = arith.addi %add3A_226, %add3A_293 : i32
    %add3A_295 = vector.broadcast %add3A_294 : i32 to vector<16xi32>
    %add3A_296 = arith.addi %iota3A_292, %add3A_295 : vector<16xi32>
    %swap3A_297 = arith.constant 0 : i32
    %swap3A_298 = arith.constant 0 : i32
    %swap3A_299 = arith.index_cast %swap3A_297 : i32 to index
    %swap3A_300 = arith.index_cast %swap3A_298 : i32 to index
    %swap3A_301 = arith.constant 80 : index
    %swap3A_302 = tpu.vector_load %arg6[%swap3A_299, %swap3A_300, %swap3A_301] {strides = array<i32>} : memref<2x1x128xi32, #tpu.memory_space<vmem>>, vector<1x1x16xi32>,
    %swap3A_303 = vector.shape_cast %swap3A_302 : vector<1x1x16xi32> to vector<16xi32>
    %swap3A_304 = vector.shape_cast %add3A_296 : vector<16xi32> to vector<1x1x16xi32>
    tpu.vector_store %arg6[%swap3A_299, %swap3A_300, %swap3A_301], %swap3A_304 {strides = array<i32>} : memref<2x1x128xi32, #tpu.memory_space<vmem>>, vector<1x1x16xi32>,
    %iota3A_305 = tpu.iota {dimensions = array<i32: 0>} : vector<16xi32>
    %add3A_306 = arith.constant 96 : i32
    %add3A_307 = arith.addi %add3A_226, %add3A_306 : i32
    %add3A_308 = vector.broadcast %add3A_307 : i32 to vector<16xi32>
    %add3A_309 = arith.addi %iota3A_305, %add3A_308 : vector<16xi32>
    %swap3A_310 = arith.constant 0 : i32
    %swap3A_311 = arith.constant 0 : i32
    %swap3A_312 = arith.index_cast %swap3A_310 : i32 to index
    %swap3A_313 = arith.index_cast %swap3A_311 : i32 to index
    %swap3A_314 = arith.constant 96 : index
    %swap3A_315 = tpu.vector_load %arg6[%swap3A_312, %swap3A_313, %swap3A_314] {strides = array<i32>} : memref<2x1x128xi32, #tpu.memory_space<vmem>>, vector<1x1x16xi32>,
    %swap3A_316 = vector.shape_cast %swap3A_315 : vector<1x1x16xi32> to vector<16xi32>
    %swap3A_317 = vector.shape_cast %add3A_309 : vector<16xi32> to vector<1x1x16xi32>
    tpu.vector_store %arg6[%swap3A_312, %swap3A_313, %swap3A_314], %swap3A_317 {strides = array<i32>} : memref<2x1x128xi32, #tpu.memory_space<vmem>>, vector<1x1x16xi32>,
    %iota3A_318 = tpu.iota {dimensions = array<i32: 0>} : vector<16xi32>
    %add3A_319 = arith.constant 112 : i32
    %add3A_320 = arith.addi %add3A_226, %add3A_319 : i32
    %add3A_321 = vector.broadcast %add3A_320 : i32 to vector<16xi32>
    %add3A_322 = arith.addi %iota3A_318, %add3A_321 : vector<16xi32>
    %swap3A_323 = arith.constant 0 : i32
    %swap3A_324 = arith.constant 0 : i32
    %swap3A_325 = arith.index_cast %swap3A_323 : i32 to index
    %swap3A_326 = arith.index_cast %swap3A_324 : i32 to index
    %swap3A_327 = arith.constant 112 : index
    %swap3A_328 = tpu.vector_load %arg6[%swap3A_325, %swap3A_326, %swap3A_327] {strides = array<i32>} : memref<2x1x128xi32, #tpu.memory_space<vmem>>, vector<1x1x16xi32>,
    %swap3A_329 = vector.shape_cast %swap3A_328 : vector<1x1x16xi32> to vector<16xi32>
    %swap3A_330 = vector.shape_cast %add3A_322 : vector<16xi32> to vector<1x1x16xi32>
    tpu.vector_store %arg6[%swap3A_325, %swap3A_326, %swap3A_327], %swap3A_330 {strides = array<i32>} : memref<2x1x128xi32, #tpu.memory_space<vmem>>, vector<1x1x16xi32>,
    %run_scoped3A_331 = arith.constant 0 : i32
    %run_scoped3A_332 = arith.constant 0 : i32
    "tpu.region"() ({
      %run_scoped3A_1366 = tpu.sem_alloc : memref<!tpu.dma_semaphore, #tpu.memory_space<semaphore_mem>>
      %dma_start3A_1367 = arith.constant 0 : i32
      %dma_start3A_1368 = tpu.memref_slice %arg6[%run_scoped3A_331, %run_scoped3A_332, %dma_start3A_1367] : memref<2x1x128xi32, #tpu.memory_space<vmem>> -> memref<1x1x128xi32, #tpu.memory_space<vmem>>
      %dma_start3A_1369 = tpu.memref_squeeze %dma_start3A_1368 : memref<1x1x128xi32, #tpu.memory_space<vmem>> -> memref<128xi32, #tpu.memory_space<vmem>>
      %dma_start3A_1370 = arith.constant 0 : i32
      %dma_start3A_1371 = arith.constant 0 : i32
      %dma_start3A_1372 = tpu.memref_slice %arg5[%dma_start3A_1370, %dma_start3A_1371] : memref<10240x128xf32, #tpu.memory_space<vmem_shared>> -> memref<10240x128xf32, #tpu.memory_space<vmem_shared>>
      tpu.enqueue_indirect_dma source(%arg8 : memref<128x128xf32, #tpu.memory_space<vmem>>) target(%dma_start3A_1372 : memref<10240x128xf32, #tpu.memory_space<vmem_shared>>) offsets(%dma_start3A_1369 : memref<128xi32, #tpu.memory_space<vmem>>) semaphore(%run_scoped3A_1366 : memref<!tpu.dma_semaphore, #tpu.memory_space<semaphore_mem>>)
      %dma_wait3A_1373 = arith.constant 0 : i32
      %dma_wait3A_1374 = tpu.memref_slice %arg6[%run_scoped3A_331, %run_scoped3A_332, %dma_wait3A_1373] : memref<2x1x128xi32, #tpu.memory_space<vmem>> -> memref<1x1x128xi32, #tpu.memory_space<vmem>>
      %dma_wait3A_1375 = tpu.memref_squeeze %dma_wait3A_1374 : memref<1x1x128xi32, #tpu.memory_space<vmem>> -> memref<128xi32, #tpu.memory_space<vmem>>
      %dma_wait3A_1376 = arith.constant 0 : i32
      %dma_wait3A_1377 = arith.constant 0 : i32
      %dma_wait3A_1378 = tpu.memref_slice %arg5[%dma_wait3A_1376, %dma_wait3A_1377] : memref<10240x128xf32, #tpu.memory_space<vmem_shared>> -> memref<10240x128xf32, #tpu.memory_space<vmem_shared>>
      tpu.wait_indirect_dma semaphore(%run_scoped3A_1366 : memref<!tpu.dma_semaphore, #tpu.memory_space<semaphore_mem>>) src(%arg8 : memref<128x128xf32, #tpu.memory_space<vmem>>) dst(%dma_wait3A_1378 : memref<10240x128xf32, #tpu.memory_space<vmem_shared>>)
      tpu.yield
    }) : () -> ()
    %mul3A_333 = arith.constant 640 : i32
    %mul3A_334 = arith.muli %arg1, %mul3A_333 : i32
    %add3A_335 = arith.constant 384 : i32
    %add3A_336 = arith.addi %mul3A_334, %add3A_335 : i32
    %iota3A_337 = tpu.iota {dimensions = array<i32: 0>} : vector<16xi32>
    %add3A_338 = arith.constant 0 : i32
    %add3A_339 = arith.addi %add3A_336, %add3A_338 : i32
    %add3A_340 = vector.broadcast %add3A_339 : i32 to vector<16xi32>
    %add3A_341 = arith.addi %iota3A_337, %add3A_340 : vector<16xi32>
    %swap3A_342 = arith.constant 0 : i32
    %swap3A_343 = arith.constant 0 : i32
    %swap3A_344 = arith.index_cast %swap3A_342 : i32 to index
    %swap3A_345 = arith.index_cast %swap3A_343 : i32 to index
    %swap3A_346 = arith.constant 0 : index
    %swap3A_347 = tpu.vector_load %arg6[%swap3A_344, %swap3A_345, %swap3A_346] {strides = array<i32>} : memref<2x1x128xi32, #tpu.memory_space<vmem>>, vector<1x1x16xi32>,
    %swap3A_348 = vector.shape_cast %swap3A_347 : vector<1x1x16xi32> to vector<16xi32>
    %swap3A_349 = vector.shape_cast %add3A_341 : vector<16xi32> to vector<1x1x16xi32>
    tpu.vector_store %arg6[%swap3A_344, %swap3A_345, %swap3A_346], %swap3A_349 {strides = array<i32>} : memref<2x1x128xi32, #tpu.memory_space<vmem>>, vector<1x1x16xi32>,
    %iota3A_350 = tpu.iota {dimensions = array<i32: 0>} : vector<16xi32>
    %add3A_351 = arith.constant 16 : i32
    %add3A_352 = arith.addi %add3A_336, %add3A_351 : i32
    %add3A_353 = vector.broadcast %add3A_352 : i32 to vector<16xi32>
    %add3A_354 = arith.addi %iota3A_350, %add3A_353 : vector<16xi32>
    %swap3A_355 = arith.constant 0 : i32
    %swap3A_356 = arith.constant 0 : i32
    %swap3A_357 = arith.index_cast %swap3A_355 : i32 to index
    %swap3A_358 = arith.index_cast %swap3A_356 : i32 to index
    %swap3A_359 = arith.constant 16 : index
    %swap3A_360 = tpu.vector_load %arg6[%swap3A_357, %swap3A_358, %swap3A_359] {strides = array<i32>} : memref<2x1x128xi32, #tpu.memory_space<vmem>>, vector<1x1x16xi32>,
    %swap3A_361 = vector.shape_cast %swap3A_360 : vector<1x1x16xi32> to vector<16xi32>
    %swap3A_362 = vector.shape_cast %add3A_354 : vector<16xi32> to vector<1x1x16xi32>
    tpu.vector_store %arg6[%swap3A_357, %swap3A_358, %swap3A_359], %swap3A_362 {strides = array<i32>} : memref<2x1x128xi32, #tpu.memory_space<vmem>>, vector<1x1x16xi32>,
    %iota3A_363 = tpu.iota {dimensions = array<i32: 0>} : vector<16xi32>
    %add3A_364 = arith.constant 32 : i32
    %add3A_365 = arith.addi %add3A_336, %add3A_364 : i32
    %add3A_366 = vector.broadcast %add3A_365 : i32 to vector<16xi32>
    %add3A_367 = arith.addi %iota3A_363, %add3A_366 : vector<16xi32>
    %swap3A_368 = arith.constant 0 : i32
    %swap3A_369 = arith.constant 0 : i32
    %swap3A_370 = arith.index_cast %swap3A_368 : i32 to index
    %swap3A_371 = arith.index_cast %swap3A_369 : i32 to index
    %swap3A_372 = arith.constant 32 : index
    %swap3A_373 = tpu.vector_load %arg6[%swap3A_370, %swap3A_371, %swap3A_372] {strides = array<i32>} : memref<2x1x128xi32, #tpu.memory_space<vmem>>, vector<1x1x16xi32>,
    %swap3A_374 = vector.shape_cast %swap3A_373 : vector<1x1x16xi32> to vector<16xi32>
    %swap3A_375 = vector.shape_cast %add3A_367 : vector<16xi32> to vector<1x1x16xi32>
    tpu.vector_store %arg6[%swap3A_370, %swap3A_371, %swap3A_372], %swap3A_375 {strides = array<i32>} : memref<2x1x128xi32, #tpu.memory_space<vmem>>, vector<1x1x16xi32>,
    %iota3A_376 = tpu.iota {dimensions = array<i32: 0>} : vector<16xi32>
    %add3A_377 = arith.constant 48 : i32
    %add3A_378 = arith.addi %add3A_336, %add3A_377 : i32
    %add3A_379 = vector.broadcast %add3A_378 : i32 to vector<16xi32>
    %add3A_380 = arith.addi %iota3A_376, %add3A_379 : vector<16xi32>
    %swap3A_381 = arith.constant 0 : i32
    %swap3A_382 = arith.constant 0 : i32
    %swap3A_383 = arith.index_cast %swap3A_381 : i32 to index
    %swap3A_384 = arith.index_cast %swap3A_382 : i32 to index
    %swap3A_385 = arith.constant 48 : index
    %swap3A_386 = tpu.vector_load %arg6[%swap3A_383, %swap3A_384, %swap3A_385] {strides = array<i32>} : memref<2x1x128xi32, #tpu.memory_space<vmem>>, vector<1x1x16xi32>,
    %swap3A_387 = vector.shape_cast %swap3A_386 : vector<1x1x16xi32> to vector<16xi32>
    %swap3A_388 = vector.shape_cast %add3A_380 : vector<16xi32> to vector<1x1x16xi32>
    tpu.vector_store %arg6[%swap3A_383, %swap3A_384, %swap3A_385], %swap3A_388 {strides = array<i32>} : memref<2x1x128xi32, #tpu.memory_space<vmem>>, vector<1x1x16xi32>,
    %iota3A_389 = tpu.iota {dimensions = array<i32: 0>} : vector<16xi32>
    %add3A_390 = arith.constant 64 : i32
    %add3A_391 = arith.addi %add3A_336, %add3A_390 : i32
    %add3A_392 = vector.broadcast %add3A_391 : i32 to vector<16xi32>
    %add3A_393 = arith.addi %iota3A_389, %add3A_392 : vector<16xi32>
    %swap3A_394 = arith.constant 0 : i32
    %swap3A_395 = arith.constant 0 : i32
    %swap3A_396 = arith.index_cast %swap3A_394 : i32 to index
    %swap3A_397 = arith.index_cast %swap3A_395 : i32 to index
    %swap3A_398 = arith.constant 64 : index
    %swap3A_399 = tpu.vector_load %arg6[%swap3A_396, %swap3A_397, %swap3A_398] {strides = array<i32>} : memref<2x1x128xi32, #tpu.memory_space<vmem>>, vector<1x1x16xi32>,
    %swap3A_400 = vector.shape_cast %swap3A_399 : vector<1x1x16xi32> to vector<16xi32>
    %swap3A_401 = vector.shape_cast %add3A_393 : vector<16xi32> to vector<1x1x16xi32>
    tpu.vector_store %arg6[%swap3A_396, %swap3A_397, %swap3A_398], %swap3A_401 {strides = array<i32>} : memref<2x1x128xi32, #tpu.memory_space<vmem>>, vector<1x1x16xi32>,
    %iota3A_402 = tpu.iota {dimensions = array<i32: 0>} : vector<16xi32>
    %add3A_403 = arith.constant 80 : i32
    %add3A_404 = arith.addi %add3A_336, %add3A_403 : i32
    %add3A_405 = vector.broadcast %add3A_404 : i32 to vector<16xi32>
    %add3A_406 = arith.addi %iota3A_402, %add3A_405 : vector<16xi32>
    %swap3A_407 = arith.constant 0 : i32
    %swap3A_408 = arith.constant 0 : i32
    %swap3A_409 = arith.index_cast %swap3A_407 : i32 to index
    %swap3A_410 = arith.index_cast %swap3A_408 : i32 to index
    %swap3A_411 = arith.constant 80 : index
    %swap3A_412 = tpu.vector_load %arg6[%swap3A_409, %swap3A_410, %swap3A_411] {strides = array<i32>} : memref<2x1x128xi32, #tpu.memory_space<vmem>>, vector<1x1x16xi32>,
    %swap3A_413 = vector.shape_cast %swap3A_412 : vector<1x1x16xi32> to vector<16xi32>
    %swap3A_414 = vector.shape_cast %add3A_406 : vector<16xi32> to vector<1x1x16xi32>
    tpu.vector_store %arg6[%swap3A_409, %swap3A_410, %swap3A_411], %swap3A_414 {strides = array<i32>} : memref<2x1x128xi32, #tpu.memory_space<vmem>>, vector<1x1x16xi32>,
    %iota3A_415 = tpu.iota {dimensions = array<i32: 0>} : vector<16xi32>
    %add3A_416 = arith.constant 96 : i32
    %add3A_417 = arith.addi %add3A_336, %add3A_416 : i32
    %add3A_418 = vector.broadcast %add3A_417 : i32 to vector<16xi32>
    %add3A_419 = arith.addi %iota3A_415, %add3A_418 : vector<16xi32>
    %swap3A_420 = arith.constant 0 : i32
    %swap3A_421 = arith.constant 0 : i32
    %swap3A_422 = arith.index_cast %swap3A_420 : i32 to index
    %swap3A_423 = arith.index_cast %swap3A_421 : i32 to index
    %swap3A_424 = arith.constant 96 : index
    %swap3A_425 = tpu.vector_load %arg6[%swap3A_422, %swap3A_423, %swap3A_424] {strides = array<i32>} : memref<2x1x128xi32, #tpu.memory_space<vmem>>, vector<1x1x16xi32>,
    %swap3A_426 = vector.shape_cast %swap3A_425 : vector<1x1x16xi32> to vector<16xi32>
    %swap3A_427 = vector.shape_cast %add3A_419 : vector<16xi32> to vector<1x1x16xi32>
    tpu.vector_store %arg6[%swap3A_422, %swap3A_423, %swap3A_424], %swap3A_427 {strides = array<i32>} : memref<2x1x128xi32, #tpu.memory_space<vmem>>, vector<1x1x16xi32>,
    %iota3A_428 = tpu.iota {dimensions = array<i32: 0>} : vector<16xi32>
    %add3A_429 = arith.constant 112 : i32
    %add3A_430 = arith.addi %add3A_336, %add3A_429 : i32
    %add3A_431 = vector.broadcast %add3A_430 : i32 to vector<16xi32>
    %add3A_432 = arith.addi %iota3A_428, %add3A_431 : vector<16xi32>
    %swap3A_433 = arith.constant 0 : i32
    %swap3A_434 = arith.constant 0 : i32
    %swap3A_435 = arith.index_cast %swap3A_433 : i32 to index
    %swap3A_436 = arith.index_cast %swap3A_434 : i32 to index
    %swap3A_437 = arith.constant 112 : index
    %swap3A_438 = tpu.vector_load %arg6[%swap3A_435, %swap3A_436, %swap3A_437] {strides = array<i32>} : memref<2x1x128xi32, #tpu.memory_space<vmem>>, vector<1x1x16xi32>,
    %swap3A_439 = vector.shape_cast %swap3A_438 : vector<1x1x16xi32> to vector<16xi32>
    %swap3A_440 = vector.shape_cast %add3A_432 : vector<16xi32> to vector<1x1x16xi32>
    tpu.vector_store %arg6[%swap3A_435, %swap3A_436, %swap3A_437], %swap3A_440 {strides = array<i32>} : memref<2x1x128xi32, #tpu.memory_space<vmem>>, vector<1x1x16xi32>,
    %run_scoped3A_441 = arith.constant 0 : i32
    %run_scoped3A_442 = arith.constant 0 : i32
    "tpu.region"() ({
      %run_scoped3A_1366 = tpu.sem_alloc : memref<!tpu.dma_semaphore, #tpu.memory_space<semaphore_mem>>
      %dma_start3A_1367 = arith.constant 0 : i32
      %dma_start3A_1368 = tpu.memref_slice %arg6[%run_scoped3A_441, %run_scoped3A_442, %dma_start3A_1367] : memref<2x1x128xi32, #tpu.memory_space<vmem>> -> memref<1x1x128xi32, #tpu.memory_space<vmem>>
      %dma_start3A_1369 = tpu.memref_squeeze %dma_start3A_1368 : memref<1x1x128xi32, #tpu.memory_space<vmem>> -> memref<128xi32, #tpu.memory_space<vmem>>
      %dma_start3A_1370 = arith.constant 0 : i32
      %dma_start3A_1371 = arith.constant 0 : i32
      %dma_start3A_1372 = tpu.memref_slice %arg5[%dma_start3A_1370, %dma_start3A_1371] : memref<10240x128xf32, #tpu.memory_space<vmem_shared>> -> memref<10240x128xf32, #tpu.memory_space<vmem_shared>>
      tpu.enqueue_indirect_dma source(%arg8 : memref<128x128xf32, #tpu.memory_space<vmem>>) target(%dma_start3A_1372 : memref<10240x128xf32, #tpu.memory_space<vmem_shared>>) offsets(%dma_start3A_1369 : memref<128xi32, #tpu.memory_space<vmem>>) semaphore(%run_scoped3A_1366 : memref<!tpu.dma_semaphore, #tpu.memory_space<semaphore_mem>>)
      %dma_wait3A_1373 = arith.constant 0 : i32
      %dma_wait3A_1374 = tpu.memref_slice %arg6[%run_scoped3A_441, %run_scoped3A_442, %dma_wait3A_1373] : memref<2x1x128xi32, #tpu.memory_space<vmem>> -> memref<1x1x128xi32, #tpu.memory_space<vmem>>
      %dma_wait3A_1375 = tpu.memref_squeeze %dma_wait3A_1374 : memref<1x1x128xi32, #tpu.memory_space<vmem>> -> memref<128xi32, #tpu.memory_space<vmem>>
      %dma_wait3A_1376 = arith.constant 0 : i32
      %dma_wait3A_1377 = arith.constant 0 : i32
      %dma_wait3A_1378 = tpu.memref_slice %arg5[%dma_wait3A_1376, %dma_wait3A_1377] : memref<10240x128xf32, #tpu.memory_space<vmem_shared>> -> memref<10240x128xf32, #tpu.memory_space<vmem_shared>>
      tpu.wait_indirect_dma semaphore(%run_scoped3A_1366 : memref<!tpu.dma_semaphore, #tpu.memory_space<semaphore_mem>>) src(%arg8 : memref<128x128xf32, #tpu.memory_space<vmem>>) dst(%dma_wait3A_1378 : memref<10240x128xf32, #tpu.memory_space<vmem_shared>>)
      tpu.yield
    }) : () -> ()
    %mul3A_443 = arith.constant 640 : i32
    %mul3A_444 = arith.muli %arg1, %mul3A_443 : i32
    %add3A_445 = arith.constant 512 : i32
    %add3A_446 = arith.addi %mul3A_444, %add3A_445 : i32
    %iota3A_447 = tpu.iota {dimensions = array<i32: 0>} : vector<16xi32>
    %add3A_448 = arith.constant 0 : i32
    %add3A_449 = arith.addi %add3A_446, %add3A_448 : i32
    %add3A_450 = vector.broadcast %add3A_449 : i32 to vector<16xi32>
    %add3A_451 = arith.addi %iota3A_447, %add3A_450 : vector<16xi32>
    %swap3A_452 = arith.constant 0 : i32
    %swap3A_453 = arith.constant 0 : i32
    %swap3A_454 = arith.index_cast %swap3A_452 : i32 to index
    %swap3A_455 = arith.index_cast %swap3A_453 : i32 to index
    %swap3A_456 = arith.constant 0 : index
    %swap3A_457 = tpu.vector_load %arg6[%swap3A_454, %swap3A_455, %swap3A_456] {strides = array<i32>} : memref<2x1x128xi32, #tpu.memory_space<vmem>>, vector<1x1x16xi32>,
    %swap3A_458 = vector.shape_cast %swap3A_457 : vector<1x1x16xi32> to vector<16xi32>
    %swap3A_459 = vector.shape_cast %add3A_451 : vector<16xi32> to vector<1x1x16xi32>
    tpu.vector_store %arg6[%swap3A_454, %swap3A_455, %swap3A_456], %swap3A_459 {strides = array<i32>} : memref<2x1x128xi32, #tpu.memory_space<vmem>>, vector<1x1x16xi32>,
    %iota3A_460 = tpu.iota {dimensions = array<i32: 0>} : vector<16xi32>
    %add3A_461 = arith.constant 16 : i32
    %add3A_462 = arith.addi %add3A_446, %add3A_461 : i32
    %add3A_463 = vector.broadcast %add3A_462 : i32 to vector<16xi32>
    %add3A_464 = arith.addi %iota3A_460, %add3A_463 : vector<16xi32>
    %swap3A_465 = arith.constant 0 : i32
    %swap3A_466 = arith.constant 0 : i32
    %swap3A_467 = arith.index_cast %swap3A_465 : i32 to index
    %swap3A_468 = arith.index_cast %swap3A_466 : i32 to index
    %swap3A_469 = arith.constant 16 : index
    %swap3A_470 = tpu.vector_load %arg6[%swap3A_467, %swap3A_468, %swap3A_469] {strides = array<i32>} : memref<2x1x128xi32, #tpu.memory_space<vmem>>, vector<1x1x16xi32>,
    %swap3A_471 = vector.shape_cast %swap3A_470 : vector<1x1x16xi32> to vector<16xi32>
    %swap3A_472 = vector.shape_cast %add3A_464 : vector<16xi32> to vector<1x1x16xi32>
    tpu.vector_store %arg6[%swap3A_467, %swap3A_468, %swap3A_469], %swap3A_472 {strides = array<i32>} : memref<2x1x128xi32, #tpu.memory_space<vmem>>, vector<1x1x16xi32>,
    %iota3A_473 = tpu.iota {dimensions = array<i32: 0>} : vector<16xi32>
    %add3A_474 = arith.constant 32 : i32
    %add3A_475 = arith.addi %add3A_446, %add3A_474 : i32
    %add3A_476 = vector.broadcast %add3A_475 : i32 to vector<16xi32>
    %add3A_477 = arith.addi %iota3A_473, %add3A_476 : vector<16xi32>
    %swap3A_478 = arith.constant 0 : i32
    %swap3A_479 = arith.constant 0 : i32
    %swap3A_480 = arith.index_cast %swap3A_478 : i32 to index
    %swap3A_481 = arith.index_cast %swap3A_479 : i32 to index
    %swap3A_482 = arith.constant 32 : index
    %swap3A_483 = tpu.vector_load %arg6[%swap3A_480, %swap3A_481, %swap3A_482] {strides = array<i32>} : memref<2x1x128xi32, #tpu.memory_space<vmem>>, vector<1x1x16xi32>,
    %swap3A_484 = vector.shape_cast %swap3A_483 : vector<1x1x16xi32> to vector<16xi32>
    %swap3A_485 = vector.shape_cast %add3A_477 : vector<16xi32> to vector<1x1x16xi32>
    tpu.vector_store %arg6[%swap3A_480, %swap3A_481, %swap3A_482], %swap3A_485 {strides = array<i32>} : memref<2x1x128xi32, #tpu.memory_space<vmem>>, vector<1x1x16xi32>,
    %iota3A_486 = tpu.iota {dimensions = array<i32: 0>} : vector<16xi32>
    %add3A_487 = arith.constant 48 : i32
    %add3A_488 = arith.addi %add3A_446, %add3A_487 : i32
    %add3A_489 = vector.broadcast %add3A_488 : i32 to vector<16xi32>
    %add3A_490 = arith.addi %iota3A_486, %add3A_489 : vector<16xi32>
    %swap3A_491 = arith.constant 0 : i32
    %swap3A_492 = arith.constant 0 : i32
    %swap3A_493 = arith.index_cast %swap3A_491 : i32 to index
    %swap3A_494 = arith.index_cast %swap3A_492 : i32 to index
    %swap3A_495 = arith.constant 48 : index
    %swap3A_496 = tpu.vector_load %arg6[%swap3A_493, %swap3A_494, %swap3A_495] {strides = array<i32>} : memref<2x1x128xi32, #tpu.memory_space<vmem>>, vector<1x1x16xi32>,
    %swap3A_497 = vector.shape_cast %swap3A_496 : vector<1x1x16xi32> to vector<16xi32>
    %swap3A_498 = vector.shape_cast %add3A_490 : vector<16xi32> to vector<1x1x16xi32>
    tpu.vector_store %arg6[%swap3A_493, %swap3A_494, %swap3A_495], %swap3A_498 {strides = array<i32>} : memref<2x1x128xi32, #tpu.memory_space<vmem>>, vector<1x1x16xi32>,
    %iota3A_499 = tpu.iota {dimensions = array<i32: 0>} : vector<16xi32>
    %add3A_500 = arith.constant 64 : i32
    %add3A_501 = arith.addi %add3A_446, %add3A_500 : i32
    %add3A_502 = vector.broadcast %add3A_501 : i32 to vector<16xi32>
    %add3A_503 = arith.addi %iota3A_499, %add3A_502 : vector<16xi32>
    %swap3A_504 = arith.constant 0 : i32
    %swap3A_505 = arith.constant 0 : i32
    %swap3A_506 = arith.index_cast %swap3A_504 : i32 to index
    %swap3A_507 = arith.index_cast %swap3A_505 : i32 to index
    %swap3A_508 = arith.constant 64 : index
    %swap3A_509 = tpu.vector_load %arg6[%swap3A_506, %swap3A_507, %swap3A_508] {strides = array<i32>} : memref<2x1x128xi32, #tpu.memory_space<vmem>>, vector<1x1x16xi32>,
    %swap3A_510 = vector.shape_cast %swap3A_509 : vector<1x1x16xi32> to vector<16xi32>
    %swap3A_511 = vector.shape_cast %add3A_503 : vector<16xi32> to vector<1x1x16xi32>
    tpu.vector_store %arg6[%swap3A_506, %swap3A_507, %swap3A_508], %swap3A_511 {strides = array<i32>} : memref<2x1x128xi32, #tpu.memory_space<vmem>>, vector<1x1x16xi32>,
    %iota3A_512 = tpu.iota {dimensions = array<i32: 0>} : vector<16xi32>
    %add3A_513 = arith.constant 80 : i32
    %add3A_514 = arith.addi %add3A_446, %add3A_513 : i32
    %add3A_515 = vector.broadcast %add3A_514 : i32 to vector<16xi32>
    %add3A_516 = arith.addi %iota3A_512, %add3A_515 : vector<16xi32>
    %swap3A_517 = arith.constant 0 : i32
    %swap3A_518 = arith.constant 0 : i32
    %swap3A_519 = arith.index_cast %swap3A_517 : i32 to index
    %swap3A_520 = arith.index_cast %swap3A_518 : i32 to index
    %swap3A_521 = arith.constant 80 : index
    %swap3A_522 = tpu.vector_load %arg6[%swap3A_519, %swap3A_520, %swap3A_521] {strides = array<i32>} : memref<2x1x128xi32, #tpu.memory_space<vmem>>, vector<1x1x16xi32>,
    %swap3A_523 = vector.shape_cast %swap3A_522 : vector<1x1x16xi32> to vector<16xi32>
    %swap3A_524 = vector.shape_cast %add3A_516 : vector<16xi32> to vector<1x1x16xi32>
    tpu.vector_store %arg6[%swap3A_519, %swap3A_520, %swap3A_521], %swap3A_524 {strides = array<i32>} : memref<2x1x128xi32, #tpu.memory_space<vmem>>, vector<1x1x16xi32>,
    %iota3A_525 = tpu.iota {dimensions = array<i32: 0>} : vector<16xi32>
    %add3A_526 = arith.constant 96 : i32
    %add3A_527 = arith.addi %add3A_446, %add3A_526 : i32
    %add3A_528 = vector.broadcast %add3A_527 : i32 to vector<16xi32>
    %add3A_529 = arith.addi %iota3A_525, %add3A_528 : vector<16xi32>
    %swap3A_530 = arith.constant 0 : i32
    %swap3A_531 = arith.constant 0 : i32
    %swap3A_532 = arith.index_cast %swap3A_530 : i32 to index
    %swap3A_533 = arith.index_cast %swap3A_531 : i32 to index
    %swap3A_534 = arith.constant 96 : index
    %swap3A_535 = tpu.vector_load %arg6[%swap3A_532, %swap3A_533, %swap3A_534] {strides = array<i32>} : memref<2x1x128xi32, #tpu.memory_space<vmem>>, vector<1x1x16xi32>,
    %swap3A_536 = vector.shape_cast %swap3A_535 : vector<1x1x16xi32> to vector<16xi32>
    %swap3A_537 = vector.shape_cast %add3A_529 : vector<16xi32> to vector<1x1x16xi32>
    tpu.vector_store %arg6[%swap3A_532, %swap3A_533, %swap3A_534], %swap3A_537 {strides = array<i32>} : memref<2x1x128xi32, #tpu.memory_space<vmem>>, vector<1x1x16xi32>,
    %iota3A_538 = tpu.iota {dimensions = array<i32: 0>} : vector<16xi32>
    %add3A_539 = arith.constant 112 : i32
    %add3A_540 = arith.addi %add3A_446, %add3A_539 : i32
    %add3A_541 = vector.broadcast %add3A_540 : i32 to vector<16xi32>
    %add3A_542 = arith.addi %iota3A_538, %add3A_541 : vector<16xi32>
    %swap3A_543 = arith.constant 0 : i32
    %swap3A_544 = arith.constant 0 : i32
    %swap3A_545 = arith.index_cast %swap3A_543 : i32 to index
    %swap3A_546 = arith.index_cast %swap3A_544 : i32 to index
    %swap3A_547 = arith.constant 112 : index
    %swap3A_548 = tpu.vector_load %arg6[%swap3A_545, %swap3A_546, %swap3A_547] {strides = array<i32>} : memref<2x1x128xi32, #tpu.memory_space<vmem>>, vector<1x1x16xi32>,
    %swap3A_549 = vector.shape_cast %swap3A_548 : vector<1x1x16xi32> to vector<16xi32>
    %swap3A_550 = vector.shape_cast %add3A_542 : vector<16xi32> to vector<1x1x16xi32>
    tpu.vector_store %arg6[%swap3A_545, %swap3A_546, %swap3A_547], %swap3A_550 {strides = array<i32>} : memref<2x1x128xi32, #tpu.memory_space<vmem>>, vector<1x1x16xi32>,
    %run_scoped3A_551 = arith.constant 0 : i32
    %run_scoped3A_552 = arith.constant 0 : i32
    "tpu.region"() ({
      %run_scoped3A_1366 = tpu.sem_alloc : memref<!tpu.dma_semaphore, #tpu.memory_space<semaphore_mem>>
      %dma_start3A_1367 = arith.constant 0 : i32
      %dma_start3A_1368 = tpu.memref_slice %arg6[%run_scoped3A_551, %run_scoped3A_552, %dma_start3A_1367] : memref<2x1x128xi32, #tpu.memory_space<vmem>> -> memref<1x1x128xi32, #tpu.memory_space<vmem>>
      %dma_start3A_1369 = tpu.memref_squeeze %dma_start3A_1368 : memref<1x1x128xi32, #tpu.memory_space<vmem>> -> memref<128xi32, #tpu.memory_space<vmem>>
      %dma_start3A_1370 = arith.constant 0 : i32
      %dma_start3A_1371 = arith.constant 0 : i32
      %dma_start3A_1372 = tpu.memref_slice %arg5[%dma_start3A_1370, %dma_start3A_1371] : memref<10240x128xf32, #tpu.memory_space<vmem_shared>> -> memref<10240x128xf32, #tpu.memory_space<vmem_shared>>
      tpu.enqueue_indirect_dma source(%arg8 : memref<128x128xf32, #tpu.memory_space<vmem>>) target(%dma_start3A_1372 : memref<10240x128xf32, #tpu.memory_space<vmem_shared>>) offsets(%dma_start3A_1369 : memref<128xi32, #tpu.memory_space<vmem>>) semaphore(%run_scoped3A_1366 : memref<!tpu.dma_semaphore, #tpu.memory_space<semaphore_mem>>)
      %dma_wait3A_1373 = arith.constant 0 : i32
      %dma_wait3A_1374 = tpu.memref_slice %arg6[%run_scoped3A_551, %run_scoped3A_552, %dma_wait3A_1373] : memref<2x1x128xi32, #tpu.memory_space<vmem>> -> memref<1x1x128xi32, #tpu.memory_space<vmem>>
      %dma_wait3A_1375 = tpu.memref_squeeze %dma_wait3A_1374 : memref<1x1x128xi32, #tpu.memory_space<vmem>> -> memref<128xi32, #tpu.memory_space<vmem>>
      %dma_wait3A_1376 = arith.constant 0 : i32
      %dma_wait3A_1377 = arith.constant 0 : i32
      %dma_wait3A_1378 = tpu.memref_slice %arg5[%dma_wait3A_1376, %dma_wait3A_1377] : memref<10240x128xf32, #tpu.memory_space<vmem_shared>> -> memref<10240x128xf32, #tpu.memory_space<vmem_shared>>
      tpu.wait_indirect_dma semaphore(%run_scoped3A_1366 : memref<!tpu.dma_semaphore, #tpu.memory_space<semaphore_mem>>) src(%arg8 : memref<128x128xf32, #tpu.memory_space<vmem>>) dst(%dma_wait3A_1378 : memref<10240x128xf32, #tpu.memory_space<vmem_shared>>)
      tpu.yield
    }) : () -> ()
    %barrier3A = arith.constant 0 : index
    tpu.barrier barrier_id(%barrier3A)
    %iota3A_553 = tpu.iota {dimensions = array<i32: 0>} : vector<16xi32>
    %add3A_554 = arith.constant 0 : i32
    %add3A_555 = vector.broadcast %add3A_554 : i32 to vector<16xi32>
    %add3A_556 = arith.addi %iota3A_553, %add3A_555 : vector<16xi32>
    %swap3A_557 = arith.constant 1 : i32
    %swap3A_558 = arith.constant 0 : i32
    %swap3A_559 = arith.index_cast %swap3A_557 : i32 to index
    %swap3A_560 = arith.index_cast %swap3A_558 : i32 to index
    %swap3A_561 = arith.constant 0 : index
    %swap3A_562 = tpu.vector_load %arg6[%swap3A_559, %swap3A_560, %swap3A_561] {strides = array<i32>} : memref<2x1x128xi32, #tpu.memory_space<vmem>>, vector<1x1x16xi32>,
    %swap3A_563 = vector.shape_cast %swap3A_562 : vector<1x1x16xi32> to vector<16xi32>
    %swap3A_564 = vector.shape_cast %add3A_556 : vector<16xi32> to vector<1x1x16xi32>
    tpu.vector_store %arg6[%swap3A_559, %swap3A_560, %swap3A_561], %swap3A_564 {strides = array<i32>} : memref<2x1x128xi32, #tpu.memory_space<vmem>>, vector<1x1x16xi32>,
    %iota3A_565 = tpu.iota {dimensions = array<i32: 0>} : vector<16xi32>
    %add3A_566 = arith.constant 16 : i32
    %add3A_567 = vector.broadcast %add3A_566 : i32 to vector<16xi32>
    %add3A_568 = arith.addi %iota3A_565, %add3A_567 : vector<16xi32>
    %swap3A_569 = arith.constant 1 : i32
    %swap3A_570 = arith.constant 0 : i32
    %swap3A_571 = arith.index_cast %swap3A_569 : i32 to index
    %swap3A_572 = arith.index_cast %swap3A_570 : i32 to index
    %swap3A_573 = arith.constant 16 : index
    %swap3A_574 = tpu.vector_load %arg6[%swap3A_571, %swap3A_572, %swap3A_573] {strides = array<i32>} : memref<2x1x128xi32, #tpu.memory_space<vmem>>, vector<1x1x16xi32>,
    %swap3A_575 = vector.shape_cast %swap3A_574 : vector<1x1x16xi32> to vector<16xi32>
    %swap3A_576 = vector.shape_cast %add3A_568 : vector<16xi32> to vector<1x1x16xi32>
    tpu.vector_store %arg6[%swap3A_571, %swap3A_572, %swap3A_573], %swap3A_576 {strides = array<i32>} : memref<2x1x128xi32, #tpu.memory_space<vmem>>, vector<1x1x16xi32>,
    %iota3A_577 = tpu.iota {dimensions = array<i32: 0>} : vector<16xi32>
    %add3A_578 = arith.constant 32 : i32
    %add3A_579 = vector.broadcast %add3A_578 : i32 to vector<16xi32>
    %add3A_580 = arith.addi %iota3A_577, %add3A_579 : vector<16xi32>
    %swap3A_581 = arith.constant 1 : i32
    %swap3A_582 = arith.constant 0 : i32
    %swap3A_583 = arith.index_cast %swap3A_581 : i32 to index
    %swap3A_584 = arith.index_cast %swap3A_582 : i32 to index
    %swap3A_585 = arith.constant 32 : index
    %swap3A_586 = tpu.vector_load %arg6[%swap3A_583, %swap3A_584, %swap3A_585] {strides = array<i32>} : memref<2x1x128xi32, #tpu.memory_space<vmem>>, vector<1x1x16xi32>,
    %swap3A_587 = vector.shape_cast %swap3A_586 : vector<1x1x16xi32> to vector<16xi32>
    %swap3A_588 = vector.shape_cast %add3A_580 : vector<16xi32> to vector<1x1x16xi32>
    tpu.vector_store %arg6[%swap3A_583, %swap3A_584, %swap3A_585], %swap3A_588 {strides = array<i32>} : memref<2x1x128xi32, #tpu.memory_space<vmem>>, vector<1x1x16xi32>,
    %iota3A_589 = tpu.iota {dimensions = array<i32: 0>} : vector<16xi32>
    %add3A_590 = arith.constant 48 : i32
    %add3A_591 = vector.broadcast %add3A_590 : i32 to vector<16xi32>
    %add3A_592 = arith.addi %iota3A_589, %add3A_591 : vector<16xi32>
    %swap3A_593 = arith.constant 1 : i32
    %swap3A_594 = arith.constant 0 : i32
    %swap3A_595 = arith.index_cast %swap3A_593 : i32 to index
    %swap3A_596 = arith.index_cast %swap3A_594 : i32 to index
    %swap3A_597 = arith.constant 48 : index
    %swap3A_598 = tpu.vector_load %arg6[%swap3A_595, %swap3A_596, %swap3A_597] {strides = array<i32>} : memref<2x1x128xi32, #tpu.memory_space<vmem>>, vector<1x1x16xi32>,
    %swap3A_599 = vector.shape_cast %swap3A_598 : vector<1x1x16xi32> to vector<16xi32>
    %swap3A_600 = vector.shape_cast %add3A_592 : vector<16xi32> to vector<1x1x16xi32>
    tpu.vector_store %arg6[%swap3A_595, %swap3A_596, %swap3A_597], %swap3A_600 {strides = array<i32>} : memref<2x1x128xi32, #tpu.memory_space<vmem>>, vector<1x1x16xi32>,
    %iota3A_601 = tpu.iota {dimensions = array<i32: 0>} : vector<16xi32>
    %add3A_602 = arith.constant 64 : i32
    %add3A_603 = vector.broadcast %add3A_602 : i32 to vector<16xi32>
    %add3A_604 = arith.addi %iota3A_601, %add3A_603 : vector<16xi32>
    %swap3A_605 = arith.constant 1 : i32
    %swap3A_606 = arith.constant 0 : i32
    %swap3A_607 = arith.index_cast %swap3A_605 : i32 to index
    %swap3A_608 = arith.index_cast %swap3A_606 : i32 to index
    %swap3A_609 = arith.constant 64 : index
    %swap3A_610 = tpu.vector_load %arg6[%swap3A_607, %swap3A_608, %swap3A_609] {strides = array<i32>} : memref<2x1x128xi32, #tpu.memory_space<vmem>>, vector<1x1x16xi32>,
    %swap3A_611 = vector.shape_cast %swap3A_610 : vector<1x1x16xi32> to vector<16xi32>
    %swap3A_612 = vector.shape_cast %add3A_604 : vector<16xi32> to vector<1x1x16xi32>
    tpu.vector_store %arg6[%swap3A_607, %swap3A_608, %swap3A_609], %swap3A_612 {strides = array<i32>} : memref<2x1x128xi32, #tpu.memory_space<vmem>>, vector<1x1x16xi32>,
    %iota3A_613 = tpu.iota {dimensions = array<i32: 0>} : vector<16xi32>
    %add3A_614 = arith.constant 80 : i32
    %add3A_615 = vector.broadcast %add3A_614 : i32 to vector<16xi32>
    %add3A_616 = arith.addi %iota3A_613, %add3A_615 : vector<16xi32>
    %swap3A_617 = arith.constant 1 : i32
    %swap3A_618 = arith.constant 0 : i32
    %swap3A_619 = arith.index_cast %swap3A_617 : i32 to index
    %swap3A_620 = arith.index_cast %swap3A_618 : i32 to index
    %swap3A_621 = arith.constant 80 : index
    %swap3A_622 = tpu.vector_load %arg6[%swap3A_619, %swap3A_620, %swap3A_621] {strides = array<i32>} : memref<2x1x128xi32, #tpu.memory_space<vmem>>, vector<1x1x16xi32>,
    %swap3A_623 = vector.shape_cast %swap3A_622 : vector<1x1x16xi32> to vector<16xi32>
    %swap3A_624 = vector.shape_cast %add3A_616 : vector<16xi32> to vector<1x1x16xi32>
    tpu.vector_store %arg6[%swap3A_619, %swap3A_620, %swap3A_621], %swap3A_624 {strides = array<i32>} : memref<2x1x128xi32, #tpu.memory_space<vmem>>, vector<1x1x16xi32>,
    %iota3A_625 = tpu.iota {dimensions = array<i32: 0>} : vector<16xi32>
    %add3A_626 = arith.constant 96 : i32
    %add3A_627 = vector.broadcast %add3A_626 : i32 to vector<16xi32>
    %add3A_628 = arith.addi %iota3A_625, %add3A_627 : vector<16xi32>
    %swap3A_629 = arith.constant 1 : i32
    %swap3A_630 = arith.constant 0 : i32
    %swap3A_631 = arith.index_cast %swap3A_629 : i32 to index
    %swap3A_632 = arith.index_cast %swap3A_630 : i32 to index
    %swap3A_633 = arith.constant 96 : index
    %swap3A_634 = tpu.vector_load %arg6[%swap3A_631, %swap3A_632, %swap3A_633] {strides = array<i32>} : memref<2x1x128xi32, #tpu.memory_space<vmem>>, vector<1x1x16xi32>,
    %swap3A_635 = vector.shape_cast %swap3A_634 : vector<1x1x16xi32> to vector<16xi32>
    %swap3A_636 = vector.shape_cast %add3A_628 : vector<16xi32> to vector<1x1x16xi32>
    tpu.vector_store %arg6[%swap3A_631, %swap3A_632, %swap3A_633], %swap3A_636 {strides = array<i32>} : memref<2x1x128xi32, #tpu.memory_space<vmem>>, vector<1x1x16xi32>,
    %iota3A_637 = tpu.iota {dimensions = array<i32: 0>} : vector<16xi32>
    %add3A_638 = arith.constant 112 : i32
    %add3A_639 = vector.broadcast %add3A_638 : i32 to vector<16xi32>
    %add3A_640 = arith.addi %iota3A_637, %add3A_639 : vector<16xi32>
    %swap3A_641 = arith.constant 1 : i32
    %swap3A_642 = arith.constant 0 : i32
    %swap3A_643 = arith.index_cast %swap3A_641 : i32 to index
    %swap3A_644 = arith.index_cast %swap3A_642 : i32 to index
    %swap3A_645 = arith.constant 112 : index
    %swap3A_646 = tpu.vector_load %arg6[%swap3A_643, %swap3A_644, %swap3A_645] {strides = array<i32>} : memref<2x1x128xi32, #tpu.memory_space<vmem>>, vector<1x1x16xi32>,
    %swap3A_647 = vector.shape_cast %swap3A_646 : vector<1x1x16xi32> to vector<16xi32>
    %swap3A_648 = vector.shape_cast %add3A_640 : vector<16xi32> to vector<1x1x16xi32>
    tpu.vector_store %arg6[%swap3A_643, %swap3A_644, %swap3A_645], %swap3A_648 {strides = array<i32>} : memref<2x1x128xi32, #tpu.memory_space<vmem>>, vector<1x1x16xi32>,
    %dma_start3A = arith.constant 1 : i32
    %dma_start3A_649 = arith.constant 0 : i32
    %dma_start3A_650 = arith.constant 0 : i32
    %dma_start3A_651 = tpu.memref_slice %arg6[%dma_start3A, %dma_start3A_649, %dma_start3A_650] : memref<2x1x128xi32, #tpu.memory_space<vmem>> -> memref<1x1x128xi32, #tpu.memory_space<vmem>>
    %dma_start3A_652 = tpu.memref_squeeze %dma_start3A_651 : memref<1x1x128xi32, #tpu.memory_space<vmem>> -> memref<128xi32, #tpu.memory_space<vmem>>
    %dma_start3A_653 = arith.constant 0 : i32
    %dma_start3A_654 = arith.constant 0 : i32
    %dma_start3A_655 = tpu.memref_slice %arg5[%dma_start3A_653, %dma_start3A_654] : memref<10240x128xf32, #tpu.memory_space<vmem_shared>> -> memref<10240x128xf32, #tpu.memory_space<vmem_shared>>
    tpu.enqueue_indirect_dma source(%arg8 : memref<128x128xf32, #tpu.memory_space<vmem>>) target(%dma_start3A_655 : memref<10240x128xf32, #tpu.memory_space<vmem_shared>>) offsets(%dma_start3A_652 : memref<128xi32, #tpu.memory_space<vmem>>) semaphore(%arg12 : memref<!tpu.dma_semaphore, #tpu.memory_space<semaphore_mem>>) {add = true}
    %iota3A_656 = tpu.iota {dimensions = array<i32: 0>} : vector<16xi32>
    %add3A_657 = arith.constant 0 : i32
    %add3A_658 = vector.broadcast %add3A_657 : i32 to vector<16xi32>
    %add3A_659 = arith.addi %iota3A_656, %add3A_658 : vector<16xi32>
    %swap3A_660 = arith.constant 1 : i32
    %swap3A_661 = arith.constant 0 : i32
    %swap3A_662 = arith.index_cast %swap3A_660 : i32 to index
    %swap3A_663 = arith.index_cast %swap3A_661 : i32 to index
    %swap3A_664 = arith.constant 0 : index
    %swap3A_665 = tpu.vector_load %arg7[%swap3A_662, %swap3A_663, %swap3A_664] {strides = array<i32>} : memref<2x1x128xi32, #tpu.memory_space<vmem>>, vector<1x1x16xi32>,
    %swap3A_666 = vector.shape_cast %swap3A_665 : vector<1x1x16xi32> to vector<16xi32>
    %swap3A_667 = vector.shape_cast %add3A_659 : vector<16xi32> to vector<1x1x16xi32>
    tpu.vector_store %arg7[%swap3A_662, %swap3A_663, %swap3A_664], %swap3A_667 {strides = array<i32>} : memref<2x1x128xi32, #tpu.memory_space<vmem>>, vector<1x1x16xi32>,
    %iota3A_668 = tpu.iota {dimensions = array<i32: 0>} : vector<16xi32>
    %add3A_669 = arith.constant 16 : i32
    %add3A_670 = vector.broadcast %add3A_669 : i32 to vector<16xi32>
    %add3A_671 = arith.addi %iota3A_668, %add3A_670 : vector<16xi32>
    %swap3A_672 = arith.constant 1 : i32
    %swap3A_673 = arith.constant 0 : i32
    %swap3A_674 = arith.index_cast %swap3A_672 : i32 to index
    %swap3A_675 = arith.index_cast %swap3A_673 : i32 to index
    %swap3A_676 = arith.constant 16 : index
    %swap3A_677 = tpu.vector_load %arg7[%swap3A_674, %swap3A_675, %swap3A_676] {strides = array<i32>} : memref<2x1x128xi32, #tpu.memory_space<vmem>>, vector<1x1x16xi32>,
    %swap3A_678 = vector.shape_cast %swap3A_677 : vector<1x1x16xi32> to vector<16xi32>
    %swap3A_679 = vector.shape_cast %add3A_671 : vector<16xi32> to vector<1x1x16xi32>
    tpu.vector_store %arg7[%swap3A_674, %swap3A_675, %swap3A_676], %swap3A_679 {strides = array<i32>} : memref<2x1x128xi32, #tpu.memory_space<vmem>>, vector<1x1x16xi32>,
    %iota3A_680 = tpu.iota {dimensions = array<i32: 0>} : vector<16xi32>
    %add3A_681 = arith.constant 32 : i32
    %add3A_682 = vector.broadcast %add3A_681 : i32 to vector<16xi32>
    %add3A_683 = arith.addi %iota3A_680, %add3A_682 : vector<16xi32>
    %swap3A_684 = arith.constant 1 : i32
    %swap3A_685 = arith.constant 0 : i32
    %swap3A_686 = arith.index_cast %swap3A_684 : i32 to index
    %swap3A_687 = arith.index_cast %swap3A_685 : i32 to index
    %swap3A_688 = arith.constant 32 : index
    %swap3A_689 = tpu.vector_load %arg7[%swap3A_686, %swap3A_687, %swap3A_688] {strides = array<i32>} : memref<2x1x128xi32, #tpu.memory_space<vmem>>, vector<1x1x16xi32>,
    %swap3A_690 = vector.shape_cast %swap3A_689 : vector<1x1x16xi32> to vector<16xi32>
    %swap3A_691 = vector.shape_cast %add3A_683 : vector<16xi32> to vector<1x1x16xi32>
    tpu.vector_store %arg7[%swap3A_686, %swap3A_687, %swap3A_688], %swap3A_691 {strides = array<i32>} : memref<2x1x128xi32, #tpu.memory_space<vmem>>, vector<1x1x16xi32>,
    %iota3A_692 = tpu.iota {dimensions = array<i32: 0>} : vector<16xi32>
    %add3A_693 = arith.constant 48 : i32
    %add3A_694 = vector.broadcast %add3A_693 : i32 to vector<16xi32>
    %add3A_695 = arith.addi %iota3A_692, %add3A_694 : vector<16xi32>
    %swap3A_696 = arith.constant 1 : i32
    %swap3A_697 = arith.constant 0 : i32
    %swap3A_698 = arith.index_cast %swap3A_696 : i32 to index
    %swap3A_699 = arith.index_cast %swap3A_697 : i32 to index
    %swap3A_700 = arith.constant 48 : index
    %swap3A_701 = tpu.vector_load %arg7[%swap3A_698, %swap3A_699, %swap3A_700] {strides = array<i32>} : memref<2x1x128xi32, #tpu.memory_space<vmem>>, vector<1x1x16xi32>,
    %swap3A_702 = vector.shape_cast %swap3A_701 : vector<1x1x16xi32> to vector<16xi32>
    %swap3A_703 = vector.shape_cast %add3A_695 : vector<16xi32> to vector<1x1x16xi32>
    tpu.vector_store %arg7[%swap3A_698, %swap3A_699, %swap3A_700], %swap3A_703 {strides = array<i32>} : memref<2x1x128xi32, #tpu.memory_space<vmem>>, vector<1x1x16xi32>,
    %iota3A_704 = tpu.iota {dimensions = array<i32: 0>} : vector<16xi32>
    %add3A_705 = arith.constant 64 : i32
    %add3A_706 = vector.broadcast %add3A_705 : i32 to vector<16xi32>
    %add3A_707 = arith.addi %iota3A_704, %add3A_706 : vector<16xi32>
    %swap3A_708 = arith.constant 1 : i32
    %swap3A_709 = arith.constant 0 : i32
    %swap3A_710 = arith.index_cast %swap3A_708 : i32 to index
    %swap3A_711 = arith.index_cast %swap3A_709 : i32 to index
    %swap3A_712 = arith.constant 64 : index
    %swap3A_713 = tpu.vector_load %arg7[%swap3A_710, %swap3A_711, %swap3A_712] {strides = array<i32>} : memref<2x1x128xi32, #tpu.memory_space<vmem>>, vector<1x1x16xi32>,
    %swap3A_714 = vector.shape_cast %swap3A_713 : vector<1x1x16xi32> to vector<16xi32>
    %swap3A_715 = vector.shape_cast %add3A_707 : vector<16xi32> to vector<1x1x16xi32>
    tpu.vector_store %arg7[%swap3A_710, %swap3A_711, %swap3A_712], %swap3A_715 {strides = array<i32>} : memref<2x1x128xi32, #tpu.memory_space<vmem>>, vector<1x1x16xi32>,
    %iota3A_716 = tpu.iota {dimensions = array<i32: 0>} : vector<16xi32>
    %add3A_717 = arith.constant 80 : i32
    %add3A_718 = vector.broadcast %add3A_717 : i32 to vector<16xi32>
    %add3A_719 = arith.addi %iota3A_716, %add3A_718 : vector<16xi32>
    %swap3A_720 = arith.constant 1 : i32
    %swap3A_721 = arith.constant 0 : i32
    %swap3A_722 = arith.index_cast %swap3A_720 : i32 to index
    %swap3A_723 = arith.index_cast %swap3A_721 : i32 to index
    %swap3A_724 = arith.constant 80 : index
    %swap3A_725 = tpu.vector_load %arg7[%swap3A_722, %swap3A_723, %swap3A_724] {strides = array<i32>} : memref<2x1x128xi32, #tpu.memory_space<vmem>>, vector<1x1x16xi32>,
    %swap3A_726 = vector.shape_cast %swap3A_725 : vector<1x1x16xi32> to vector<16xi32>
    %swap3A_727 = vector.shape_cast %add3A_719 : vector<16xi32> to vector<1x1x16xi32>
    tpu.vector_store %arg7[%swap3A_722, %swap3A_723, %swap3A_724], %swap3A_727 {strides = array<i32>} : memref<2x1x128xi32, #tpu.memory_space<vmem>>, vector<1x1x16xi32>,
    %iota3A_728 = tpu.iota {dimensions = array<i32: 0>} : vector<16xi32>
    %add3A_729 = arith.constant 96 : i32
    %add3A_730 = vector.broadcast %add3A_729 : i32 to vector<16xi32>
    %add3A_731 = arith.addi %iota3A_728, %add3A_730 : vector<16xi32>
    %swap3A_732 = arith.constant 1 : i32
    %swap3A_733 = arith.constant 0 : i32
    %swap3A_734 = arith.index_cast %swap3A_732 : i32 to index
    %swap3A_735 = arith.index_cast %swap3A_733 : i32 to index
    %swap3A_736 = arith.constant 96 : index
    %swap3A_737 = tpu.vector_load %arg7[%swap3A_734, %swap3A_735, %swap3A_736] {strides = array<i32>} : memref<2x1x128xi32, #tpu.memory_space<vmem>>, vector<1x1x16xi32>,
    %swap3A_738 = vector.shape_cast %swap3A_737 : vector<1x1x16xi32> to vector<16xi32>
    %swap3A_739 = vector.shape_cast %add3A_731 : vector<16xi32> to vector<1x1x16xi32>
    tpu.vector_store %arg7[%swap3A_734, %swap3A_735, %swap3A_736], %swap3A_739 {strides = array<i32>} : memref<2x1x128xi32, #tpu.memory_space<vmem>>, vector<1x1x16xi32>,
    %iota3A_740 = tpu.iota {dimensions = array<i32: 0>} : vector<16xi32>
    %add3A_741 = arith.constant 112 : i32
    %add3A_742 = vector.broadcast %add3A_741 : i32 to vector<16xi32>
    %add3A_743 = arith.addi %iota3A_740, %add3A_742 : vector<16xi32>
    %swap3A_744 = arith.constant 1 : i32
    %swap3A_745 = arith.constant 0 : i32
    %swap3A_746 = arith.index_cast %swap3A_744 : i32 to index
    %swap3A_747 = arith.index_cast %swap3A_745 : i32 to index
    %swap3A_748 = arith.constant 112 : index
    %swap3A_749 = tpu.vector_load %arg7[%swap3A_746, %swap3A_747, %swap3A_748] {strides = array<i32>} : memref<2x1x128xi32, #tpu.memory_space<vmem>>, vector<1x1x16xi32>,
    %swap3A_750 = vector.shape_cast %swap3A_749 : vector<1x1x16xi32> to vector<16xi32>
    %swap3A_751 = vector.shape_cast %add3A_743 : vector<16xi32> to vector<1x1x16xi32>
    tpu.vector_store %arg7[%swap3A_746, %swap3A_747, %swap3A_748], %swap3A_751 {strides = array<i32>} : memref<2x1x128xi32, #tpu.memory_space<vmem>>, vector<1x1x16xi32>,
    %dma_start3A_752 = arith.constant 1 : i32
    %dma_start3A_753 = arith.constant 0 : i32
    %dma_start3A_754 = arith.constant 0 : i32
    %dma_start3A_755 = tpu.memref_slice %arg7[%dma_start3A_752, %dma_start3A_753, %dma_start3A_754] : memref<2x1x128xi32, #tpu.memory_space<vmem>> -> memref<1x1x128xi32, #tpu.memory_space<vmem>>
    %dma_start3A_756 = tpu.memref_squeeze %dma_start3A_755 : memref<1x1x128xi32, #tpu.memory_space<vmem>> -> memref<128xi32, #tpu.memory_space<vmem>>
    %dma_start3A_757 = arith.constant 0 : i32
    %dma_start3A_758 = arith.constant 0 : i32
    %dma_start3A_759 = tpu.memref_slice %arg5[%dma_start3A_757, %dma_start3A_758] : memref<10240x128xf32, #tpu.memory_space<vmem_shared>> -> memref<10240x128xf32, #tpu.memory_space<vmem_shared>>
    tpu.enqueue_indirect_dma source(%arg9 : memref<128x128xf32, #tpu.memory_space<vmem>>) target(%dma_start3A_759 : memref<10240x128xf32, #tpu.memory_space<vmem_shared>>) offsets(%dma_start3A_756 : memref<128xi32, #tpu.memory_space<vmem>>) semaphore(%arg13 : memref<!tpu.dma_semaphore, #tpu.memory_space<semaphore_mem>>) {add = true}
    %dma_wait3A = arith.constant 1 : i32
    %dma_wait3A_760 = arith.constant 0 : i32
    %dma_wait3A_761 = arith.constant 0 : i32
    %dma_wait3A_762 = tpu.memref_slice %arg6[%dma_wait3A, %dma_wait3A_760, %dma_wait3A_761] : memref<2x1x128xi32, #tpu.memory_space<vmem>> -> memref<1x1x128xi32, #tpu.memory_space<vmem>>
    %dma_wait3A_763 = tpu.memref_squeeze %dma_wait3A_762 : memref<1x1x128xi32, #tpu.memory_space<vmem>> -> memref<128xi32, #tpu.memory_space<vmem>>
    %dma_wait3A_764 = arith.constant 0 : i32
    %dma_wait3A_765 = arith.constant 0 : i32
    %dma_wait3A_766 = tpu.memref_slice %arg5[%dma_wait3A_764, %dma_wait3A_765] : memref<10240x128xf32, #tpu.memory_space<vmem_shared>> -> memref<10240x128xf32, #tpu.memory_space<vmem_shared>>
    tpu.wait_indirect_dma semaphore(%arg12 : memref<!tpu.dma_semaphore, #tpu.memory_space<semaphore_mem>>) src(%arg8 : memref<128x128xf32, #tpu.memory_space<vmem>>) dst(%dma_wait3A_766 : memref<10240x128xf32, #tpu.memory_space<vmem_shared>>)
    %mul3A_767 = arith.constant 162 : i32
    %mul3A_768 = arith.muli %add3A, %mul3A_767 : i32
    %add3A_769 = arith.constant 0 : i32
    %add3A_770 = arith.addi %mul3A_768, %add3A_769 : i32
    "tpu.region"() ({
      %run_scoped3A_1366 = tpu.sem_alloc : memref<!tpu.dma_semaphore, #tpu.memory_space<semaphore_mem>>
      %dma_start3A_1367 = arith.constant 0 : i32
      %dma_start3A_1368 = arith.constant 0 : i32
      %dma_start3A_1369 = arith.constant 0 : i32
      %dma_start3A_1370 = tpu.memref_slice %arg3[%add3A_770, %dma_start3A_1367, %dma_start3A_1368, %dma_start3A_1369] : memref<5184x2x1x128xi32, #tpu.memory_space<hbm>> -> memref<1x2x1x128xi32, #tpu.memory_space<hbm>>
      %dma_start3A_1371 = tpu.memref_squeeze %dma_start3A_1370 : memref<1x2x1x128xi32, #tpu.memory_space<hbm>> -> memref<2x1x128xi32, #tpu.memory_space<hbm>>
      %dma_start3A_1372 = arith.constant 0 : i32
      %dma_start3A_1373 = arith.constant 0 : i32
      %dma_start3A_1374 = arith.constant 0 : i32
      %dma_start3A_1375 = tpu.memref_slice %arg3[%add3A_770, %dma_start3A_1372, %dma_start3A_1373, %dma_start3A_1374] : memref<5184x2x1x128xi32, #tpu.memory_space<hbm>> -> memref<1x2x1x128xi32, #tpu.memory_space<hbm>>
      %dma_start3A_1376 = tpu.memref_squeeze %dma_start3A_1375 : memref<1x2x1x128xi32, #tpu.memory_space<hbm>> -> memref<2x1x128xi32, #tpu.memory_space<hbm>>
      tpu.enqueue_dma source(%dma_start3A_1376 : memref<2x1x128xi32, #tpu.memory_space<hbm>>) target(%arg6 : memref<2x1x128xi32, #tpu.memory_space<vmem>>) target_semaphore(%run_scoped3A_1366 : memref<!tpu.dma_semaphore, #tpu.memory_space<semaphore_mem>>)
      %dma_wait3A_1377 = arith.constant 0 : i32
      %dma_wait3A_1378 = arith.constant 0 : i32
      %dma_wait3A_1379 = arith.constant 0 : i32
      %dma_wait3A_1380 = tpu.memref_slice %arg3[%add3A_770, %dma_wait3A_1377, %dma_wait3A_1378, %dma_wait3A_1379] : memref<5184x2x1x128xi32, #tpu.memory_space<hbm>> -> memref<1x2x1x128xi32, #tpu.memory_space<hbm>>
      %dma_wait3A_1381 = tpu.memref_squeeze %dma_wait3A_1380 : memref<1x2x1x128xi32, #tpu.memory_space<hbm>> -> memref<2x1x128xi32, #tpu.memory_space<hbm>>
      %dma_wait3A_1382 = arith.constant 0 : i32
      %dma_wait3A_1383 = arith.constant 0 : i32
      %dma_wait3A_1384 = arith.constant 0 : i32
      %dma_wait3A_1385 = tpu.memref_slice %arg3[%add3A_770, %dma_wait3A_1382, %dma_wait3A_1383, %dma_wait3A_1384] : memref<5184x2x1x128xi32, #tpu.memory_space<hbm>> -> memref<1x2x1x128xi32, #tpu.memory_space<hbm>>
      %dma_wait3A_1386 = tpu.memref_squeeze %dma_wait3A_1385 : memref<1x2x1x128xi32, #tpu.memory_space<hbm>> -> memref<2x1x128xi32, #tpu.memory_space<hbm>>
      tpu.wait_dma2 semaphore(%run_scoped3A_1366 : memref<!tpu.dma_semaphore, #tpu.memory_space<semaphore_mem>>) src(%dma_wait3A_1386 : memref<2x1x128xi32, #tpu.memory_space<hbm>>) dst(%arg6 : memref<2x1x128xi32, #tpu.memory_space<vmem>>)
      tpu.yield
    }) : () -> ()
    %dma_start3A_771 = arith.constant 0 : i32
    %dma_start3A_772 = arith.constant 0 : i32
    %dma_start3A_773 = arith.constant 0 : i32
    %dma_start3A_774 = tpu.memref_slice %arg6[%dma_start3A_771, %dma_start3A_772, %dma_start3A_773] : memref<2x1x128xi32, #tpu.memory_space<vmem>> -> memref<1x1x128xi32, #tpu.memory_space<vmem>>
    %dma_start3A_775 = tpu.memref_squeeze %dma_start3A_774 : memref<1x1x128xi32, #tpu.memory_space<vmem>> -> memref<128xi32, #tpu.memory_space<vmem>>
    %dma_start3A_776 = arith.constant 0 : i32
    %dma_start3A_777 = arith.constant 0 : i32
    %dma_start3A_778 = tpu.memref_slice %arg2[%dma_start3A_776, %dma_start3A_777] : memref<342016x128xf32, #tpu.memory_space<hbm>> -> memref<342016x128xf32, #tpu.memory_space<hbm>>
    tpu.enqueue_indirect_dma source(%dma_start3A_778 : memref<342016x128xf32, #tpu.memory_space<hbm>>) target(%arg8 : memref<128x128xf32, #tpu.memory_space<vmem>>) offsets(%dma_start3A_775 : memref<128xi32, #tpu.memory_space<vmem>>) semaphore(%arg10 : memref<!tpu.dma_semaphore, #tpu.memory_space<semaphore_mem>>)
    %scan3A_779 = arith.constant 0 : i32
    %scan3A_780 = arith.constant 81 : i32
    %scan3A_781 = arith.addi %scan3A_779, %scan3A_780 : i32
    %scan3A_782 = arith.constant 1 : i32
    scf.for %scan3A_1366 = %scan3A_779 to %scan3A_781 step %scan3A_782  : i32 {
      %mul3A_1367 = arith.constant 1 : i32
      %mul3A_1368 = arith.muli %scan3A_1366, %mul3A_1367 : i32
      %add3A_1369 = arith.constant 0 : i32
      %add3A_1370 = arith.addi %add3A_1369, %mul3A_1368 : i32
      %mul3A_1371 = arith.constant 2 : i32
      %mul3A_1372 = arith.muli %add3A_1370, %mul3A_1371 : i32
      %add3A_1373 = arith.constant 0 : i32
      %add3A_1374 = arith.addi %mul3A_1372, %add3A_1373 : i32
      %add3A_1375 = arith.constant 1 : i32
      %add3A_1376 = arith.addi %add3A_1374, %add3A_1375 : i32
      %lt3A = arith.constant 162 : i32
      %lt3A_1377 = arith.cmpi slt, %add3A_1376, %lt3A : i32
      %convert_element_type3A = arith.extui %lt3A_1377 : i1 to i32
      %cond3A = arith.constant 0 : i32
      %cond3A_1378 = arith.cmpi ne, %convert_element_type3A, %cond3A : i32
      scf.if %cond3A_1378 {
        %add3A_1422 = arith.constant 1 : i32
        %add3A_1423 = arith.addi %add3A_1374, %add3A_1422 : i32
        %dma_wait3A_1424 = arith.constant 1 : i32
        %dma_wait3A_1425 = arith.constant 0 : i32
        %dma_wait3A_1426 = arith.constant 0 : i32
        %dma_wait3A_1427 = tpu.memref_slice %arg7[%dma_wait3A_1424, %dma_wait3A_1425, %dma_wait3A_1426] : memref<2x1x128xi32, #tpu.memory_space<vmem>> -> memref<1x1x128xi32, #tpu.memory_space<vmem>>
        %dma_wait3A_1428 = tpu.memref_squeeze %dma_wait3A_1427 : memref<1x1x128xi32, #tpu.memory_space<vmem>> -> memref<128xi32, #tpu.memory_space<vmem>>
        %dma_wait3A_1429 = arith.constant 0 : i32
        %dma_wait3A_1430 = arith.constant 0 : i32
        %dma_wait3A_1431 = tpu.memref_slice %arg5[%dma_wait3A_1429, %dma_wait3A_1430] : memref<10240x128xf32, #tpu.memory_space<vmem_shared>> -> memref<10240x128xf32, #tpu.memory_space<vmem_shared>>
        tpu.wait_indirect_dma semaphore(%arg13 : memref<!tpu.dma_semaphore, #tpu.memory_space<semaphore_mem>>) src(%arg9 : memref<128x128xf32, #tpu.memory_space<vmem>>) dst(%dma_wait3A_1431 : memref<10240x128xf32, #tpu.memory_space<vmem_shared>>)
        %mul3A_1432 = arith.constant 162 : i32
        %mul3A_1433 = arith.muli %add3A, %mul3A_1432 : i32
        %add3A_1434 = arith.addi %mul3A_1433, %add3A_1423 : i32
        "tpu.region"() ({
          %run_scoped3A_1443 = tpu.sem_alloc : memref<!tpu.dma_semaphore, #tpu.memory_space<semaphore_mem>>
          %dma_start3A_1444 = arith.constant 0 : i32
          %dma_start3A_1445 = arith.constant 0 : i32
          %dma_start3A_1446 = arith.constant 0 : i32
          %dma_start3A_1447 = tpu.memref_slice %arg3[%add3A_1434, %dma_start3A_1444, %dma_start3A_1445, %dma_start3A_1446] : memref<5184x2x1x128xi32, #tpu.memory_space<hbm>> -> memref<1x2x1x128xi32, #tpu.memory_space<hbm>>
          %dma_start3A_1448 = tpu.memref_squeeze %dma_start3A_1447 : memref<1x2x1x128xi32, #tpu.memory_space<hbm>> -> memref<2x1x128xi32, #tpu.memory_space<hbm>>
          %dma_start3A_1449 = arith.constant 0 : i32
          %dma_start3A_1450 = arith.constant 0 : i32
          %dma_start3A_1451 = arith.constant 0 : i32
          %dma_start3A_1452 = tpu.memref_slice %arg3[%add3A_1434, %dma_start3A_1449, %dma_start3A_1450, %dma_start3A_1451] : memref<5184x2x1x128xi32, #tpu.memory_space<hbm>> -> memref<1x2x1x128xi32, #tpu.memory_space<hbm>>
          %dma_start3A_1453 = tpu.memref_squeeze %dma_start3A_1452 : memref<1x2x1x128xi32, #tpu.memory_space<hbm>> -> memref<2x1x128xi32, #tpu.memory_space<hbm>>
          tpu.enqueue_dma source(%dma_start3A_1453 : memref<2x1x128xi32, #tpu.memory_space<hbm>>) target(%arg7 : memref<2x1x128xi32, #tpu.memory_space<vmem>>) target_semaphore(%run_scoped3A_1443 : memref<!tpu.dma_semaphore, #tpu.memory_space<semaphore_mem>>)
          %dma_wait3A_1454 = arith.constant 0 : i32
          %dma_wait3A_1455 = arith.constant 0 : i32
          %dma_wait3A_1456 = arith.constant 0 : i32
          %dma_wait3A_1457 = tpu.memref_slice %arg3[%add3A_1434, %dma_wait3A_1454, %dma_wait3A_1455, %dma_wait3A_1456] : memref<5184x2x1x128xi32, #tpu.memory_space<hbm>> -> memref<1x2x1x128xi32, #tpu.memory_space<hbm>>
          %dma_wait3A_1458 = tpu.memref_squeeze %dma_wait3A_1457 : memref<1x2x1x128xi32, #tpu.memory_space<hbm>> -> memref<2x1x128xi32, #tpu.memory_space<hbm>>
          %dma_wait3A_1459 = arith.constant 0 : i32
          %dma_wait3A_1460 = arith.constant 0 : i32
          %dma_wait3A_1461 = arith.constant 0 : i32
          %dma_wait3A_1462 = tpu.memref_slice %arg3[%add3A_1434, %dma_wait3A_1459, %dma_wait3A_1460, %dma_wait3A_1461] : memref<5184x2x1x128xi32, #tpu.memory_space<hbm>> -> memref<1x2x1x128xi32, #tpu.memory_space<hbm>>
          %dma_wait3A_1463 = tpu.memref_squeeze %dma_wait3A_1462 : memref<1x2x1x128xi32, #tpu.memory_space<hbm>> -> memref<2x1x128xi32, #tpu.memory_space<hbm>>
          tpu.wait_dma2 semaphore(%run_scoped3A_1443 : memref<!tpu.dma_semaphore, #tpu.memory_space<semaphore_mem>>) src(%dma_wait3A_1463 : memref<2x1x128xi32, #tpu.memory_space<hbm>>) dst(%arg7 : memref<2x1x128xi32, #tpu.memory_space<vmem>>)
          tpu.yield
        }) : () -> ()
        %dma_start3A_1435 = arith.constant 0 : i32
        %dma_start3A_1436 = arith.constant 0 : i32
        %dma_start3A_1437 = arith.constant 0 : i32
        %dma_start3A_1438 = tpu.memref_slice %arg7[%dma_start3A_1435, %dma_start3A_1436, %dma_start3A_1437] : memref<2x1x128xi32, #tpu.memory_space<vmem>> -> memref<1x1x128xi32, #tpu.memory_space<vmem>>
        %dma_start3A_1439 = tpu.memref_squeeze %dma_start3A_1438 : memref<1x1x128xi32, #tpu.memory_space<vmem>> -> memref<128xi32, #tpu.memory_space<vmem>>
        %dma_start3A_1440 = arith.constant 0 : i32
        %dma_start3A_1441 = arith.constant 0 : i32
        %dma_start3A_1442 = tpu.memref_slice %arg2[%dma_start3A_1440, %dma_start3A_1441] : memref<342016x128xf32, #tpu.memory_space<hbm>> -> memref<342016x128xf32, #tpu.memory_space<hbm>>
        tpu.enqueue_indirect_dma source(%dma_start3A_1442 : memref<342016x128xf32, #tpu.memory_space<hbm>>) target(%arg9 : memref<128x128xf32, #tpu.memory_space<vmem>>) offsets(%dma_start3A_1439 : memref<128xi32, #tpu.memory_space<vmem>>) semaphore(%arg11 : memref<!tpu.dma_semaphore, #tpu.memory_space<semaphore_mem>>)
      } else {
      }
      %dma_wait3A_1379 = arith.constant 0 : i32
      %dma_wait3A_1380 = arith.constant 0 : i32
      %dma_wait3A_1381 = arith.constant 0 : i32
      %dma_wait3A_1382 = tpu.memref_slice %arg6[%dma_wait3A_1379, %dma_wait3A_1380, %dma_wait3A_1381] : memref<2x1x128xi32, #tpu.memory_space<vmem>> -> memref<1x1x128xi32, #tpu.memory_space<vmem>>
      %dma_wait3A_1383 = tpu.memref_squeeze %dma_wait3A_1382 : memref<1x1x128xi32, #tpu.memory_space<vmem>> -> memref<128xi32, #tpu.memory_space<vmem>>
      %dma_wait3A_1384 = arith.constant 0 : i32
      %dma_wait3A_1385 = arith.constant 0 : i32
      %dma_wait3A_1386 = tpu.memref_slice %arg2[%dma_wait3A_1384, %dma_wait3A_1385] : memref<342016x128xf32, #tpu.memory_space<hbm>> -> memref<342016x128xf32, #tpu.memory_space<hbm>>
      tpu.wait_indirect_dma semaphore(%arg10 : memref<!tpu.dma_semaphore, #tpu.memory_space<semaphore_mem>>) src(%dma_wait3A_1386 : memref<342016x128xf32, #tpu.memory_space<hbm>>) dst(%arg8 : memref<128x128xf32, #tpu.memory_space<vmem>>)
      %dma_start3A_1387 = arith.constant 1 : i32
      %dma_start3A_1388 = arith.constant 0 : i32
      %dma_start3A_1389 = arith.constant 0 : i32
      %dma_start3A_1390 = tpu.memref_slice %arg6[%dma_start3A_1387, %dma_start3A_1388, %dma_start3A_1389] : memref<2x1x128xi32, #tpu.memory_space<vmem>> -> memref<1x1x128xi32, #tpu.memory_space<vmem>>
      %dma_start3A_1391 = tpu.memref_squeeze %dma_start3A_1390 : memref<1x1x128xi32, #tpu.memory_space<vmem>> -> memref<128xi32, #tpu.memory_space<vmem>>
      %dma_start3A_1392 = arith.constant 0 : i32
      %dma_start3A_1393 = arith.constant 0 : i32
      %dma_start3A_1394 = tpu.memref_slice %arg5[%dma_start3A_1392, %dma_start3A_1393] : memref<10240x128xf32, #tpu.memory_space<vmem_shared>> -> memref<10240x128xf32, #tpu.memory_space<vmem_shared>>
      tpu.enqueue_indirect_dma source(%arg8 : memref<128x128xf32, #tpu.memory_space<vmem>>) target(%dma_start3A_1394 : memref<10240x128xf32, #tpu.memory_space<vmem_shared>>) offsets(%dma_start3A_1391 : memref<128xi32, #tpu.memory_space<vmem>>) semaphore(%arg12 : memref<!tpu.dma_semaphore, #tpu.memory_space<semaphore_mem>>) {add = true}
      %mul3A_1395 = arith.constant 2 : i32
      %mul3A_1396 = arith.muli %add3A_1370, %mul3A_1395 : i32
      %add3A_1397 = arith.constant 1 : i32
      %add3A_1398 = arith.addi %mul3A_1396, %add3A_1397 : i32
      %add3A_1399 = arith.constant 1 : i32
      %add3A_1400 = arith.addi %add3A_1398, %add3A_1399 : i32
      %lt3A_1401 = arith.constant 162 : i32
      %lt3A_1402 = arith.cmpi slt, %add3A_1400, %lt3A_1401 : i32
      %convert_element_type3A_1403 = arith.extui %lt3A_1402 : i1 to i32
      %cond3A_1404 = arith.constant 0 : i32
      %cond3A_1405 = arith.cmpi ne, %convert_element_type3A_1403, %cond3A_1404 : i32
      scf.if %cond3A_1405 {
        %add3A_1422 = arith.constant 1 : i32
        %add3A_1423 = arith.addi %add3A_1398, %add3A_1422 : i32
        %dma_wait3A_1424 = arith.constant 1 : i32
        %dma_wait3A_1425 = arith.constant 0 : i32
        %dma_wait3A_1426 = arith.constant 0 : i32
        %dma_wait3A_1427 = tpu.memref_slice %arg6[%dma_wait3A_1424, %dma_wait3A_1425, %dma_wait3A_1426] : memref<2x1x128xi32, #tpu.memory_space<vmem>> -> memref<1x1x128xi32, #tpu.memory_space<vmem>>
        %dma_wait3A_1428 = tpu.memref_squeeze %dma_wait3A_1427 : memref<1x1x128xi32, #tpu.memory_space<vmem>> -> memref<128xi32, #tpu.memory_space<vmem>>
        %dma_wait3A_1429 = arith.constant 0 : i32
        %dma_wait3A_1430 = arith.constant 0 : i32
        %dma_wait3A_1431 = tpu.memref_slice %arg5[%dma_wait3A_1429, %dma_wait3A_1430] : memref<10240x128xf32, #tpu.memory_space<vmem_shared>> -> memref<10240x128xf32, #tpu.memory_space<vmem_shared>>
        tpu.wait_indirect_dma semaphore(%arg12 : memref<!tpu.dma_semaphore, #tpu.memory_space<semaphore_mem>>) src(%arg8 : memref<128x128xf32, #tpu.memory_space<vmem>>) dst(%dma_wait3A_1431 : memref<10240x128xf32, #tpu.memory_space<vmem_shared>>)
        %mul3A_1432 = arith.constant 162 : i32
        %mul3A_1433 = arith.muli %add3A, %mul3A_1432 : i32
        %add3A_1434 = arith.addi %mul3A_1433, %add3A_1423 : i32
        "tpu.region"() ({
          %run_scoped3A_1443 = tpu.sem_alloc : memref<!tpu.dma_semaphore, #tpu.memory_space<semaphore_mem>>
          %dma_start3A_1444 = arith.constant 0 : i32
          %dma_start3A_1445 = arith.constant 0 : i32
          %dma_start3A_1446 = arith.constant 0 : i32
          %dma_start3A_1447 = tpu.memref_slice %arg3[%add3A_1434, %dma_start3A_1444, %dma_start3A_1445, %dma_start3A_1446] : memref<5184x2x1x128xi32, #tpu.memory_space<hbm>> -> memref<1x2x1x128xi32, #tpu.memory_space<hbm>>
          %dma_start3A_1448 = tpu.memref_squeeze %dma_start3A_1447 : memref<1x2x1x128xi32, #tpu.memory_space<hbm>> -> memref<2x1x128xi32, #tpu.memory_space<hbm>>
          %dma_start3A_1449 = arith.constant 0 : i32
          %dma_start3A_1450 = arith.constant 0 : i32
          %dma_start3A_1451 = arith.constant 0 : i32
          %dma_start3A_1452 = tpu.memref_slice %arg3[%add3A_1434, %dma_start3A_1449, %dma_start3A_1450, %dma_start3A_1451] : memref<5184x2x1x128xi32, #tpu.memory_space<hbm>> -> memref<1x2x1x128xi32, #tpu.memory_space<hbm>>
          %dma_start3A_1453 = tpu.memref_squeeze %dma_start3A_1452 : memref<1x2x1x128xi32, #tpu.memory_space<hbm>> -> memref<2x1x128xi32, #tpu.memory_space<hbm>>
          tpu.enqueue_dma source(%dma_start3A_1453 : memref<2x1x128xi32, #tpu.memory_space<hbm>>) target(%arg6 : memref<2x1x128xi32, #tpu.memory_space<vmem>>) target_semaphore(%run_scoped3A_1443 : memref<!tpu.dma_semaphore, #tpu.memory_space<semaphore_mem>>)
          %dma_wait3A_1454 = arith.constant 0 : i32
          %dma_wait3A_1455 = arith.constant 0 : i32
          %dma_wait3A_1456 = arith.constant 0 : i32
          %dma_wait3A_1457 = tpu.memref_slice %arg3[%add3A_1434, %dma_wait3A_1454, %dma_wait3A_1455, %dma_wait3A_1456] : memref<5184x2x1x128xi32, #tpu.memory_space<hbm>> -> memref<1x2x1x128xi32, #tpu.memory_space<hbm>>
          %dma_wait3A_1458 = tpu.memref_squeeze %dma_wait3A_1457 : memref<1x2x1x128xi32, #tpu.memory_space<hbm>> -> memref<2x1x128xi32, #tpu.memory_space<hbm>>
          %dma_wait3A_1459 = arith.constant 0 : i32
          %dma_wait3A_1460 = arith.constant 0 : i32
          %dma_wait3A_1461 = arith.constant 0 : i32
          %dma_wait3A_1462 = tpu.memref_slice %arg3[%add3A_1434, %dma_wait3A_1459, %dma_wait3A_1460, %dma_wait3A_1461] : memref<5184x2x1x128xi32, #tpu.memory_space<hbm>> -> memref<1x2x1x128xi32, #tpu.memory_space<hbm>>
          %dma_wait3A_1463 = tpu.memref_squeeze %dma_wait3A_1462 : memref<1x2x1x128xi32, #tpu.memory_space<hbm>> -> memref<2x1x128xi32, #tpu.memory_space<hbm>>
          tpu.wait_dma2 semaphore(%run_scoped3A_1443 : memref<!tpu.dma_semaphore, #tpu.memory_space<semaphore_mem>>) src(%dma_wait3A_1463 : memref<2x1x128xi32, #tpu.memory_space<hbm>>) dst(%arg6 : memref<2x1x128xi32, #tpu.memory_space<vmem>>)
          tpu.yield
        }) : () -> ()
        %dma_start3A_1435 = arith.constant 0 : i32
        %dma_start3A_1436 = arith.constant 0 : i32
        %dma_start3A_1437 = arith.constant 0 : i32
        %dma_start3A_1438 = tpu.memref_slice %arg6[%dma_start3A_1435, %dma_start3A_1436, %dma_start3A_1437] : memref<2x1x128xi32, #tpu.memory_space<vmem>> -> memref<1x1x128xi32, #tpu.memory_space<vmem>>
        %dma_start3A_1439 = tpu.memref_squeeze %dma_start3A_1438 : memref<1x1x128xi32, #tpu.memory_space<vmem>> -> memref<128xi32, #tpu.memory_space<vmem>>
        %dma_start3A_1440 = arith.constant 0 : i32
        %dma_start3A_1441 = arith.constant 0 : i32
        %dma_start3A_1442 = tpu.memref_slice %arg2[%dma_start3A_1440, %dma_start3A_1441] : memref<342016x128xf32, #tpu.memory_space<hbm>> -> memref<342016x128xf32, #tpu.memory_space<hbm>>
        tpu.enqueue_indirect_dma source(%dma_start3A_1442 : memref<342016x128xf32, #tpu.memory_space<hbm>>) target(%arg8 : memref<128x128xf32, #tpu.memory_space<vmem>>) offsets(%dma_start3A_1439 : memref<128xi32, #tpu.memory_space<vmem>>) semaphore(%arg10 : memref<!tpu.dma_semaphore, #tpu.memory_space<semaphore_mem>>)
      } else {
      }
      %dma_wait3A_1406 = arith.constant 0 : i32
      %dma_wait3A_1407 = arith.constant 0 : i32
      %dma_wait3A_1408 = arith.constant 0 : i32
      %dma_wait3A_1409 = tpu.memref_slice %arg7[%dma_wait3A_1406, %dma_wait3A_1407, %dma_wait3A_1408] : memref<2x1x128xi32, #tpu.memory_space<vmem>> -> memref<1x1x128xi32, #tpu.memory_space<vmem>>
      %dma_wait3A_1410 = tpu.memref_squeeze %dma_wait3A_1409 : memref<1x1x128xi32, #tpu.memory_space<vmem>> -> memref<128xi32, #tpu.memory_space<vmem>>
      %dma_wait3A_1411 = arith.constant 0 : i32
      %dma_wait3A_1412 = arith.constant 0 : i32
      %dma_wait3A_1413 = tpu.memref_slice %arg2[%dma_wait3A_1411, %dma_wait3A_1412] : memref<342016x128xf32, #tpu.memory_space<hbm>> -> memref<342016x128xf32, #tpu.memory_space<hbm>>
      tpu.wait_indirect_dma semaphore(%arg11 : memref<!tpu.dma_semaphore, #tpu.memory_space<semaphore_mem>>) src(%dma_wait3A_1413 : memref<342016x128xf32, #tpu.memory_space<hbm>>) dst(%arg9 : memref<128x128xf32, #tpu.memory_space<vmem>>)
      %dma_start3A_1414 = arith.constant 1 : i32
      %dma_start3A_1415 = arith.constant 0 : i32
      %dma_start3A_1416 = arith.constant 0 : i32
      %dma_start3A_1417 = tpu.memref_slice %arg7[%dma_start3A_1414, %dma_start3A_1415, %dma_start3A_1416] : memref<2x1x128xi32, #tpu.memory_space<vmem>> -> memref<1x1x128xi32, #tpu.memory_space<vmem>>
      %dma_start3A_1418 = tpu.memref_squeeze %dma_start3A_1417 : memref<1x1x128xi32, #tpu.memory_space<vmem>> -> memref<128xi32, #tpu.memory_space<vmem>>
      %dma_start3A_1419 = arith.constant 0 : i32
      %dma_start3A_1420 = arith.constant 0 : i32
      %dma_start3A_1421 = tpu.memref_slice %arg5[%dma_start3A_1419, %dma_start3A_1420] : memref<10240x128xf32, #tpu.memory_space<vmem_shared>> -> memref<10240x128xf32, #tpu.memory_space<vmem_shared>>
      tpu.enqueue_indirect_dma source(%arg9 : memref<128x128xf32, #tpu.memory_space<vmem>>) target(%dma_start3A_1421 : memref<10240x128xf32, #tpu.memory_space<vmem_shared>>) offsets(%dma_start3A_1418 : memref<128xi32, #tpu.memory_space<vmem>>) semaphore(%arg13 : memref<!tpu.dma_semaphore, #tpu.memory_space<semaphore_mem>>) {add = true}
    }
    %scan3A_783 = arith.constant 81 : i32
    %dma_wait3A_784 = arith.constant 1 : i32
    %dma_wait3A_785 = arith.constant 0 : i32
    %dma_wait3A_786 = arith.constant 0 : i32
    %dma_wait3A_787 = tpu.memref_slice %arg6[%dma_wait3A_784, %dma_wait3A_785, %dma_wait3A_786] : memref<2x1x128xi32, #tpu.memory_space<vmem>> -> memref<1x1x128xi32, #tpu.memory_space<vmem>>
    %dma_wait3A_788 = tpu.memref_squeeze %dma_wait3A_787 : memref<1x1x128xi32, #tpu.memory_space<vmem>> -> memref<128xi32, #tpu.memory_space<vmem>>
    %dma_wait3A_789 = arith.constant 0 : i32
    %dma_wait3A_790 = arith.constant 0 : i32
    %dma_wait3A_791 = tpu.memref_slice %arg5[%dma_wait3A_789, %dma_wait3A_790] : memref<10240x128xf32, #tpu.memory_space<vmem_shared>> -> memref<10240x128xf32, #tpu.memory_space<vmem_shared>>
    tpu.wait_indirect_dma semaphore(%arg12 : memref<!tpu.dma_semaphore, #tpu.memory_space<semaphore_mem>>) src(%arg8 : memref<128x128xf32, #tpu.memory_space<vmem>>) dst(%dma_wait3A_791 : memref<10240x128xf32, #tpu.memory_space<vmem_shared>>)
    %dma_wait3A_792 = arith.constant 1 : i32
    %dma_wait3A_793 = arith.constant 0 : i32
    %dma_wait3A_794 = arith.constant 0 : i32
    %dma_wait3A_795 = tpu.memref_slice %arg7[%dma_wait3A_792, %dma_wait3A_793, %dma_wait3A_794] : memref<2x1x128xi32, #tpu.memory_space<vmem>> -> memref<1x1x128xi32, #tpu.memory_space<vmem>>
    %dma_wait3A_796 = tpu.memref_squeeze %dma_wait3A_795 : memref<1x1x128xi32, #tpu.memory_space<vmem>> -> memref<128xi32, #tpu.memory_space<vmem>>
    %dma_wait3A_797 = arith.constant 0 : i32
    %dma_wait3A_798 = arith.constant 0 : i32
    %dma_wait3A_799 = tpu.memref_slice %arg5[%dma_wait3A_797, %dma_wait3A_798] : memref<10240x128xf32, #tpu.memory_space<vmem_shared>> -> memref<10240x128xf32, #tpu.memory_space<vmem_shared>>
    tpu.wait_indirect_dma semaphore(%arg13 : memref<!tpu.dma_semaphore, #tpu.memory_space<semaphore_mem>>) src(%arg9 : memref<128x128xf32, #tpu.memory_space<vmem>>) dst(%dma_wait3A_799 : memref<10240x128xf32, #tpu.memory_space<vmem_shared>>)
    %barrier3A_800 = arith.constant 0 : index
    tpu.barrier barrier_id(%barrier3A_800)
    %mul3A_801 = arith.constant 640 : i32
    %mul3A_802 = arith.muli %arg1, %mul3A_801 : i32
    %add3A_803 = arith.constant 0 : i32
    %add3A_804 = arith.addi %mul3A_802, %add3A_803 : i32
    %mul3A_805 = arith.constant 10240 : i32
    %mul3A_806 = arith.muli %arg0, %mul3A_805 : i32
    %add3A_807 = arith.addi %mul3A_806, %add3A_804 : i32
    %iota3A_808 = tpu.iota {dimensions = array<i32: 0>} : vector<16xi32>
    %add3A_809 = arith.constant 0 : i32
    %add3A_810 = arith.addi %add3A_804, %add3A_809 : i32
    %add3A_811 = vector.broadcast %add3A_810 : i32 to vector<16xi32>
    %add3A_812 = arith.addi %iota3A_808, %add3A_811 : vector<16xi32>
    %swap3A_813 = arith.constant 0 : i32
    %swap3A_814 = arith.constant 0 : i32
    %swap3A_815 = arith.index_cast %swap3A_813 : i32 to index
    %swap3A_816 = arith.index_cast %swap3A_814 : i32 to index
    %swap3A_817 = arith.constant 0 : index
    %swap3A_818 = tpu.vector_load %arg6[%swap3A_815, %swap3A_816, %swap3A_817] {strides = array<i32>} : memref<2x1x128xi32, #tpu.memory_space<vmem>>, vector<1x1x16xi32>,
    %swap3A_819 = vector.shape_cast %swap3A_818 : vector<1x1x16xi32> to vector<16xi32>
    %swap3A_820 = vector.shape_cast %add3A_812 : vector<16xi32> to vector<1x1x16xi32>
    tpu.vector_store %arg6[%swap3A_815, %swap3A_816, %swap3A_817], %swap3A_820 {strides = array<i32>} : memref<2x1x128xi32, #tpu.memory_space<vmem>>, vector<1x1x16xi32>,
    %iota3A_821 = tpu.iota {dimensions = array<i32: 0>} : vector<16xi32>
    %add3A_822 = arith.constant 16 : i32
    %add3A_823 = arith.addi %add3A_804, %add3A_822 : i32
    %add3A_824 = vector.broadcast %add3A_823 : i32 to vector<16xi32>
    %add3A_825 = arith.addi %iota3A_821, %add3A_824 : vector<16xi32>
    %swap3A_826 = arith.constant 0 : i32
    %swap3A_827 = arith.constant 0 : i32
    %swap3A_828 = arith.index_cast %swap3A_826 : i32 to index
    %swap3A_829 = arith.index_cast %swap3A_827 : i32 to index
    %swap3A_830 = arith.constant 16 : index
    %swap3A_831 = tpu.vector_load %arg6[%swap3A_828, %swap3A_829, %swap3A_830] {strides = array<i32>} : memref<2x1x128xi32, #tpu.memory_space<vmem>>, vector<1x1x16xi32>,
    %swap3A_832 = vector.shape_cast %swap3A_831 : vector<1x1x16xi32> to vector<16xi32>
    %swap3A_833 = vector.shape_cast %add3A_825 : vector<16xi32> to vector<1x1x16xi32>
    tpu.vector_store %arg6[%swap3A_828, %swap3A_829, %swap3A_830], %swap3A_833 {strides = array<i32>} : memref<2x1x128xi32, #tpu.memory_space<vmem>>, vector<1x1x16xi32>,
    %iota3A_834 = tpu.iota {dimensions = array<i32: 0>} : vector<16xi32>
    %add3A_835 = arith.constant 32 : i32
    %add3A_836 = arith.addi %add3A_804, %add3A_835 : i32
    %add3A_837 = vector.broadcast %add3A_836 : i32 to vector<16xi32>
    %add3A_838 = arith.addi %iota3A_834, %add3A_837 : vector<16xi32>
    %swap3A_839 = arith.constant 0 : i32
    %swap3A_840 = arith.constant 0 : i32
    %swap3A_841 = arith.index_cast %swap3A_839 : i32 to index
    %swap3A_842 = arith.index_cast %swap3A_840 : i32 to index
    %swap3A_843 = arith.constant 32 : index
    %swap3A_844 = tpu.vector_load %arg6[%swap3A_841, %swap3A_842, %swap3A_843] {strides = array<i32>} : memref<2x1x128xi32, #tpu.memory_space<vmem>>, vector<1x1x16xi32>,
    %swap3A_845 = vector.shape_cast %swap3A_844 : vector<1x1x16xi32> to vector<16xi32>
    %swap3A_846 = vector.shape_cast %add3A_838 : vector<16xi32> to vector<1x1x16xi32>
    tpu.vector_store %arg6[%swap3A_841, %swap3A_842, %swap3A_843], %swap3A_846 {strides = array<i32>} : memref<2x1x128xi32, #tpu.memory_space<vmem>>, vector<1x1x16xi32>,
    %iota3A_847 = tpu.iota {dimensions = array<i32: 0>} : vector<16xi32>
    %add3A_848 = arith.constant 48 : i32
    %add3A_849 = arith.addi %add3A_804, %add3A_848 : i32
    %add3A_850 = vector.broadcast %add3A_849 : i32 to vector<16xi32>
    %add3A_851 = arith.addi %iota3A_847, %add3A_850 : vector<16xi32>
    %swap3A_852 = arith.constant 0 : i32
    %swap3A_853 = arith.constant 0 : i32
    %swap3A_854 = arith.index_cast %swap3A_852 : i32 to index
    %swap3A_855 = arith.index_cast %swap3A_853 : i32 to index
    %swap3A_856 = arith.constant 48 : index
    %swap3A_857 = tpu.vector_load %arg6[%swap3A_854, %swap3A_855, %swap3A_856] {strides = array<i32>} : memref<2x1x128xi32, #tpu.memory_space<vmem>>, vector<1x1x16xi32>,
    %swap3A_858 = vector.shape_cast %swap3A_857 : vector<1x1x16xi32> to vector<16xi32>
    %swap3A_859 = vector.shape_cast %add3A_851 : vector<16xi32> to vector<1x1x16xi32>
    tpu.vector_store %arg6[%swap3A_854, %swap3A_855, %swap3A_856], %swap3A_859 {strides = array<i32>} : memref<2x1x128xi32, #tpu.memory_space<vmem>>, vector<1x1x16xi32>,
    %iota3A_860 = tpu.iota {dimensions = array<i32: 0>} : vector<16xi32>
    %add3A_861 = arith.constant 64 : i32
    %add3A_862 = arith.addi %add3A_804, %add3A_861 : i32
    %add3A_863 = vector.broadcast %add3A_862 : i32 to vector<16xi32>
    %add3A_864 = arith.addi %iota3A_860, %add3A_863 : vector<16xi32>
    %swap3A_865 = arith.constant 0 : i32
    %swap3A_866 = arith.constant 0 : i32
    %swap3A_867 = arith.index_cast %swap3A_865 : i32 to index
    %swap3A_868 = arith.index_cast %swap3A_866 : i32 to index
    %swap3A_869 = arith.constant 64 : index
    %swap3A_870 = tpu.vector_load %arg6[%swap3A_867, %swap3A_868, %swap3A_869] {strides = array<i32>} : memref<2x1x128xi32, #tpu.memory_space<vmem>>, vector<1x1x16xi32>,
    %swap3A_871 = vector.shape_cast %swap3A_870 : vector<1x1x16xi32> to vector<16xi32>
    %swap3A_872 = vector.shape_cast %add3A_864 : vector<16xi32> to vector<1x1x16xi32>
    tpu.vector_store %arg6[%swap3A_867, %swap3A_868, %swap3A_869], %swap3A_872 {strides = array<i32>} : memref<2x1x128xi32, #tpu.memory_space<vmem>>, vector<1x1x16xi32>,
    %iota3A_873 = tpu.iota {dimensions = array<i32: 0>} : vector<16xi32>
    %add3A_874 = arith.constant 80 : i32
    %add3A_875 = arith.addi %add3A_804, %add3A_874 : i32
    %add3A_876 = vector.broadcast %add3A_875 : i32 to vector<16xi32>
    %add3A_877 = arith.addi %iota3A_873, %add3A_876 : vector<16xi32>
    %swap3A_878 = arith.constant 0 : i32
    %swap3A_879 = arith.constant 0 : i32
    %swap3A_880 = arith.index_cast %swap3A_878 : i32 to index
    %swap3A_881 = arith.index_cast %swap3A_879 : i32 to index
    %swap3A_882 = arith.constant 80 : index
    %swap3A_883 = tpu.vector_load %arg6[%swap3A_880, %swap3A_881, %swap3A_882] {strides = array<i32>} : memref<2x1x128xi32, #tpu.memory_space<vmem>>, vector<1x1x16xi32>,
    %swap3A_884 = vector.shape_cast %swap3A_883 : vector<1x1x16xi32> to vector<16xi32>
    %swap3A_885 = vector.shape_cast %add3A_877 : vector<16xi32> to vector<1x1x16xi32>
    tpu.vector_store %arg6[%swap3A_880, %swap3A_881, %swap3A_882], %swap3A_885 {strides = array<i32>} : memref<2x1x128xi32, #tpu.memory_space<vmem>>, vector<1x1x16xi32>,
    %iota3A_886 = tpu.iota {dimensions = array<i32: 0>} : vector<16xi32>
    %add3A_887 = arith.constant 96 : i32
    %add3A_888 = arith.addi %add3A_804, %add3A_887 : i32
    %add3A_889 = vector.broadcast %add3A_888 : i32 to vector<16xi32>
    %add3A_890 = arith.addi %iota3A_886, %add3A_889 : vector<16xi32>
    %swap3A_891 = arith.constant 0 : i32
    %swap3A_892 = arith.constant 0 : i32
    %swap3A_893 = arith.index_cast %swap3A_891 : i32 to index
    %swap3A_894 = arith.index_cast %swap3A_892 : i32 to index
    %swap3A_895 = arith.constant 96 : index
    %swap3A_896 = tpu.vector_load %arg6[%swap3A_893, %swap3A_894, %swap3A_895] {strides = array<i32>} : memref<2x1x128xi32, #tpu.memory_space<vmem>>, vector<1x1x16xi32>,
    %swap3A_897 = vector.shape_cast %swap3A_896 : vector<1x1x16xi32> to vector<16xi32>
    %swap3A_898 = vector.shape_cast %add3A_890 : vector<16xi32> to vector<1x1x16xi32>
    tpu.vector_store %arg6[%swap3A_893, %swap3A_894, %swap3A_895], %swap3A_898 {strides = array<i32>} : memref<2x1x128xi32, #tpu.memory_space<vmem>>, vector<1x1x16xi32>,
    %iota3A_899 = tpu.iota {dimensions = array<i32: 0>} : vector<16xi32>
    %add3A_900 = arith.constant 112 : i32
    %add3A_901 = arith.addi %add3A_804, %add3A_900 : i32
    %add3A_902 = vector.broadcast %add3A_901 : i32 to vector<16xi32>
    %add3A_903 = arith.addi %iota3A_899, %add3A_902 : vector<16xi32>
    %swap3A_904 = arith.constant 0 : i32
    %swap3A_905 = arith.constant 0 : i32
    %swap3A_906 = arith.index_cast %swap3A_904 : i32 to index
    %swap3A_907 = arith.index_cast %swap3A_905 : i32 to index
    %swap3A_908 = arith.constant 112 : index
    %swap3A_909 = tpu.vector_load %arg6[%swap3A_906, %swap3A_907, %swap3A_908] {strides = array<i32>} : memref<2x1x128xi32, #tpu.memory_space<vmem>>, vector<1x1x16xi32>,
    %swap3A_910 = vector.shape_cast %swap3A_909 : vector<1x1x16xi32> to vector<16xi32>
    %swap3A_911 = vector.shape_cast %add3A_903 : vector<16xi32> to vector<1x1x16xi32>
    tpu.vector_store %arg6[%swap3A_906, %swap3A_907, %swap3A_908], %swap3A_911 {strides = array<i32>} : memref<2x1x128xi32, #tpu.memory_space<vmem>>, vector<1x1x16xi32>,
    %run_scoped3A_912 = arith.constant 0 : i32
    %run_scoped3A_913 = arith.constant 0 : i32
    "tpu.region"() ({
      %run_scoped3A_1366 = tpu.sem_alloc : memref<!tpu.dma_semaphore, #tpu.memory_space<semaphore_mem>>
      %dma_start3A_1367 = arith.constant 0 : i32
      %dma_start3A_1368 = tpu.memref_slice %arg6[%run_scoped3A_912, %run_scoped3A_913, %dma_start3A_1367] : memref<2x1x128xi32, #tpu.memory_space<vmem>> -> memref<1x1x128xi32, #tpu.memory_space<vmem>>
      %dma_start3A_1369 = tpu.memref_squeeze %dma_start3A_1368 : memref<1x1x128xi32, #tpu.memory_space<vmem>> -> memref<128xi32, #tpu.memory_space<vmem>>
      %dma_start3A_1370 = arith.constant 0 : i32
      %dma_start3A_1371 = arith.constant 0 : i32
      %dma_start3A_1372 = tpu.memref_slice %arg5[%dma_start3A_1370, %dma_start3A_1371] : memref<10240x128xf32, #tpu.memory_space<vmem_shared>> -> memref<10240x128xf32, #tpu.memory_space<vmem_shared>>
      tpu.enqueue_indirect_dma source(%dma_start3A_1372 : memref<10240x128xf32, #tpu.memory_space<vmem_shared>>) target(%arg8 : memref<128x128xf32, #tpu.memory_space<vmem>>) offsets(%dma_start3A_1369 : memref<128xi32, #tpu.memory_space<vmem>>) semaphore(%run_scoped3A_1366 : memref<!tpu.dma_semaphore, #tpu.memory_space<semaphore_mem>>)
      %dma_wait3A_1373 = arith.constant 0 : i32
      %dma_wait3A_1374 = tpu.memref_slice %arg6[%run_scoped3A_912, %run_scoped3A_913, %dma_wait3A_1373] : memref<2x1x128xi32, #tpu.memory_space<vmem>> -> memref<1x1x128xi32, #tpu.memory_space<vmem>>
      %dma_wait3A_1375 = tpu.memref_squeeze %dma_wait3A_1374 : memref<1x1x128xi32, #tpu.memory_space<vmem>> -> memref<128xi32, #tpu.memory_space<vmem>>
      %dma_wait3A_1376 = arith.constant 0 : i32
      %dma_wait3A_1377 = arith.constant 0 : i32
      %dma_wait3A_1378 = tpu.memref_slice %arg5[%dma_wait3A_1376, %dma_wait3A_1377] : memref<10240x128xf32, #tpu.memory_space<vmem_shared>> -> memref<10240x128xf32, #tpu.memory_space<vmem_shared>>
      tpu.wait_indirect_dma semaphore(%run_scoped3A_1366 : memref<!tpu.dma_semaphore, #tpu.memory_space<semaphore_mem>>) src(%dma_wait3A_1378 : memref<10240x128xf32, #tpu.memory_space<vmem_shared>>) dst(%arg8 : memref<128x128xf32, #tpu.memory_space<vmem>>)
      tpu.yield
    }) : () -> ()
    "tpu.region"() ({
      %run_scoped3A_1366 = tpu.sem_alloc : memref<!tpu.dma_semaphore, #tpu.memory_space<semaphore_mem>>
      %dma_start3A_1367 = arith.constant 0 : i32
      %dma_start3A_1368 = tpu.memref_slice %arg4[%add3A_807, %dma_start3A_1367] : memref<20480x128xf32, #tpu.memory_space<hbm>> -> memref<128x128xf32, #tpu.memory_space<hbm>>
      %dma_start3A_1369 = arith.constant 0 : i32
      %dma_start3A_1370 = tpu.memref_slice %arg4[%add3A_807, %dma_start3A_1369] : memref<20480x128xf32, #tpu.memory_space<hbm>> -> memref<128x128xf32, #tpu.memory_space<hbm>>
      tpu.enqueue_dma source(%arg8 : memref<128x128xf32, #tpu.memory_space<vmem>>) target(%dma_start3A_1370 : memref<128x128xf32, #tpu.memory_space<hbm>>) target_semaphore(%run_scoped3A_1366 : memref<!tpu.dma_semaphore, #tpu.memory_space<semaphore_mem>>)
      %dma_wait3A_1371 = arith.constant 0 : i32
      %dma_wait3A_1372 = tpu.memref_slice %arg4[%add3A_807, %dma_wait3A_1371] : memref<20480x128xf32, #tpu.memory_space<hbm>> -> memref<128x128xf32, #tpu.memory_space<hbm>>
      %dma_wait3A_1373 = arith.constant 0 : i32
      %dma_wait3A_1374 = tpu.memref_slice %arg4[%add3A_807, %dma_wait3A_1373] : memref<20480x128xf32, #tpu.memory_space<hbm>> -> memref<128x128xf32, #tpu.memory_space<hbm>>
      tpu.wait_dma2 semaphore(%run_scoped3A_1366 : memref<!tpu.dma_semaphore, #tpu.memory_space<semaphore_mem>>) src(%arg8 : memref<128x128xf32, #tpu.memory_space<vmem>>) dst(%dma_wait3A_1374 : memref<128x128xf32, #tpu.memory_space<hbm>>)
      tpu.yield
    }) : () -> ()
    %mul3A_914 = arith.constant 640 : i32
    %mul3A_915 = arith.muli %arg1, %mul3A_914 : i32
    %add3A_916 = arith.constant 128 : i32
    %add3A_917 = arith.addi %mul3A_915, %add3A_916 : i32
    %mul3A_918 = arith.constant 10240 : i32
    %mul3A_919 = arith.muli %arg0, %mul3A_918 : i32
    %add3A_920 = arith.addi %mul3A_919, %add3A_917 : i32
    %iota3A_921 = tpu.iota {dimensions = array<i32: 0>} : vector<16xi32>
    %add3A_922 = arith.constant 0 : i32
    %add3A_923 = arith.addi %add3A_917, %add3A_922 : i32
    %add3A_924 = vector.broadcast %add3A_923 : i32 to vector<16xi32>
    %add3A_925 = arith.addi %iota3A_921, %add3A_924 : vector<16xi32>
    %swap3A_926 = arith.constant 0 : i32
    %swap3A_927 = arith.constant 0 : i32
    %swap3A_928 = arith.index_cast %swap3A_926 : i32 to index
    %swap3A_929 = arith.index_cast %swap3A_927 : i32 to index
    %swap3A_930 = arith.constant 0 : index
    %swap3A_931 = tpu.vector_load %arg6[%swap3A_928, %swap3A_929, %swap3A_930] {strides = array<i32>} : memref<2x1x128xi32, #tpu.memory_space<vmem>>, vector<1x1x16xi32>,
    %swap3A_932 = vector.shape_cast %swap3A_931 : vector<1x1x16xi32> to vector<16xi32>
    %swap3A_933 = vector.shape_cast %add3A_925 : vector<16xi32> to vector<1x1x16xi32>
    tpu.vector_store %arg6[%swap3A_928, %swap3A_929, %swap3A_930], %swap3A_933 {strides = array<i32>} : memref<2x1x128xi32, #tpu.memory_space<vmem>>, vector<1x1x16xi32>,
    %iota3A_934 = tpu.iota {dimensions = array<i32: 0>} : vector<16xi32>
    %add3A_935 = arith.constant 16 : i32
    %add3A_936 = arith.addi %add3A_917, %add3A_935 : i32
    %add3A_937 = vector.broadcast %add3A_936 : i32 to vector<16xi32>
    %add3A_938 = arith.addi %iota3A_934, %add3A_937 : vector<16xi32>
    %swap3A_939 = arith.constant 0 : i32
    %swap3A_940 = arith.constant 0 : i32
    %swap3A_941 = arith.index_cast %swap3A_939 : i32 to index
    %swap3A_942 = arith.index_cast %swap3A_940 : i32 to index
    %swap3A_943 = arith.constant 16 : index
    %swap3A_944 = tpu.vector_load %arg6[%swap3A_941, %swap3A_942, %swap3A_943] {strides = array<i32>} : memref<2x1x128xi32, #tpu.memory_space<vmem>>, vector<1x1x16xi32>,
    %swap3A_945 = vector.shape_cast %swap3A_944 : vector<1x1x16xi32> to vector<16xi32>
    %swap3A_946 = vector.shape_cast %add3A_938 : vector<16xi32> to vector<1x1x16xi32>
    tpu.vector_store %arg6[%swap3A_941, %swap3A_942, %swap3A_943], %swap3A_946 {strides = array<i32>} : memref<2x1x128xi32, #tpu.memory_space<vmem>>, vector<1x1x16xi32>,
    %iota3A_947 = tpu.iota {dimensions = array<i32: 0>} : vector<16xi32>
    %add3A_948 = arith.constant 32 : i32
    %add3A_949 = arith.addi %add3A_917, %add3A_948 : i32
    %add3A_950 = vector.broadcast %add3A_949 : i32 to vector<16xi32>
    %add3A_951 = arith.addi %iota3A_947, %add3A_950 : vector<16xi32>
    %swap3A_952 = arith.constant 0 : i32
    %swap3A_953 = arith.constant 0 : i32
    %swap3A_954 = arith.index_cast %swap3A_952 : i32 to index
    %swap3A_955 = arith.index_cast %swap3A_953 : i32 to index
    %swap3A_956 = arith.constant 32 : index
    %swap3A_957 = tpu.vector_load %arg6[%swap3A_954, %swap3A_955, %swap3A_956] {strides = array<i32>} : memref<2x1x128xi32, #tpu.memory_space<vmem>>, vector<1x1x16xi32>,
    %swap3A_958 = vector.shape_cast %swap3A_957 : vector<1x1x16xi32> to vector<16xi32>
    %swap3A_959 = vector.shape_cast %add3A_951 : vector<16xi32> to vector<1x1x16xi32>
    tpu.vector_store %arg6[%swap3A_954, %swap3A_955, %swap3A_956], %swap3A_959 {strides = array<i32>} : memref<2x1x128xi32, #tpu.memory_space<vmem>>, vector<1x1x16xi32>,
    %iota3A_960 = tpu.iota {dimensions = array<i32: 0>} : vector<16xi32>
    %add3A_961 = arith.constant 48 : i32
    %add3A_962 = arith.addi %add3A_917, %add3A_961 : i32
    %add3A_963 = vector.broadcast %add3A_962 : i32 to vector<16xi32>
    %add3A_964 = arith.addi %iota3A_960, %add3A_963 : vector<16xi32>
    %swap3A_965 = arith.constant 0 : i32
    %swap3A_966 = arith.constant 0 : i32
    %swap3A_967 = arith.index_cast %swap3A_965 : i32 to index
    %swap3A_968 = arith.index_cast %swap3A_966 : i32 to index
    %swap3A_969 = arith.constant 48 : index
    %swap3A_970 = tpu.vector_load %arg6[%swap3A_967, %swap3A_968, %swap3A_969] {strides = array<i32>} : memref<2x1x128xi32, #tpu.memory_space<vmem>>, vector<1x1x16xi32>,
    %swap3A_971 = vector.shape_cast %swap3A_970 : vector<1x1x16xi32> to vector<16xi32>
    %swap3A_972 = vector.shape_cast %add3A_964 : vector<16xi32> to vector<1x1x16xi32>
    tpu.vector_store %arg6[%swap3A_967, %swap3A_968, %swap3A_969], %swap3A_972 {strides = array<i32>} : memref<2x1x128xi32, #tpu.memory_space<vmem>>, vector<1x1x16xi32>,
    %iota3A_973 = tpu.iota {dimensions = array<i32: 0>} : vector<16xi32>
    %add3A_974 = arith.constant 64 : i32
    %add3A_975 = arith.addi %add3A_917, %add3A_974 : i32
    %add3A_976 = vector.broadcast %add3A_975 : i32 to vector<16xi32>
    %add3A_977 = arith.addi %iota3A_973, %add3A_976 : vector<16xi32>
    %swap3A_978 = arith.constant 0 : i32
    %swap3A_979 = arith.constant 0 : i32
    %swap3A_980 = arith.index_cast %swap3A_978 : i32 to index
    %swap3A_981 = arith.index_cast %swap3A_979 : i32 to index
    %swap3A_982 = arith.constant 64 : index
    %swap3A_983 = tpu.vector_load %arg6[%swap3A_980, %swap3A_981, %swap3A_982] {strides = array<i32>} : memref<2x1x128xi32, #tpu.memory_space<vmem>>, vector<1x1x16xi32>,
    %swap3A_984 = vector.shape_cast %swap3A_983 : vector<1x1x16xi32> to vector<16xi32>
    %swap3A_985 = vector.shape_cast %add3A_977 : vector<16xi32> to vector<1x1x16xi32>
    tpu.vector_store %arg6[%swap3A_980, %swap3A_981, %swap3A_982], %swap3A_985 {strides = array<i32>} : memref<2x1x128xi32, #tpu.memory_space<vmem>>, vector<1x1x16xi32>,
    %iota3A_986 = tpu.iota {dimensions = array<i32: 0>} : vector<16xi32>
    %add3A_987 = arith.constant 80 : i32
    %add3A_988 = arith.addi %add3A_917, %add3A_987 : i32
    %add3A_989 = vector.broadcast %add3A_988 : i32 to vector<16xi32>
    %add3A_990 = arith.addi %iota3A_986, %add3A_989 : vector<16xi32>
    %swap3A_991 = arith.constant 0 : i32
    %swap3A_992 = arith.constant 0 : i32
    %swap3A_993 = arith.index_cast %swap3A_991 : i32 to index
    %swap3A_994 = arith.index_cast %swap3A_992 : i32 to index
    %swap3A_995 = arith.constant 80 : index
    %swap3A_996 = tpu.vector_load %arg6[%swap3A_993, %swap3A_994, %swap3A_995] {strides = array<i32>} : memref<2x1x128xi32, #tpu.memory_space<vmem>>, vector<1x1x16xi32>,
    %swap3A_997 = vector.shape_cast %swap3A_996 : vector<1x1x16xi32> to vector<16xi32>
    %swap3A_998 = vector.shape_cast %add3A_990 : vector<16xi32> to vector<1x1x16xi32>
    tpu.vector_store %arg6[%swap3A_993, %swap3A_994, %swap3A_995], %swap3A_998 {strides = array<i32>} : memref<2x1x128xi32, #tpu.memory_space<vmem>>, vector<1x1x16xi32>,
    %iota3A_999 = tpu.iota {dimensions = array<i32: 0>} : vector<16xi32>
    %add3A_1000 = arith.constant 96 : i32
    %add3A_1001 = arith.addi %add3A_917, %add3A_1000 : i32
    %add3A_1002 = vector.broadcast %add3A_1001 : i32 to vector<16xi32>
    %add3A_1003 = arith.addi %iota3A_999, %add3A_1002 : vector<16xi32>
    %swap3A_1004 = arith.constant 0 : i32
    %swap3A_1005 = arith.constant 0 : i32
    %swap3A_1006 = arith.index_cast %swap3A_1004 : i32 to index
    %swap3A_1007 = arith.index_cast %swap3A_1005 : i32 to index
    %swap3A_1008 = arith.constant 96 : index
    %swap3A_1009 = tpu.vector_load %arg6[%swap3A_1006, %swap3A_1007, %swap3A_1008] {strides = array<i32>} : memref<2x1x128xi32, #tpu.memory_space<vmem>>, vector<1x1x16xi32>,
    %swap3A_1010 = vector.shape_cast %swap3A_1009 : vector<1x1x16xi32> to vector<16xi32>
    %swap3A_1011 = vector.shape_cast %add3A_1003 : vector<16xi32> to vector<1x1x16xi32>
    tpu.vector_store %arg6[%swap3A_1006, %swap3A_1007, %swap3A_1008], %swap3A_1011 {strides = array<i32>} : memref<2x1x128xi32, #tpu.memory_space<vmem>>, vector<1x1x16xi32>,
    %iota3A_1012 = tpu.iota {dimensions = array<i32: 0>} : vector<16xi32>
    %add3A_1013 = arith.constant 112 : i32
    %add3A_1014 = arith.addi %add3A_917, %add3A_1013 : i32
    %add3A_1015 = vector.broadcast %add3A_1014 : i32 to vector<16xi32>
    %add3A_1016 = arith.addi %iota3A_1012, %add3A_1015 : vector<16xi32>
    %swap3A_1017 = arith.constant 0 : i32
    %swap3A_1018 = arith.constant 0 : i32
    %swap3A_1019 = arith.index_cast %swap3A_1017 : i32 to index
    %swap3A_1020 = arith.index_cast %swap3A_1018 : i32 to index
    %swap3A_1021 = arith.constant 112 : index
    %swap3A_1022 = tpu.vector_load %arg6[%swap3A_1019, %swap3A_1020, %swap3A_1021] {strides = array<i32>} : memref<2x1x128xi32, #tpu.memory_space<vmem>>, vector<1x1x16xi32>,
    %swap3A_1023 = vector.shape_cast %swap3A_1022 : vector<1x1x16xi32> to vector<16xi32>
    %swap3A_1024 = vector.shape_cast %add3A_1016 : vector<16xi32> to vector<1x1x16xi32>
    tpu.vector_store %arg6[%swap3A_1019, %swap3A_1020, %swap3A_1021], %swap3A_1024 {strides = array<i32>} : memref<2x1x128xi32, #tpu.memory_space<vmem>>, vector<1x1x16xi32>,
    %run_scoped3A_1025 = arith.constant 0 : i32
    %run_scoped3A_1026 = arith.constant 0 : i32
    "tpu.region"() ({
      %run_scoped3A_1366 = tpu.sem_alloc : memref<!tpu.dma_semaphore, #tpu.memory_space<semaphore_mem>>
      %dma_start3A_1367 = arith.constant 0 : i32
      %dma_start3A_1368 = tpu.memref_slice %arg6[%run_scoped3A_1025, %run_scoped3A_1026, %dma_start3A_1367] : memref<2x1x128xi32, #tpu.memory_space<vmem>> -> memref<1x1x128xi32, #tpu.memory_space<vmem>>
      %dma_start3A_1369 = tpu.memref_squeeze %dma_start3A_1368 : memref<1x1x128xi32, #tpu.memory_space<vmem>> -> memref<128xi32, #tpu.memory_space<vmem>>
      %dma_start3A_1370 = arith.constant 0 : i32
      %dma_start3A_1371 = arith.constant 0 : i32
      %dma_start3A_1372 = tpu.memref_slice %arg5[%dma_start3A_1370, %dma_start3A_1371] : memref<10240x128xf32, #tpu.memory_space<vmem_shared>> -> memref<10240x128xf32, #tpu.memory_space<vmem_shared>>
      tpu.enqueue_indirect_dma source(%dma_start3A_1372 : memref<10240x128xf32, #tpu.memory_space<vmem_shared>>) target(%arg8 : memref<128x128xf32, #tpu.memory_space<vmem>>) offsets(%dma_start3A_1369 : memref<128xi32, #tpu.memory_space<vmem>>) semaphore(%run_scoped3A_1366 : memref<!tpu.dma_semaphore, #tpu.memory_space<semaphore_mem>>)
      %dma_wait3A_1373 = arith.constant 0 : i32
      %dma_wait3A_1374 = tpu.memref_slice %arg6[%run_scoped3A_1025, %run_scoped3A_1026, %dma_wait3A_1373] : memref<2x1x128xi32, #tpu.memory_space<vmem>> -> memref<1x1x128xi32, #tpu.memory_space<vmem>>
      %dma_wait3A_1375 = tpu.memref_squeeze %dma_wait3A_1374 : memref<1x1x128xi32, #tpu.memory_space<vmem>> -> memref<128xi32, #tpu.memory_space<vmem>>
      %dma_wait3A_1376 = arith.constant 0 : i32
      %dma_wait3A_1377 = arith.constant 0 : i32
      %dma_wait3A_1378 = tpu.memref_slice %arg5[%dma_wait3A_1376, %dma_wait3A_1377] : memref<10240x128xf32, #tpu.memory_space<vmem_shared>> -> memref<10240x128xf32, #tpu.memory_space<vmem_shared>>
      tpu.wait_indirect_dma semaphore(%run_scoped3A_1366 : memref<!tpu.dma_semaphore, #tpu.memory_space<semaphore_mem>>) src(%dma_wait3A_1378 : memref<10240x128xf32, #tpu.memory_space<vmem_shared>>) dst(%arg8 : memref<128x128xf32, #tpu.memory_space<vmem>>)
      tpu.yield
    }) : () -> ()
    "tpu.region"() ({
      %run_scoped3A_1366 = tpu.sem_alloc : memref<!tpu.dma_semaphore, #tpu.memory_space<semaphore_mem>>
      %dma_start3A_1367 = arith.constant 0 : i32
      %dma_start3A_1368 = tpu.memref_slice %arg4[%add3A_920, %dma_start3A_1367] : memref<20480x128xf32, #tpu.memory_space<hbm>> -> memref<128x128xf32, #tpu.memory_space<hbm>>
      %dma_start3A_1369 = arith.constant 0 : i32
      %dma_start3A_1370 = tpu.memref_slice %arg4[%add3A_920, %dma_start3A_1369] : memref<20480x128xf32, #tpu.memory_space<hbm>> -> memref<128x128xf32, #tpu.memory_space<hbm>>
      tpu.enqueue_dma source(%arg8 : memref<128x128xf32, #tpu.memory_space<vmem>>) target(%dma_start3A_1370 : memref<128x128xf32, #tpu.memory_space<hbm>>) target_semaphore(%run_scoped3A_1366 : memref<!tpu.dma_semaphore, #tpu.memory_space<semaphore_mem>>)
      %dma_wait3A_1371 = arith.constant 0 : i32
      %dma_wait3A_1372 = tpu.memref_slice %arg4[%add3A_920, %dma_wait3A_1371] : memref<20480x128xf32, #tpu.memory_space<hbm>> -> memref<128x128xf32, #tpu.memory_space<hbm>>
      %dma_wait3A_1373 = arith.constant 0 : i32
      %dma_wait3A_1374 = tpu.memref_slice %arg4[%add3A_920, %dma_wait3A_1373] : memref<20480x128xf32, #tpu.memory_space<hbm>> -> memref<128x128xf32, #tpu.memory_space<hbm>>
      tpu.wait_dma2 semaphore(%run_scoped3A_1366 : memref<!tpu.dma_semaphore, #tpu.memory_space<semaphore_mem>>) src(%arg8 : memref<128x128xf32, #tpu.memory_space<vmem>>) dst(%dma_wait3A_1374 : memref<128x128xf32, #tpu.memory_space<hbm>>)
      tpu.yield
    }) : () -> ()
    %mul3A_1027 = arith.constant 640 : i32
    %mul3A_1028 = arith.muli %arg1, %mul3A_1027 : i32
    %add3A_1029 = arith.constant 256 : i32
    %add3A_1030 = arith.addi %mul3A_1028, %add3A_1029 : i32
    %mul3A_1031 = arith.constant 10240 : i32
    %mul3A_1032 = arith.muli %arg0, %mul3A_1031 : i32
    %add3A_1033 = arith.addi %mul3A_1032, %add3A_1030 : i32
    %iota3A_1034 = tpu.iota {dimensions = array<i32: 0>} : vector<16xi32>
    %add3A_1035 = arith.constant 0 : i32
    %add3A_1036 = arith.addi %add3A_1030, %add3A_1035 : i32
    %add3A_1037 = vector.broadcast %add3A_1036 : i32 to vector<16xi32>
    %add3A_1038 = arith.addi %iota3A_1034, %add3A_1037 : vector<16xi32>
    %swap3A_1039 = arith.constant 0 : i32
    %swap3A_1040 = arith.constant 0 : i32
    %swap3A_1041 = arith.index_cast %swap3A_1039 : i32 to index
    %swap3A_1042 = arith.index_cast %swap3A_1040 : i32 to index
    %swap3A_1043 = arith.constant 0 : index
    %swap3A_1044 = tpu.vector_load %arg6[%swap3A_1041, %swap3A_1042, %swap3A_1043] {strides = array<i32>} : memref<2x1x128xi32, #tpu.memory_space<vmem>>, vector<1x1x16xi32>,
    %swap3A_1045 = vector.shape_cast %swap3A_1044 : vector<1x1x16xi32> to vector<16xi32>
    %swap3A_1046 = vector.shape_cast %add3A_1038 : vector<16xi32> to vector<1x1x16xi32>
    tpu.vector_store %arg6[%swap3A_1041, %swap3A_1042, %swap3A_1043], %swap3A_1046 {strides = array<i32>} : memref<2x1x128xi32, #tpu.memory_space<vmem>>, vector<1x1x16xi32>,
    %iota3A_1047 = tpu.iota {dimensions = array<i32: 0>} : vector<16xi32>
    %add3A_1048 = arith.constant 16 : i32
    %add3A_1049 = arith.addi %add3A_1030, %add3A_1048 : i32
    %add3A_1050 = vector.broadcast %add3A_1049 : i32 to vector<16xi32>
    %add3A_1051 = arith.addi %iota3A_1047, %add3A_1050 : vector<16xi32>
    %swap3A_1052 = arith.constant 0 : i32
    %swap3A_1053 = arith.constant 0 : i32
    %swap3A_1054 = arith.index_cast %swap3A_1052 : i32 to index
    %swap3A_1055 = arith.index_cast %swap3A_1053 : i32 to index
    %swap3A_1056 = arith.constant 16 : index
    %swap3A_1057 = tpu.vector_load %arg6[%swap3A_1054, %swap3A_1055, %swap3A_1056] {strides = array<i32>} : memref<2x1x128xi32, #tpu.memory_space<vmem>>, vector<1x1x16xi32>,
    %swap3A_1058 = vector.shape_cast %swap3A_1057 : vector<1x1x16xi32> to vector<16xi32>
    %swap3A_1059 = vector.shape_cast %add3A_1051 : vector<16xi32> to vector<1x1x16xi32>
    tpu.vector_store %arg6[%swap3A_1054, %swap3A_1055, %swap3A_1056], %swap3A_1059 {strides = array<i32>} : memref<2x1x128xi32, #tpu.memory_space<vmem>>, vector<1x1x16xi32>,
    %iota3A_1060 = tpu.iota {dimensions = array<i32: 0>} : vector<16xi32>
    %add3A_1061 = arith.constant 32 : i32
    %add3A_1062 = arith.addi %add3A_1030, %add3A_1061 : i32
    %add3A_1063 = vector.broadcast %add3A_1062 : i32 to vector<16xi32>
    %add3A_1064 = arith.addi %iota3A_1060, %add3A_1063 : vector<16xi32>
    %swap3A_1065 = arith.constant 0 : i32
    %swap3A_1066 = arith.constant 0 : i32
    %swap3A_1067 = arith.index_cast %swap3A_1065 : i32 to index
    %swap3A_1068 = arith.index_cast %swap3A_1066 : i32 to index
    %swap3A_1069 = arith.constant 32 : index
    %swap3A_1070 = tpu.vector_load %arg6[%swap3A_1067, %swap3A_1068, %swap3A_1069] {strides = array<i32>} : memref<2x1x128xi32, #tpu.memory_space<vmem>>, vector<1x1x16xi32>,
    %swap3A_1071 = vector.shape_cast %swap3A_1070 : vector<1x1x16xi32> to vector<16xi32>
    %swap3A_1072 = vector.shape_cast %add3A_1064 : vector<16xi32> to vector<1x1x16xi32>
    tpu.vector_store %arg6[%swap3A_1067, %swap3A_1068, %swap3A_1069], %swap3A_1072 {strides = array<i32>} : memref<2x1x128xi32, #tpu.memory_space<vmem>>, vector<1x1x16xi32>,
    %iota3A_1073 = tpu.iota {dimensions = array<i32: 0>} : vector<16xi32>
    %add3A_1074 = arith.constant 48 : i32
    %add3A_1075 = arith.addi %add3A_1030, %add3A_1074 : i32
    %add3A_1076 = vector.broadcast %add3A_1075 : i32 to vector<16xi32>
    %add3A_1077 = arith.addi %iota3A_1073, %add3A_1076 : vector<16xi32>
    %swap3A_1078 = arith.constant 0 : i32
    %swap3A_1079 = arith.constant 0 : i32
    %swap3A_1080 = arith.index_cast %swap3A_1078 : i32 to index
    %swap3A_1081 = arith.index_cast %swap3A_1079 : i32 to index
    %swap3A_1082 = arith.constant 48 : index
    %swap3A_1083 = tpu.vector_load %arg6[%swap3A_1080, %swap3A_1081, %swap3A_1082] {strides = array<i32>} : memref<2x1x128xi32, #tpu.memory_space<vmem>>, vector<1x1x16xi32>,
    %swap3A_1084 = vector.shape_cast %swap3A_1083 : vector<1x1x16xi32> to vector<16xi32>
    %swap3A_1085 = vector.shape_cast %add3A_1077 : vector<16xi32> to vector<1x1x16xi32>
    tpu.vector_store %arg6[%swap3A_1080, %swap3A_1081, %swap3A_1082], %swap3A_1085 {strides = array<i32>} : memref<2x1x128xi32, #tpu.memory_space<vmem>>, vector<1x1x16xi32>,
    %iota3A_1086 = tpu.iota {dimensions = array<i32: 0>} : vector<16xi32>
    %add3A_1087 = arith.constant 64 : i32
    %add3A_1088 = arith.addi %add3A_1030, %add3A_1087 : i32
    %add3A_1089 = vector.broadcast %add3A_1088 : i32 to vector<16xi32>
    %add3A_1090 = arith.addi %iota3A_1086, %add3A_1089 : vector<16xi32>
    %swap3A_1091 = arith.constant 0 : i32
    %swap3A_1092 = arith.constant 0 : i32
    %swap3A_1093 = arith.index_cast %swap3A_1091 : i32 to index
    %swap3A_1094 = arith.index_cast %swap3A_1092 : i32 to index
    %swap3A_1095 = arith.constant 64 : index
    %swap3A_1096 = tpu.vector_load %arg6[%swap3A_1093, %swap3A_1094, %swap3A_1095] {strides = array<i32>} : memref<2x1x128xi32, #tpu.memory_space<vmem>>, vector<1x1x16xi32>,
    %swap3A_1097 = vector.shape_cast %swap3A_1096 : vector<1x1x16xi32> to vector<16xi32>
    %swap3A_1098 = vector.shape_cast %add3A_1090 : vector<16xi32> to vector<1x1x16xi32>
    tpu.vector_store %arg6[%swap3A_1093, %swap3A_1094, %swap3A_1095], %swap3A_1098 {strides = array<i32>} : memref<2x1x128xi32, #tpu.memory_space<vmem>>, vector<1x1x16xi32>,
    %iota3A_1099 = tpu.iota {dimensions = array<i32: 0>} : vector<16xi32>
    %add3A_1100 = arith.constant 80 : i32
    %add3A_1101 = arith.addi %add3A_1030, %add3A_1100 : i32
    %add3A_1102 = vector.broadcast %add3A_1101 : i32 to vector<16xi32>
    %add3A_1103 = arith.addi %iota3A_1099, %add3A_1102 : vector<16xi32>
    %swap3A_1104 = arith.constant 0 : i32
    %swap3A_1105 = arith.constant 0 : i32
    %swap3A_1106 = arith.index_cast %swap3A_1104 : i32 to index
    %swap3A_1107 = arith.index_cast %swap3A_1105 : i32 to index
    %swap3A_1108 = arith.constant 80 : index
    %swap3A_1109 = tpu.vector_load %arg6[%swap3A_1106, %swap3A_1107, %swap3A_1108] {strides = array<i32>} : memref<2x1x128xi32, #tpu.memory_space<vmem>>, vector<1x1x16xi32>,
    %swap3A_1110 = vector.shape_cast %swap3A_1109 : vector<1x1x16xi32> to vector<16xi32>
    %swap3A_1111 = vector.shape_cast %add3A_1103 : vector<16xi32> to vector<1x1x16xi32>
    tpu.vector_store %arg6[%swap3A_1106, %swap3A_1107, %swap3A_1108], %swap3A_1111 {strides = array<i32>} : memref<2x1x128xi32, #tpu.memory_space<vmem>>, vector<1x1x16xi32>,
    %iota3A_1112 = tpu.iota {dimensions = array<i32: 0>} : vector<16xi32>
    %add3A_1113 = arith.constant 96 : i32
    %add3A_1114 = arith.addi %add3A_1030, %add3A_1113 : i32
    %add3A_1115 = vector.broadcast %add3A_1114 : i32 to vector<16xi32>
    %add3A_1116 = arith.addi %iota3A_1112, %add3A_1115 : vector<16xi32>
    %swap3A_1117 = arith.constant 0 : i32
    %swap3A_1118 = arith.constant 0 : i32
    %swap3A_1119 = arith.index_cast %swap3A_1117 : i32 to index
    %swap3A_1120 = arith.index_cast %swap3A_1118 : i32 to index
    %swap3A_1121 = arith.constant 96 : index
    %swap3A_1122 = tpu.vector_load %arg6[%swap3A_1119, %swap3A_1120, %swap3A_1121] {strides = array<i32>} : memref<2x1x128xi32, #tpu.memory_space<vmem>>, vector<1x1x16xi32>,
    %swap3A_1123 = vector.shape_cast %swap3A_1122 : vector<1x1x16xi32> to vector<16xi32>
    %swap3A_1124 = vector.shape_cast %add3A_1116 : vector<16xi32> to vector<1x1x16xi32>
    tpu.vector_store %arg6[%swap3A_1119, %swap3A_1120, %swap3A_1121], %swap3A_1124 {strides = array<i32>} : memref<2x1x128xi32, #tpu.memory_space<vmem>>, vector<1x1x16xi32>,
    %iota3A_1125 = tpu.iota {dimensions = array<i32: 0>} : vector<16xi32>
    %add3A_1126 = arith.constant 112 : i32
    %add3A_1127 = arith.addi %add3A_1030, %add3A_1126 : i32
    %add3A_1128 = vector.broadcast %add3A_1127 : i32 to vector<16xi32>
    %add3A_1129 = arith.addi %iota3A_1125, %add3A_1128 : vector<16xi32>
    %swap3A_1130 = arith.constant 0 : i32
    %swap3A_1131 = arith.constant 0 : i32
    %swap3A_1132 = arith.index_cast %swap3A_1130 : i32 to index
    %swap3A_1133 = arith.index_cast %swap3A_1131 : i32 to index
    %swap3A_1134 = arith.constant 112 : index
    %swap3A_1135 = tpu.vector_load %arg6[%swap3A_1132, %swap3A_1133, %swap3A_1134] {strides = array<i32>} : memref<2x1x128xi32, #tpu.memory_space<vmem>>, vector<1x1x16xi32>,
    %swap3A_1136 = vector.shape_cast %swap3A_1135 : vector<1x1x16xi32> to vector<16xi32>
    %swap3A_1137 = vector.shape_cast %add3A_1129 : vector<16xi32> to vector<1x1x16xi32>
    tpu.vector_store %arg6[%swap3A_1132, %swap3A_1133, %swap3A_1134], %swap3A_1137 {strides = array<i32>} : memref<2x1x128xi32, #tpu.memory_space<vmem>>, vector<1x1x16xi32>,
    %run_scoped3A_1138 = arith.constant 0 : i32
    %run_scoped3A_1139 = arith.constant 0 : i32
    "tpu.region"() ({
      %run_scoped3A_1366 = tpu.sem_alloc : memref<!tpu.dma_semaphore, #tpu.memory_space<semaphore_mem>>
      %dma_start3A_1367 = arith.constant 0 : i32
      %dma_start3A_1368 = tpu.memref_slice %arg6[%run_scoped3A_1138, %run_scoped3A_1139, %dma_start3A_1367] : memref<2x1x128xi32, #tpu.memory_space<vmem>> -> memref<1x1x128xi32, #tpu.memory_space<vmem>>
      %dma_start3A_1369 = tpu.memref_squeeze %dma_start3A_1368 : memref<1x1x128xi32, #tpu.memory_space<vmem>> -> memref<128xi32, #tpu.memory_space<vmem>>
      %dma_start3A_1370 = arith.constant 0 : i32
      %dma_start3A_1371 = arith.constant 0 : i32
      %dma_start3A_1372 = tpu.memref_slice %arg5[%dma_start3A_1370, %dma_start3A_1371] : memref<10240x128xf32, #tpu.memory_space<vmem_shared>> -> memref<10240x128xf32, #tpu.memory_space<vmem_shared>>
      tpu.enqueue_indirect_dma source(%dma_start3A_1372 : memref<10240x128xf32, #tpu.memory_space<vmem_shared>>) target(%arg8 : memref<128x128xf32, #tpu.memory_space<vmem>>) offsets(%dma_start3A_1369 : memref<128xi32, #tpu.memory_space<vmem>>) semaphore(%run_scoped3A_1366 : memref<!tpu.dma_semaphore, #tpu.memory_space<semaphore_mem>>)
      %dma_wait3A_1373 = arith.constant 0 : i32
      %dma_wait3A_1374 = tpu.memref_slice %arg6[%run_scoped3A_1138, %run_scoped3A_1139, %dma_wait3A_1373] : memref<2x1x128xi32, #tpu.memory_space<vmem>> -> memref<1x1x128xi32, #tpu.memory_space<vmem>>
      %dma_wait3A_1375 = tpu.memref_squeeze %dma_wait3A_1374 : memref<1x1x128xi32, #tpu.memory_space<vmem>> -> memref<128xi32, #tpu.memory_space<vmem>>
      %dma_wait3A_1376 = arith.constant 0 : i32
      %dma_wait3A_1377 = arith.constant 0 : i32
      %dma_wait3A_1378 = tpu.memref_slice %arg5[%dma_wait3A_1376, %dma_wait3A_1377] : memref<10240x128xf32, #tpu.memory_space<vmem_shared>> -> memref<10240x128xf32, #tpu.memory_space<vmem_shared>>
      tpu.wait_indirect_dma semaphore(%run_scoped3A_1366 : memref<!tpu.dma_semaphore, #tpu.memory_space<semaphore_mem>>) src(%dma_wait3A_1378 : memref<10240x128xf32, #tpu.memory_space<vmem_shared>>) dst(%arg8 : memref<128x128xf32, #tpu.memory_space<vmem>>)
      tpu.yield
    }) : () -> ()
    "tpu.region"() ({
      %run_scoped3A_1366 = tpu.sem_alloc : memref<!tpu.dma_semaphore, #tpu.memory_space<semaphore_mem>>
      %dma_start3A_1367 = arith.constant 0 : i32
      %dma_start3A_1368 = tpu.memref_slice %arg4[%add3A_1033, %dma_start3A_1367] : memref<20480x128xf32, #tpu.memory_space<hbm>> -> memref<128x128xf32, #tpu.memory_space<hbm>>
      %dma_start3A_1369 = arith.constant 0 : i32
      %dma_start3A_1370 = tpu.memref_slice %arg4[%add3A_1033, %dma_start3A_1369] : memref<20480x128xf32, #tpu.memory_space<hbm>> -> memref<128x128xf32, #tpu.memory_space<hbm>>
      tpu.enqueue_dma source(%arg8 : memref<128x128xf32, #tpu.memory_space<vmem>>) target(%dma_start3A_1370 : memref<128x128xf32, #tpu.memory_space<hbm>>) target_semaphore(%run_scoped3A_1366 : memref<!tpu.dma_semaphore, #tpu.memory_space<semaphore_mem>>)
      %dma_wait3A_1371 = arith.constant 0 : i32
      %dma_wait3A_1372 = tpu.memref_slice %arg4[%add3A_1033, %dma_wait3A_1371] : memref<20480x128xf32, #tpu.memory_space<hbm>> -> memref<128x128xf32, #tpu.memory_space<hbm>>
      %dma_wait3A_1373 = arith.constant 0 : i32
      %dma_wait3A_1374 = tpu.memref_slice %arg4[%add3A_1033, %dma_wait3A_1373] : memref<20480x128xf32, #tpu.memory_space<hbm>> -> memref<128x128xf32, #tpu.memory_space<hbm>>
      tpu.wait_dma2 semaphore(%run_scoped3A_1366 : memref<!tpu.dma_semaphore, #tpu.memory_space<semaphore_mem>>) src(%arg8 : memref<128x128xf32, #tpu.memory_space<vmem>>) dst(%dma_wait3A_1374 : memref<128x128xf32, #tpu.memory_space<hbm>>)
      tpu.yield
    }) : () -> ()
    %mul3A_1140 = arith.constant 640 : i32
    %mul3A_1141 = arith.muli %arg1, %mul3A_1140 : i32
    %add3A_1142 = arith.constant 384 : i32
    %add3A_1143 = arith.addi %mul3A_1141, %add3A_1142 : i32
    %mul3A_1144 = arith.constant 10240 : i32
    %mul3A_1145 = arith.muli %arg0, %mul3A_1144 : i32
    %add3A_1146 = arith.addi %mul3A_1145, %add3A_1143 : i32
    %iota3A_1147 = tpu.iota {dimensions = array<i32: 0>} : vector<16xi32>
    %add3A_1148 = arith.constant 0 : i32
    %add3A_1149 = arith.addi %add3A_1143, %add3A_1148 : i32
    %add3A_1150 = vector.broadcast %add3A_1149 : i32 to vector<16xi32>
    %add3A_1151 = arith.addi %iota3A_1147, %add3A_1150 : vector<16xi32>
    %swap3A_1152 = arith.constant 0 : i32
    %swap3A_1153 = arith.constant 0 : i32
    %swap3A_1154 = arith.index_cast %swap3A_1152 : i32 to index
    %swap3A_1155 = arith.index_cast %swap3A_1153 : i32 to index
    %swap3A_1156 = arith.constant 0 : index
    %swap3A_1157 = tpu.vector_load %arg6[%swap3A_1154, %swap3A_1155, %swap3A_1156] {strides = array<i32>} : memref<2x1x128xi32, #tpu.memory_space<vmem>>, vector<1x1x16xi32>,
    %swap3A_1158 = vector.shape_cast %swap3A_1157 : vector<1x1x16xi32> to vector<16xi32>
    %swap3A_1159 = vector.shape_cast %add3A_1151 : vector<16xi32> to vector<1x1x16xi32>
    tpu.vector_store %arg6[%swap3A_1154, %swap3A_1155, %swap3A_1156], %swap3A_1159 {strides = array<i32>} : memref<2x1x128xi32, #tpu.memory_space<vmem>>, vector<1x1x16xi32>,
    %iota3A_1160 = tpu.iota {dimensions = array<i32: 0>} : vector<16xi32>
    %add3A_1161 = arith.constant 16 : i32
    %add3A_1162 = arith.addi %add3A_1143, %add3A_1161 : i32
    %add3A_1163 = vector.broadcast %add3A_1162 : i32 to vector<16xi32>
    %add3A_1164 = arith.addi %iota3A_1160, %add3A_1163 : vector<16xi32>
    %swap3A_1165 = arith.constant 0 : i32
    %swap3A_1166 = arith.constant 0 : i32
    %swap3A_1167 = arith.index_cast %swap3A_1165 : i32 to index
    %swap3A_1168 = arith.index_cast %swap3A_1166 : i32 to index
    %swap3A_1169 = arith.constant 16 : index
    %swap3A_1170 = tpu.vector_load %arg6[%swap3A_1167, %swap3A_1168, %swap3A_1169] {strides = array<i32>} : memref<2x1x128xi32, #tpu.memory_space<vmem>>, vector<1x1x16xi32>,
    %swap3A_1171 = vector.shape_cast %swap3A_1170 : vector<1x1x16xi32> to vector<16xi32>
    %swap3A_1172 = vector.shape_cast %add3A_1164 : vector<16xi32> to vector<1x1x16xi32>
    tpu.vector_store %arg6[%swap3A_1167, %swap3A_1168, %swap3A_1169], %swap3A_1172 {strides = array<i32>} : memref<2x1x128xi32, #tpu.memory_space<vmem>>, vector<1x1x16xi32>,
    %iota3A_1173 = tpu.iota {dimensions = array<i32: 0>} : vector<16xi32>
    %add3A_1174 = arith.constant 32 : i32
    %add3A_1175 = arith.addi %add3A_1143, %add3A_1174 : i32
    %add3A_1176 = vector.broadcast %add3A_1175 : i32 to vector<16xi32>
    %add3A_1177 = arith.addi %iota3A_1173, %add3A_1176 : vector<16xi32>
    %swap3A_1178 = arith.constant 0 : i32
    %swap3A_1179 = arith.constant 0 : i32
    %swap3A_1180 = arith.index_cast %swap3A_1178 : i32 to index
    %swap3A_1181 = arith.index_cast %swap3A_1179 : i32 to index
    %swap3A_1182 = arith.constant 32 : index
    %swap3A_1183 = tpu.vector_load %arg6[%swap3A_1180, %swap3A_1181, %swap3A_1182] {strides = array<i32>} : memref<2x1x128xi32, #tpu.memory_space<vmem>>, vector<1x1x16xi32>,
    %swap3A_1184 = vector.shape_cast %swap3A_1183 : vector<1x1x16xi32> to vector<16xi32>
    %swap3A_1185 = vector.shape_cast %add3A_1177 : vector<16xi32> to vector<1x1x16xi32>
    tpu.vector_store %arg6[%swap3A_1180, %swap3A_1181, %swap3A_1182], %swap3A_1185 {strides = array<i32>} : memref<2x1x128xi32, #tpu.memory_space<vmem>>, vector<1x1x16xi32>,
    %iota3A_1186 = tpu.iota {dimensions = array<i32: 0>} : vector<16xi32>
    %add3A_1187 = arith.constant 48 : i32
    %add3A_1188 = arith.addi %add3A_1143, %add3A_1187 : i32
    %add3A_1189 = vector.broadcast %add3A_1188 : i32 to vector<16xi32>
    %add3A_1190 = arith.addi %iota3A_1186, %add3A_1189 : vector<16xi32>
    %swap3A_1191 = arith.constant 0 : i32
    %swap3A_1192 = arith.constant 0 : i32
    %swap3A_1193 = arith.index_cast %swap3A_1191 : i32 to index
    %swap3A_1194 = arith.index_cast %swap3A_1192 : i32 to index
    %swap3A_1195 = arith.constant 48 : index
    %swap3A_1196 = tpu.vector_load %arg6[%swap3A_1193, %swap3A_1194, %swap3A_1195] {strides = array<i32>} : memref<2x1x128xi32, #tpu.memory_space<vmem>>, vector<1x1x16xi32>,
    %swap3A_1197 = vector.shape_cast %swap3A_1196 : vector<1x1x16xi32> to vector<16xi32>
    %swap3A_1198 = vector.shape_cast %add3A_1190 : vector<16xi32> to vector<1x1x16xi32>
    tpu.vector_store %arg6[%swap3A_1193, %swap3A_1194, %swap3A_1195], %swap3A_1198 {strides = array<i32>} : memref<2x1x128xi32, #tpu.memory_space<vmem>>, vector<1x1x16xi32>,
    %iota3A_1199 = tpu.iota {dimensions = array<i32: 0>} : vector<16xi32>
    %add3A_1200 = arith.constant 64 : i32
    %add3A_1201 = arith.addi %add3A_1143, %add3A_1200 : i32
    %add3A_1202 = vector.broadcast %add3A_1201 : i32 to vector<16xi32>
    %add3A_1203 = arith.addi %iota3A_1199, %add3A_1202 : vector<16xi32>
    %swap3A_1204 = arith.constant 0 : i32
    %swap3A_1205 = arith.constant 0 : i32
    %swap3A_1206 = arith.index_cast %swap3A_1204 : i32 to index
    %swap3A_1207 = arith.index_cast %swap3A_1205 : i32 to index
    %swap3A_1208 = arith.constant 64 : index
    %swap3A_1209 = tpu.vector_load %arg6[%swap3A_1206, %swap3A_1207, %swap3A_1208] {strides = array<i32>} : memref<2x1x128xi32, #tpu.memory_space<vmem>>, vector<1x1x16xi32>,
    %swap3A_1210 = vector.shape_cast %swap3A_1209 : vector<1x1x16xi32> to vector<16xi32>
    %swap3A_1211 = vector.shape_cast %add3A_1203 : vector<16xi32> to vector<1x1x16xi32>
    tpu.vector_store %arg6[%swap3A_1206, %swap3A_1207, %swap3A_1208], %swap3A_1211 {strides = array<i32>} : memref<2x1x128xi32, #tpu.memory_space<vmem>>, vector<1x1x16xi32>,
    %iota3A_1212 = tpu.iota {dimensions = array<i32: 0>} : vector<16xi32>
    %add3A_1213 = arith.constant 80 : i32
    %add3A_1214 = arith.addi %add3A_1143, %add3A_1213 : i32
    %add3A_1215 = vector.broadcast %add3A_1214 : i32 to vector<16xi32>
    %add3A_1216 = arith.addi %iota3A_1212, %add3A_1215 : vector<16xi32>
    %swap3A_1217 = arith.constant 0 : i32
    %swap3A_1218 = arith.constant 0 : i32
    %swap3A_1219 = arith.index_cast %swap3A_1217 : i32 to index
    %swap3A_1220 = arith.index_cast %swap3A_1218 : i32 to index
    %swap3A_1221 = arith.constant 80 : index
    %swap3A_1222 = tpu.vector_load %arg6[%swap3A_1219, %swap3A_1220, %swap3A_1221] {strides = array<i32>} : memref<2x1x128xi32, #tpu.memory_space<vmem>>, vector<1x1x16xi32>,
    %swap3A_1223 = vector.shape_cast %swap3A_1222 : vector<1x1x16xi32> to vector<16xi32>
    %swap3A_1224 = vector.shape_cast %add3A_1216 : vector<16xi32> to vector<1x1x16xi32>
    tpu.vector_store %arg6[%swap3A_1219, %swap3A_1220, %swap3A_1221], %swap3A_1224 {strides = array<i32>} : memref<2x1x128xi32, #tpu.memory_space<vmem>>, vector<1x1x16xi32>,
    %iota3A_1225 = tpu.iota {dimensions = array<i32: 0>} : vector<16xi32>
    %add3A_1226 = arith.constant 96 : i32
    %add3A_1227 = arith.addi %add3A_1143, %add3A_1226 : i32
    %add3A_1228 = vector.broadcast %add3A_1227 : i32 to vector<16xi32>
    %add3A_1229 = arith.addi %iota3A_1225, %add3A_1228 : vector<16xi32>
    %swap3A_1230 = arith.constant 0 : i32
    %swap3A_1231 = arith.constant 0 : i32
    %swap3A_1232 = arith.index_cast %swap3A_1230 : i32 to index
    %swap3A_1233 = arith.index_cast %swap3A_1231 : i32 to index
    %swap3A_1234 = arith.constant 96 : index
    %swap3A_1235 = tpu.vector_load %arg6[%swap3A_1232, %swap3A_1233, %swap3A_1234] {strides = array<i32>} : memref<2x1x128xi32, #tpu.memory_space<vmem>>, vector<1x1x16xi32>,
    %swap3A_1236 = vector.shape_cast %swap3A_1235 : vector<1x1x16xi32> to vector<16xi32>
    %swap3A_1237 = vector.shape_cast %add3A_1229 : vector<16xi32> to vector<1x1x16xi32>
    tpu.vector_store %arg6[%swap3A_1232, %swap3A_1233, %swap3A_1234], %swap3A_1237 {strides = array<i32>} : memref<2x1x128xi32, #tpu.memory_space<vmem>>, vector<1x1x16xi32>,
    %iota3A_1238 = tpu.iota {dimensions = array<i32: 0>} : vector<16xi32>
    %add3A_1239 = arith.constant 112 : i32
    %add3A_1240 = arith.addi %add3A_1143, %add3A_1239 : i32
    %add3A_1241 = vector.broadcast %add3A_1240 : i32 to vector<16xi32>
    %add3A_1242 = arith.addi %iota3A_1238, %add3A_1241 : vector<16xi32>
    %swap3A_1243 = arith.constant 0 : i32
    %swap3A_1244 = arith.constant 0 : i32
    %swap3A_1245 = arith.index_cast %swap3A_1243 : i32 to index
    %swap3A_1246 = arith.index_cast %swap3A_1244 : i32 to index
    %swap3A_1247 = arith.constant 112 : index
    %swap3A_1248 = tpu.vector_load %arg6[%swap3A_1245, %swap3A_1246, %swap3A_1247] {strides = array<i32>} : memref<2x1x128xi32, #tpu.memory_space<vmem>>, vector<1x1x16xi32>,
    %swap3A_1249 = vector.shape_cast %swap3A_1248 : vector<1x1x16xi32> to vector<16xi32>
    %swap3A_1250 = vector.shape_cast %add3A_1242 : vector<16xi32> to vector<1x1x16xi32>
    tpu.vector_store %arg6[%swap3A_1245, %swap3A_1246, %swap3A_1247], %swap3A_1250 {strides = array<i32>} : memref<2x1x128xi32, #tpu.memory_space<vmem>>, vector<1x1x16xi32>,
    %run_scoped3A_1251 = arith.constant 0 : i32
    %run_scoped3A_1252 = arith.constant 0 : i32
    "tpu.region"() ({
      %run_scoped3A_1366 = tpu.sem_alloc : memref<!tpu.dma_semaphore, #tpu.memory_space<semaphore_mem>>
      %dma_start3A_1367 = arith.constant 0 : i32
      %dma_start3A_1368 = tpu.memref_slice %arg6[%run_scoped3A_1251, %run_scoped3A_1252, %dma_start3A_1367] : memref<2x1x128xi32, #tpu.memory_space<vmem>> -> memref<1x1x128xi32, #tpu.memory_space<vmem>>
      %dma_start3A_1369 = tpu.memref_squeeze %dma_start3A_1368 : memref<1x1x128xi32, #tpu.memory_space<vmem>> -> memref<128xi32, #tpu.memory_space<vmem>>
      %dma_start3A_1370 = arith.constant 0 : i32
      %dma_start3A_1371 = arith.constant 0 : i32
      %dma_start3A_1372 = tpu.memref_slice %arg5[%dma_start3A_1370, %dma_start3A_1371] : memref<10240x128xf32, #tpu.memory_space<vmem_shared>> -> memref<10240x128xf32, #tpu.memory_space<vmem_shared>>
      tpu.enqueue_indirect_dma source(%dma_start3A_1372 : memref<10240x128xf32, #tpu.memory_space<vmem_shared>>) target(%arg8 : memref<128x128xf32, #tpu.memory_space<vmem>>) offsets(%dma_start3A_1369 : memref<128xi32, #tpu.memory_space<vmem>>) semaphore(%run_scoped3A_1366 : memref<!tpu.dma_semaphore, #tpu.memory_space<semaphore_mem>>)
      %dma_wait3A_1373 = arith.constant 0 : i32
      %dma_wait3A_1374 = tpu.memref_slice %arg6[%run_scoped3A_1251, %run_scoped3A_1252, %dma_wait3A_1373] : memref<2x1x128xi32, #tpu.memory_space<vmem>> -> memref<1x1x128xi32, #tpu.memory_space<vmem>>
      %dma_wait3A_1375 = tpu.memref_squeeze %dma_wait3A_1374 : memref<1x1x128xi32, #tpu.memory_space<vmem>> -> memref<128xi32, #tpu.memory_space<vmem>>
      %dma_wait3A_1376 = arith.constant 0 : i32
      %dma_wait3A_1377 = arith.constant 0 : i32
      %dma_wait3A_1378 = tpu.memref_slice %arg5[%dma_wait3A_1376, %dma_wait3A_1377] : memref<10240x128xf32, #tpu.memory_space<vmem_shared>> -> memref<10240x128xf32, #tpu.memory_space<vmem_shared>>
      tpu.wait_indirect_dma semaphore(%run_scoped3A_1366 : memref<!tpu.dma_semaphore, #tpu.memory_space<semaphore_mem>>) src(%dma_wait3A_1378 : memref<10240x128xf32, #tpu.memory_space<vmem_shared>>) dst(%arg8 : memref<128x128xf32, #tpu.memory_space<vmem>>)
      tpu.yield
    }) : () -> ()
    "tpu.region"() ({
      %run_scoped3A_1366 = tpu.sem_alloc : memref<!tpu.dma_semaphore, #tpu.memory_space<semaphore_mem>>
      %dma_start3A_1367 = arith.constant 0 : i32
      %dma_start3A_1368 = tpu.memref_slice %arg4[%add3A_1146, %dma_start3A_1367] : memref<20480x128xf32, #tpu.memory_space<hbm>> -> memref<128x128xf32, #tpu.memory_space<hbm>>
      %dma_start3A_1369 = arith.constant 0 : i32
      %dma_start3A_1370 = tpu.memref_slice %arg4[%add3A_1146, %dma_start3A_1369] : memref<20480x128xf32, #tpu.memory_space<hbm>> -> memref<128x128xf32, #tpu.memory_space<hbm>>
      tpu.enqueue_dma source(%arg8 : memref<128x128xf32, #tpu.memory_space<vmem>>) target(%dma_start3A_1370 : memref<128x128xf32, #tpu.memory_space<hbm>>) target_semaphore(%run_scoped3A_1366 : memref<!tpu.dma_semaphore, #tpu.memory_space<semaphore_mem>>)
      %dma_wait3A_1371 = arith.constant 0 : i32
      %dma_wait3A_1372 = tpu.memref_slice %arg4[%add3A_1146, %dma_wait3A_1371] : memref<20480x128xf32, #tpu.memory_space<hbm>> -> memref<128x128xf32, #tpu.memory_space<hbm>>
      %dma_wait3A_1373 = arith.constant 0 : i32
      %dma_wait3A_1374 = tpu.memref_slice %arg4[%add3A_1146, %dma_wait3A_1373] : memref<20480x128xf32, #tpu.memory_space<hbm>> -> memref<128x128xf32, #tpu.memory_space<hbm>>
      tpu.wait_dma2 semaphore(%run_scoped3A_1366 : memref<!tpu.dma_semaphore, #tpu.memory_space<semaphore_mem>>) src(%arg8 : memref<128x128xf32, #tpu.memory_space<vmem>>) dst(%dma_wait3A_1374 : memref<128x128xf32, #tpu.memory_space<hbm>>)
      tpu.yield
    }) : () -> ()
    %mul3A_1253 = arith.constant 640 : i32
    %mul3A_1254 = arith.muli %arg1, %mul3A_1253 : i32
    %add3A_1255 = arith.constant 512 : i32
    %add3A_1256 = arith.addi %mul3A_1254, %add3A_1255 : i32
    %mul3A_1257 = arith.constant 10240 : i32
    %mul3A_1258 = arith.muli %arg0, %mul3A_1257 : i32
    %add3A_1259 = arith.addi %mul3A_1258, %add3A_1256 : i32
    %iota3A_1260 = tpu.iota {dimensions = array<i32: 0>} : vector<16xi32>
    %add3A_1261 = arith.constant 0 : i32
    %add3A_1262 = arith.addi %add3A_1256, %add3A_1261 : i32
    %add3A_1263 = vector.broadcast %add3A_1262 : i32 to vector<16xi32>
    %add3A_1264 = arith.addi %iota3A_1260, %add3A_1263 : vector<16xi32>
    %swap3A_1265 = arith.constant 0 : i32
    %swap3A_1266 = arith.constant 0 : i32
    %swap3A_1267 = arith.index_cast %swap3A_1265 : i32 to index
    %swap3A_1268 = arith.index_cast %swap3A_1266 : i32 to index
    %swap3A_1269 = arith.constant 0 : index
    %swap3A_1270 = tpu.vector_load %arg6[%swap3A_1267, %swap3A_1268, %swap3A_1269] {strides = array<i32>} : memref<2x1x128xi32, #tpu.memory_space<vmem>>, vector<1x1x16xi32>,
    %swap3A_1271 = vector.shape_cast %swap3A_1270 : vector<1x1x16xi32> to vector<16xi32>
    %swap3A_1272 = vector.shape_cast %add3A_1264 : vector<16xi32> to vector<1x1x16xi32>
    tpu.vector_store %arg6[%swap3A_1267, %swap3A_1268, %swap3A_1269], %swap3A_1272 {strides = array<i32>} : memref<2x1x128xi32, #tpu.memory_space<vmem>>, vector<1x1x16xi32>,
    %iota3A_1273 = tpu.iota {dimensions = array<i32: 0>} : vector<16xi32>
    %add3A_1274 = arith.constant 16 : i32
    %add3A_1275 = arith.addi %add3A_1256, %add3A_1274 : i32
    %add3A_1276 = vector.broadcast %add3A_1275 : i32 to vector<16xi32>
    %add3A_1277 = arith.addi %iota3A_1273, %add3A_1276 : vector<16xi32>
    %swap3A_1278 = arith.constant 0 : i32
    %swap3A_1279 = arith.constant 0 : i32
    %swap3A_1280 = arith.index_cast %swap3A_1278 : i32 to index
    %swap3A_1281 = arith.index_cast %swap3A_1279 : i32 to index
    %swap3A_1282 = arith.constant 16 : index
    %swap3A_1283 = tpu.vector_load %arg6[%swap3A_1280, %swap3A_1281, %swap3A_1282] {strides = array<i32>} : memref<2x1x128xi32, #tpu.memory_space<vmem>>, vector<1x1x16xi32>,
    %swap3A_1284 = vector.shape_cast %swap3A_1283 : vector<1x1x16xi32> to vector<16xi32>
    %swap3A_1285 = vector.shape_cast %add3A_1277 : vector<16xi32> to vector<1x1x16xi32>
    tpu.vector_store %arg6[%swap3A_1280, %swap3A_1281, %swap3A_1282], %swap3A_1285 {strides = array<i32>} : memref<2x1x128xi32, #tpu.memory_space<vmem>>, vector<1x1x16xi32>,
    %iota3A_1286 = tpu.iota {dimensions = array<i32: 0>} : vector<16xi32>
    %add3A_1287 = arith.constant 32 : i32
    %add3A_1288 = arith.addi %add3A_1256, %add3A_1287 : i32
    %add3A_1289 = vector.broadcast %add3A_1288 : i32 to vector<16xi32>
    %add3A_1290 = arith.addi %iota3A_1286, %add3A_1289 : vector<16xi32>
    %swap3A_1291 = arith.constant 0 : i32
    %swap3A_1292 = arith.constant 0 : i32
    %swap3A_1293 = arith.index_cast %swap3A_1291 : i32 to index
    %swap3A_1294 = arith.index_cast %swap3A_1292 : i32 to index
    %swap3A_1295 = arith.constant 32 : index
    %swap3A_1296 = tpu.vector_load %arg6[%swap3A_1293, %swap3A_1294, %swap3A_1295] {strides = array<i32>} : memref<2x1x128xi32, #tpu.memory_space<vmem>>, vector<1x1x16xi32>,
    %swap3A_1297 = vector.shape_cast %swap3A_1296 : vector<1x1x16xi32> to vector<16xi32>
    %swap3A_1298 = vector.shape_cast %add3A_1290 : vector<16xi32> to vector<1x1x16xi32>
    tpu.vector_store %arg6[%swap3A_1293, %swap3A_1294, %swap3A_1295], %swap3A_1298 {strides = array<i32>} : memref<2x1x128xi32, #tpu.memory_space<vmem>>, vector<1x1x16xi32>,
    %iota3A_1299 = tpu.iota {dimensions = array<i32: 0>} : vector<16xi32>
    %add3A_1300 = arith.constant 48 : i32
    %add3A_1301 = arith.addi %add3A_1256, %add3A_1300 : i32
    %add3A_1302 = vector.broadcast %add3A_1301 : i32 to vector<16xi32>
    %add3A_1303 = arith.addi %iota3A_1299, %add3A_1302 : vector<16xi32>
    %swap3A_1304 = arith.constant 0 : i32
    %swap3A_1305 = arith.constant 0 : i32
    %swap3A_1306 = arith.index_cast %swap3A_1304 : i32 to index
    %swap3A_1307 = arith.index_cast %swap3A_1305 : i32 to index
    %swap3A_1308 = arith.constant 48 : index
    %swap3A_1309 = tpu.vector_load %arg6[%swap3A_1306, %swap3A_1307, %swap3A_1308] {strides = array<i32>} : memref<2x1x128xi32, #tpu.memory_space<vmem>>, vector<1x1x16xi32>,
    %swap3A_1310 = vector.shape_cast %swap3A_1309 : vector<1x1x16xi32> to vector<16xi32>
    %swap3A_1311 = vector.shape_cast %add3A_1303 : vector<16xi32> to vector<1x1x16xi32>
    tpu.vector_store %arg6[%swap3A_1306, %swap3A_1307, %swap3A_1308], %swap3A_1311 {strides = array<i32>} : memref<2x1x128xi32, #tpu.memory_space<vmem>>, vector<1x1x16xi32>,
    %iota3A_1312 = tpu.iota {dimensions = array<i32: 0>} : vector<16xi32>
    %add3A_1313 = arith.constant 64 : i32
    %add3A_1314 = arith.addi %add3A_1256, %add3A_1313 : i32
    %add3A_1315 = vector.broadcast %add3A_1314 : i32 to vector<16xi32>
    %add3A_1316 = arith.addi %iota3A_1312, %add3A_1315 : vector<16xi32>
    %swap3A_1317 = arith.constant 0 : i32
    %swap3A_1318 = arith.constant 0 : i32
    %swap3A_1319 = arith.index_cast %swap3A_1317 : i32 to index
    %swap3A_1320 = arith.index_cast %swap3A_1318 : i32 to index
    %swap3A_1321 = arith.constant 64 : index
    %swap3A_1322 = tpu.vector_load %arg6[%swap3A_1319, %swap3A_1320, %swap3A_1321] {strides = array<i32>} : memref<2x1x128xi32, #tpu.memory_space<vmem>>, vector<1x1x16xi32>,
    %swap3A_1323 = vector.shape_cast %swap3A_1322 : vector<1x1x16xi32> to vector<16xi32>
    %swap3A_1324 = vector.shape_cast %add3A_1316 : vector<16xi32> to vector<1x1x16xi32>
    tpu.vector_store %arg6[%swap3A_1319, %swap3A_1320, %swap3A_1321], %swap3A_1324 {strides = array<i32>} : memref<2x1x128xi32, #tpu.memory_space<vmem>>, vector<1x1x16xi32>,
    %iota3A_1325 = tpu.iota {dimensions = array<i32: 0>} : vector<16xi32>
    %add3A_1326 = arith.constant 80 : i32
    %add3A_1327 = arith.addi %add3A_1256, %add3A_1326 : i32
    %add3A_1328 = vector.broadcast %add3A_1327 : i32 to vector<16xi32>
    %add3A_1329 = arith.addi %iota3A_1325, %add3A_1328 : vector<16xi32>
    %swap3A_1330 = arith.constant 0 : i32
    %swap3A_1331 = arith.constant 0 : i32
    %swap3A_1332 = arith.index_cast %swap3A_1330 : i32 to index
    %swap3A_1333 = arith.index_cast %swap3A_1331 : i32 to index
    %swap3A_1334 = arith.constant 80 : index
    %swap3A_1335 = tpu.vector_load %arg6[%swap3A_1332, %swap3A_1333, %swap3A_1334] {strides = array<i32>} : memref<2x1x128xi32, #tpu.memory_space<vmem>>, vector<1x1x16xi32>,
    %swap3A_1336 = vector.shape_cast %swap3A_1335 : vector<1x1x16xi32> to vector<16xi32>
    %swap3A_1337 = vector.shape_cast %add3A_1329 : vector<16xi32> to vector<1x1x16xi32>
    tpu.vector_store %arg6[%swap3A_1332, %swap3A_1333, %swap3A_1334], %swap3A_1337 {strides = array<i32>} : memref<2x1x128xi32, #tpu.memory_space<vmem>>, vector<1x1x16xi32>,
    %iota3A_1338 = tpu.iota {dimensions = array<i32: 0>} : vector<16xi32>
    %add3A_1339 = arith.constant 96 : i32
    %add3A_1340 = arith.addi %add3A_1256, %add3A_1339 : i32
    %add3A_1341 = vector.broadcast %add3A_1340 : i32 to vector<16xi32>
    %add3A_1342 = arith.addi %iota3A_1338, %add3A_1341 : vector<16xi32>
    %swap3A_1343 = arith.constant 0 : i32
    %swap3A_1344 = arith.constant 0 : i32
    %swap3A_1345 = arith.index_cast %swap3A_1343 : i32 to index
    %swap3A_1346 = arith.index_cast %swap3A_1344 : i32 to index
    %swap3A_1347 = arith.constant 96 : index
    %swap3A_1348 = tpu.vector_load %arg6[%swap3A_1345, %swap3A_1346, %swap3A_1347] {strides = array<i32>} : memref<2x1x128xi32, #tpu.memory_space<vmem>>, vector<1x1x16xi32>,
    %swap3A_1349 = vector.shape_cast %swap3A_1348 : vector<1x1x16xi32> to vector<16xi32>
    %swap3A_1350 = vector.shape_cast %add3A_1342 : vector<16xi32> to vector<1x1x16xi32>
    tpu.vector_store %arg6[%swap3A_1345, %swap3A_1346, %swap3A_1347], %swap3A_1350 {strides = array<i32>} : memref<2x1x128xi32, #tpu.memory_space<vmem>>, vector<1x1x16xi32>,
    %iota3A_1351 = tpu.iota {dimensions = array<i32: 0>} : vector<16xi32>
    %add3A_1352 = arith.constant 112 : i32
    %add3A_1353 = arith.addi %add3A_1256, %add3A_1352 : i32
    %add3A_1354 = vector.broadcast %add3A_1353 : i32 to vector<16xi32>
    %add3A_1355 = arith.addi %iota3A_1351, %add3A_1354 : vector<16xi32>
    %swap3A_1356 = arith.constant 0 : i32
    %swap3A_1357 = arith.constant 0 : i32
    %swap3A_1358 = arith.index_cast %swap3A_1356 : i32 to index
    %swap3A_1359 = arith.index_cast %swap3A_1357 : i32 to index
    %swap3A_1360 = arith.constant 112 : index
    %swap3A_1361 = tpu.vector_load %arg6[%swap3A_1358, %swap3A_1359, %swap3A_1360] {strides = array<i32>} : memref<2x1x128xi32, #tpu.memory_space<vmem>>, vector<1x1x16xi32>,
    %swap3A_1362 = vector.shape_cast %swap3A_1361 : vector<1x1x16xi32> to vector<16xi32>
    %swap3A_1363 = vector.shape_cast %add3A_1355 : vector<16xi32> to vector<1x1x16xi32>
    tpu.vector_store %arg6[%swap3A_1358, %swap3A_1359, %swap3A_1360], %swap3A_1363 {strides = array<i32>} : memref<2x1x128xi32, #tpu.memory_space<vmem>>, vector<1x1x16xi32>,
    %run_scoped3A_1364 = arith.constant 0 : i32
    %run_scoped3A_1365 = arith.constant 0 : i32
    "tpu.region"() ({
      %run_scoped3A_1366 = tpu.sem_alloc : memref<!tpu.dma_semaphore, #tpu.memory_space<semaphore_mem>>
      %dma_start3A_1367 = arith.constant 0 : i32
      %dma_start3A_1368 = tpu.memref_slice %arg6[%run_scoped3A_1364, %run_scoped3A_1365, %dma_start3A_1367] : memref<2x1x128xi32, #tpu.memory_space<vmem>> -> memref<1x1x128xi32, #tpu.memory_space<vmem>>
      %dma_start3A_1369 = tpu.memref_squeeze %dma_start3A_1368 : memref<1x1x128xi32, #tpu.memory_space<vmem>> -> memref<128xi32, #tpu.memory_space<vmem>>
      %dma_start3A_1370 = arith.constant 0 : i32
      %dma_start3A_1371 = arith.constant 0 : i32
      %dma_start3A_1372 = tpu.memref_slice %arg5[%dma_start3A_1370, %dma_start3A_1371] : memref<10240x128xf32, #tpu.memory_space<vmem_shared>> -> memref<10240x128xf32, #tpu.memory_space<vmem_shared>>
      tpu.enqueue_indirect_dma source(%dma_start3A_1372 : memref<10240x128xf32, #tpu.memory_space<vmem_shared>>) target(%arg8 : memref<128x128xf32, #tpu.memory_space<vmem>>) offsets(%dma_start3A_1369 : memref<128xi32, #tpu.memory_space<vmem>>) semaphore(%run_scoped3A_1366 : memref<!tpu.dma_semaphore, #tpu.memory_space<semaphore_mem>>)
      %dma_wait3A_1373 = arith.constant 0 : i32
      %dma_wait3A_1374 = tpu.memref_slice %arg6[%run_scoped3A_1364, %run_scoped3A_1365, %dma_wait3A_1373] : memref<2x1x128xi32, #tpu.memory_space<vmem>> -> memref<1x1x128xi32, #tpu.memory_space<vmem>>
      %dma_wait3A_1375 = tpu.memref_squeeze %dma_wait3A_1374 : memref<1x1x128xi32, #tpu.memory_space<vmem>> -> memref<128xi32, #tpu.memory_space<vmem>>
      %dma_wait3A_1376 = arith.constant 0 : i32
      %dma_wait3A_1377 = arith.constant 0 : i32
      %dma_wait3A_1378 = tpu.memref_slice %arg5[%dma_wait3A_1376, %dma_wait3A_1377] : memref<10240x128xf32, #tpu.memory_space<vmem_shared>> -> memref<10240x128xf32, #tpu.memory_space<vmem_shared>>
      tpu.wait_indirect_dma semaphore(%run_scoped3A_1366 : memref<!tpu.dma_semaphore, #tpu.memory_space<semaphore_mem>>) src(%dma_wait3A_1378 : memref<10240x128xf32, #tpu.memory_space<vmem_shared>>) dst(%arg8 : memref<128x128xf32, #tpu.memory_space<vmem>>)
      tpu.yield
    }) : () -> ()
    "tpu.region"() ({
      %run_scoped3A_1366 = tpu.sem_alloc : memref<!tpu.dma_semaphore, #tpu.memory_space<semaphore_mem>>
      %dma_start3A_1367 = arith.constant 0 : i32
      %dma_start3A_1368 = tpu.memref_slice %arg4[%add3A_1259, %dma_start3A_1367] : memref<20480x128xf32, #tpu.memory_space<hbm>> -> memref<128x128xf32, #tpu.memory_space<hbm>>
      %dma_start3A_1369 = arith.constant 0 : i32
      %dma_start3A_1370 = tpu.memref_slice %arg4[%add3A_1259, %dma_start3A_1369] : memref<20480x128xf32, #tpu.memory_space<hbm>> -> memref<128x128xf32, #tpu.memory_space<hbm>>
      tpu.enqueue_dma source(%arg8 : memref<128x128xf32, #tpu.memory_space<vmem>>) target(%dma_start3A_1370 : memref<128x128xf32, #tpu.memory_space<hbm>>) target_semaphore(%run_scoped3A_1366 : memref<!tpu.dma_semaphore, #tpu.memory_space<semaphore_mem>>)
      %dma_wait3A_1371 = arith.constant 0 : i32
      %dma_wait3A_1372 = tpu.memref_slice %arg4[%add3A_1259, %dma_wait3A_1371] : memref<20480x128xf32, #tpu.memory_space<hbm>> -> memref<128x128xf32, #tpu.memory_space<hbm>>
      %dma_wait3A_1373 = arith.constant 0 : i32
      %dma_wait3A_1374 = tpu.memref_slice %arg4[%add3A_1259, %dma_wait3A_1373] : memref<20480x128xf32, #tpu.memory_space<hbm>> -> memref<128x128xf32, #tpu.memory_space<hbm>>
      tpu.wait_dma2 semaphore(%run_scoped3A_1366 : memref<!tpu.dma_semaphore, #tpu.memory_space<semaphore_mem>>) src(%arg8 : memref<128x128xf32, #tpu.memory_space<vmem>>) dst(%dma_wait3A_1374 : memref<128x128xf32, #tpu.memory_space<hbm>>)
      tpu.yield
    }) : () -> ()
    return
  }
}

module attributes {stable_mosaic.version = 14 : i64} {
  func.func @_table_body(%arg0: i32, %arg1: memref<1024x4xf32, #tpu.memory_space<vmem>>, %arg2: memref<1024x128xf32, #tpu.memory_space<vmem>>, %arg3: memref<4x128xf32, #tpu.memory_space<vmem>>, %arg4: memref<1024x128xf32, #tpu.memory_space<vmem>>) attributes {dimension_semantics = [#tpu.dimension_semantics<arbitrary>], iteration_bounds = array<i64: 334>, scalar_prefetch = 0 : i64, scratch_operands = 0 : i64, tpu.core_type = #tpu.core_type<tc>, window_params = [{transform_indices = @transform_0, window_bounds = array<i64: 1024, 4>}, {transform_indices = @transform_1, window_bounds = array<i64: 1024, 128>}, {pipeline_mode = #tpu.pipeline_mode<synchronous>, transform_indices = @transform_2, window_bounds = array<i64: 4, 128>}, {transform_indices = @transform_3, window_bounds = array<i64: 1024, 128>}]} {
    %get3A = arith.constant 0 : index
    %get3A_0 = arith.constant 0 : index
    %get3A_1 = vector.load %arg1[%get3A, %get3A_0] : memref<1024x4xf32, #tpu.memory_space<vmem>>, vector<1024x4xf32>
    %get3A_2 = arith.constant 0 : index
    %get3A_3 = arith.constant 0 : index
    %get3A_4 = vector.load %arg3[%get3A_2, %get3A_3] : memref<4x128xf32, #tpu.memory_space<vmem>>, vector<4x128xf32>
    %dot_general3A = arith.constant dense<0.000000e+00> : vector<1024x128xf32>
    %dot_general3A_5 = tpu.matmul %get3A_1, %get3A_4, %dot_general3A {dimension_numbers = #tpu.dot_dimension_numbers<[1], [0], [0], [1], [0, 0, 1, 1], [], []>, transpose_lhs_hint = false} : vector<1024x4xf32>, vector<4x128xf32>, vector<1024x128xf32> -> vector<1024x128xf32>
    %lt3A = arith.constant 324 : i32
    %lt3A_6 = arith.cmpi slt, %arg0, %lt3A : i32
    %get3A_7 = arith.constant 0 : index
    %get3A_8 = arith.constant 0 : index
    %get3A_9 = vector.load %arg2[%get3A_7, %get3A_8] : memref<1024x128xf32, #tpu.memory_space<vmem>>, vector<1024x128xf32>
    %select_n3A = arith.select %lt3A_6, %dot_general3A_5, %get3A_9 : vector<1024x128xf32>
    %swap3A = arith.constant 0 : index
    %swap3A_10 = arith.constant 0 : index
    %swap3A_11 = vector.load %arg4[%swap3A, %swap3A_10] : memref<1024x128xf32, #tpu.memory_space<vmem>>, vector<1024x128xf32>
    tpu.vector_store %arg4[%swap3A, %swap3A_10], %select_n3A {strides = array<i32>} : memref<1024x128xf32, #tpu.memory_space<vmem>>, vector<1024x128xf32>,
    return
  }
  func.func @transform_0(%arg0: i32) -> (i32, i32) {
    %min3A = arith.constant 323 : i32
    %min3A_0 = arith.minsi %arg0, %min3A : i32
    %c0_i32 = arith.constant 0 : i32
    %c0_i32_1 = arith.constant 0 : i32
    return %min3A_0, %c0_i32 : i32, i32
  }
  func.func @transform_1(%arg0: i32) -> (i32, i32) {
    %sub3A = arith.constant 324 : i32
    %sub3A_0 = arith.subi %arg0, %sub3A : i32
    %max3A = arith.constant 0 : i32
    %max3A_1 = arith.maxsi %sub3A_0, %max3A : i32
    %c0_i32 = arith.constant 0 : i32
    %c0_i32_2 = arith.constant 0 : i32
    return %max3A_1, %c0_i32 : i32, i32
  }
  func.func @transform_2(%arg0: i32) -> (i32, i32) {
    %c0_i32 = arith.constant 0 : i32
    %c0_i32_0 = arith.constant 0 : i32
    %c0_i32_1 = arith.constant 0 : i32
    return %c0_i32, %c0_i32_0 : i32, i32
  }
  func.func @transform_3(%arg0: i32) -> (i32, i32) {
    %c0_i32 = arith.constant 0 : i32
    %c0_i32_0 = arith.constant 0 : i32
    return %arg0, %c0_i32 : i32, i32
  }
}

module attributes {stable_mosaic.version = 14 : i64} {
  func.func @_tc_body(%arg0: memref<20480x128xf32, #tpu.memory_space<vmem>>, %arg1: memref<10000x128xf32, #tpu.memory_space<vmem>>, %arg2: memref<1x10000xi32, #tpu.memory_space<vmem>>, %arg3: memref<128x384xf32, #tpu.memory_space<vmem>>, %arg4: memref<1x384xf32, #tpu.memory_space<vmem>>, %arg5: memref<128x8xf32, #tpu.memory_space<vmem>>, %arg6: memref<1x1xf32, #tpu.memory_space<vmem>>, %arg7: memref<384x384xf32, #tpu.memory_space<vmem>>, %arg8: memref<1x384xf32, #tpu.memory_space<vmem>>, %arg9: memref<384x384xf32, #tpu.memory_space<vmem>>, %arg10: memref<1x384xf32, #tpu.memory_space<vmem>>, %arg11: memref<128x384xf32, #tpu.memory_space<vmem>>) attributes {dimension_semantics = [], scalar_prefetch = 0 : i64, scratch_operands = 0 : i64, tpu.core_type = #tpu.core_type<tc>} {
    %get3A = arith.constant 0 : index
    %get3A_0 = arith.constant 0 : index
    %get3A_1 = vector.load %arg0[%get3A, %get3A_0] : memref<20480x128xf32, #tpu.memory_space<vmem>>, vector<10000x128xf32>
    %get3A_2 = arith.constant 10240 : index
    %get3A_3 = arith.constant 0 : index
    %get3A_4 = vector.load %arg0[%get3A_2, %get3A_3] : memref<20480x128xf32, #tpu.memory_space<vmem>>, vector<10000x128xf32>
    %add3A = arith.addf %get3A_1, %get3A_4 : vector<10000x128xf32>
    %get3A_5 = arith.constant 0 : index
    %get3A_6 = arith.constant 0 : index
    %get3A_7 = vector.load %arg1[%get3A_5, %get3A_6] : memref<10000x128xf32, #tpu.memory_space<vmem>>, vector<10000x128xf32>
    %add3A_8 = arith.addf %add3A, %get3A_7 : vector<10000x128xf32>
    %get3A_9 = arith.constant 0 : index
    %get3A_10 = arith.constant 0 : index
    %get3A_11 = vector.load %arg5[%get3A_9, %get3A_10] : memref<128x8xf32, #tpu.memory_space<vmem>>, vector<128x8xf32>
    %dot_general3A = arith.constant dense<0.000000e+00> : vector<10000x8xf32>
    %dot_general3A_12 = tpu.matmul %add3A_8, %get3A_11, %dot_general3A {dimension_numbers = #tpu.dot_dimension_numbers<[1], [0], [0], [1], [0, 0, 1, 1], [], []>, transpose_lhs_hint = false} : vector<10000x128xf32>, vector<128x8xf32>, vector<10000x8xf32> -> vector<10000x8xf32>
    %get3A_13 = arith.constant 0 : index
    %get3A_14 = arith.constant 0 : index
    %get3A_15 = vector.load %arg6[%get3A_13, %get3A_14] : memref<1x1xf32, #tpu.memory_space<vmem>>, vector<1x1xf32>
    %get3A_16 = vector.extract %get3A_15[0, 0] : f32 from vector<1x1xf32>
    %add3A_17 = vector.broadcast %get3A_16 : f32 to vector<10000x8xf32>
    %add3A_18 = arith.addf %dot_general3A_12, %add3A_17 : vector<10000x8xf32>
    %neg3A = arith.constant 0.000000e+00 : f32
    %neg3A_19 = vector.broadcast %neg3A : f32 to vector<10000x8xf32>
    %neg3A_20 = arith.subf %neg3A_19, %add3A_18 : vector<10000x8xf32>
    %exp3A = math.exp %neg3A_20 : vector<10000x8xf32>
    %add3A_21 = arith.constant 1.000000e+00 : f32
    %add3A_22 = vector.broadcast %add3A_21 : f32 to vector<10000x8xf32>
    %add3A_23 = arith.addf %add3A_22, %exp3A : vector<10000x8xf32>
    %div3A = arith.constant 1.000000e+00 : f32
    %div3A_24 = vector.broadcast %div3A : f32 to vector<10000x8xf32>
    %div3A_25 = arith.divf %div3A_24, %add3A_23 : vector<10000x8xf32>
    %get3A_26 = arith.constant 0 : index
    %get3A_27 = arith.constant 0 : index
    %get3A_28 = vector.load %arg5[%get3A_26, %get3A_27] : memref<128x8xf32, #tpu.memory_space<vmem>>, vector<128x8xf32>
    %dot_general3A_29 = arith.constant dense<0.000000e+00> : vector<8x10000xf32>
    %dot_general3A_30 = tpu.matmul %get3A_28, %add3A_8, %dot_general3A_29 {dimension_numbers = #tpu.dot_dimension_numbers<[0], [1], [1], [0], [0, 1, 1, 0], [], []>, transpose_lhs_hint = false} : vector<128x8xf32>, vector<10000x128xf32>, vector<8x10000xf32> -> vector<8x10000xf32>
    %get3A_31 = arith.constant 0 : index
    %get3A_32 = arith.constant 0 : index
    %get3A_33 = vector.load %arg6[%get3A_31, %get3A_32] : memref<1x1xf32, #tpu.memory_space<vmem>>, vector<1x1xf32>
    %get3A_34 = vector.extract %get3A_33[0, 0] : f32 from vector<1x1xf32>
    %add3A_35 = vector.broadcast %get3A_34 : f32 to vector<8x10000xf32>
    %add3A_36 = arith.addf %dot_general3A_30, %add3A_35 : vector<8x10000xf32>
    %neg3A_37 = arith.constant 0.000000e+00 : f32
    %neg3A_38 = vector.broadcast %neg3A_37 : f32 to vector<8x10000xf32>
    %neg3A_39 = arith.subf %neg3A_38, %add3A_36 : vector<8x10000xf32>
    %exp3A_40 = math.exp %neg3A_39 : vector<8x10000xf32>
    %add3A_41 = arith.constant 1.000000e+00 : f32
    %add3A_42 = vector.broadcast %add3A_41 : f32 to vector<8x10000xf32>
    %add3A_43 = arith.addf %add3A_42, %exp3A_40 : vector<8x10000xf32>
    %div3A_44 = arith.constant 1.000000e+00 : f32
    %div3A_45 = vector.broadcast %div3A_44 : f32 to vector<8x10000xf32>
    %div3A_46 = arith.divf %div3A_45, %add3A_43 : vector<8x10000xf32>
    %get3A_47 = arith.constant 0 : index
    %get3A_48 = arith.constant 0 : index
    %get3A_49 = vector.load %arg3[%get3A_47, %get3A_48] : memref<128x384xf32, #tpu.memory_space<vmem>>, vector<128x384xf32>
    %dot_general3A_50 = arith.constant dense<0.000000e+00> : vector<10000x384xf32>
    %dot_general3A_51 = tpu.matmul %add3A_8, %get3A_49, %dot_general3A_50 {dimension_numbers = #tpu.dot_dimension_numbers<[1], [0], [0], [1], [0, 0, 1, 1], [], []>, transpose_lhs_hint = false} : vector<10000x128xf32>, vector<128x384xf32>, vector<10000x384xf32> -> vector<10000x384xf32>
    %get3A_52 = arith.constant 0 : index
    %get3A_53 = arith.constant 0 : index
    %get3A_54 = vector.load %arg4[%get3A_52, %get3A_53] : memref<1x384xf32, #tpu.memory_space<vmem>>, vector<1x384xf32>
    %add3A_55 = vector.broadcast %get3A_54 : vector<1x384xf32> to vector<10000x384xf32>
    %add3A_56 = arith.addf %dot_general3A_51, %add3A_55 : vector<10000x384xf32>
    %max3A = arith.constant 0.000000e+00 : f32
    %max3A_57 = vector.broadcast %max3A : f32 to vector<10000x384xf32>
    %max3A_58 = arith.maximumf %add3A_56, %max3A_57 : vector<10000x384xf32>
    %iota3A = tpu.iota {dimensions = array<i32: 0>} : vector<128x10000xi32>
    %get3A_59 = arith.constant 0 : index
    %get3A_60 = arith.constant 0 : index
    %get3A_61 = vector.load %arg2[%get3A_59, %get3A_60] : memref<1x10000xi32, #tpu.memory_space<vmem>>, vector<1x10000xi32>
    %broadcast_in_dim3A = vector.shape_cast %get3A_61 : vector<1x10000xi32> to vector<1x10000xi32>
    %broadcast_in_dim3A_62 = vector.broadcast %broadcast_in_dim3A : vector<1x10000xi32> to vector<128x10000xi32>
    %eq3A = arith.cmpi eq, %broadcast_in_dim3A_62, %iota3A : vector<128x10000xi32>
    %convert_element_type3A = arith.extui %eq3A : vector<128x10000xi1> to vector<128x10000xi32>
    %convert_element_type3A_63 = arith.sitofp %convert_element_type3A : vector<128x10000xi32> to vector<128x10000xf32>
    %slice3A = vector.extract_strided_slice %div3A_46 {offsets = [0, 0], sizes = [1, 10000], strides = [1, 1]} : vector<8x10000xf32> to vector<1x10000xf32>
    %broadcast_in_dim3A_64 = vector.shape_cast %slice3A : vector<1x10000xf32> to vector<1x10000xf32>
    %broadcast_in_dim3A_65 = vector.broadcast %broadcast_in_dim3A_64 : vector<1x10000xf32> to vector<128x10000xf32>
    %jit3A = arith.constant -1.000000e+00 : f32
    %broadcast_in_dim3A_66 = vector.broadcast %jit3A : f32 to vector<128x10000xf32>
    %select_n3A = arith.select %eq3A, %broadcast_in_dim3A_65, %broadcast_in_dim3A_66 : vector<128x10000xi1>, vector<128x10000xf32>
    %reduce_max3A = arith.constant dense<0xFF800000> : vector<128xf32>
    %reduce_max3A_67 = vector.multi_reduction <maximumf>, %select_n3A, %reduce_max3A [1] : vector<128x10000xf32> to vector<128xf32>
    %broadcast_in_dim3A_68 = vector.shape_cast %reduce_max3A_67 : vector<128xf32> to vector<128x1xf32>
    %mul3A = arith.constant 1.000000e+01 : f32
    %mul3A_69 = vector.broadcast %mul3A : f32 to vector<128x1xf32>
    %mul3A_70 = arith.mulf %broadcast_in_dim3A_68, %mul3A_69 : vector<128x1xf32>
    %dot_general3A_71 = arith.constant dense<0.000000e+00> : vector<10000x1xf32>
    %dot_general3A_72 = tpu.matmul %convert_element_type3A_63, %mul3A_70, %dot_general3A_71 {dimension_numbers = #tpu.dot_dimension_numbers<[0], [0], [1], [1], [0, 1, 1, 1], [], []>, transpose_lhs_hint = false} : vector<128x10000xf32>, vector<128x1xf32>, vector<10000x1xf32> -> vector<10000x1xf32>
    %slice3A_73 = vector.extract_strided_slice %div3A_25 {offsets = [0, 0], sizes = [10000, 1], strides = [1, 1]} : vector<10000x8xf32> to vector<10000x1xf32>
    %div3A_74 = arith.divf %slice3A_73, %dot_general3A_72 : vector<10000x1xf32>
    %add3A_75 = arith.constant 0.899999976 : f32
    %add3A_76 = vector.broadcast %add3A_75 : f32 to vector<10000x1xf32>
    %add3A_77 = arith.addf %div3A_74, %add3A_76 : vector<10000x1xf32>
    %broadcast_in_dim3A_78 = vector.shape_cast %add3A_77 : vector<10000x1xf32> to vector<10000x1xf32>
    %broadcast_in_dim3A_79 = vector.broadcast %broadcast_in_dim3A_78 : vector<10000x1xf32> to vector<10000x384xf32>
    %mul3A_80 = arith.mulf %max3A_58, %broadcast_in_dim3A_79 : vector<10000x384xf32>
    %dot_general3A_81 = arith.constant dense<0.000000e+00> : vector<128x384xf32>
    %dot_general3A_82 = tpu.matmul %convert_element_type3A_63, %mul3A_80, %dot_general3A_81 {dimension_numbers = #tpu.dot_dimension_numbers<[1], [0], [0], [1], [0, 0, 1, 1], [], []>, transpose_lhs_hint = false} : vector<128x10000xf32>, vector<10000x384xf32>, vector<128x384xf32> -> vector<128x384xf32>
    %reduce_sum3A = arith.constant dense<0.000000e+00> : vector<128xf32>
    %reduce_sum3A_83 = vector.multi_reduction <add>, %convert_element_type3A_63, %reduce_sum3A [1] : vector<128x10000xf32> to vector<128xf32>
    %broadcast_in_dim3A_84 = vector.shape_cast %reduce_sum3A_83 : vector<128xf32> to vector<128x1xf32>
    %max3A_85 = arith.constant 1.000000e+00 : f32
    %max3A_86 = vector.broadcast %max3A_85 : f32 to vector<128x1xf32>
    %max3A_87 = arith.maximumf %broadcast_in_dim3A_84, %max3A_86 : vector<128x1xf32>
    %div3A_88 = vector.broadcast %max3A_87 : vector<128x1xf32> to vector<128x384xf32>
    %div3A_89 = arith.divf %dot_general3A_82, %div3A_88 : vector<128x384xf32>
    %get3A_90 = arith.constant 0 : index
    %get3A_91 = arith.constant 0 : index
    %get3A_92 = vector.load %arg7[%get3A_90, %get3A_91] : memref<384x384xf32, #tpu.memory_space<vmem>>, vector<384x384xf32>
    %dot_general3A_93 = arith.constant dense<0.000000e+00> : vector<128x384xf32>
    %dot_general3A_94 = tpu.matmul %div3A_89, %get3A_92, %dot_general3A_93 {dimension_numbers = #tpu.dot_dimension_numbers<[1], [0], [0], [1], [0, 0, 1, 1], [], []>, transpose_lhs_hint = false} : vector<128x384xf32>, vector<384x384xf32>, vector<128x384xf32> -> vector<128x384xf32>
    %get3A_95 = arith.constant 0 : index
    %get3A_96 = arith.constant 0 : index
    %get3A_97 = vector.load %arg8[%get3A_95, %get3A_96] : memref<1x384xf32, #tpu.memory_space<vmem>>, vector<1x384xf32>
    %add3A_98 = vector.broadcast %get3A_97 : vector<1x384xf32> to vector<128x384xf32>
    %add3A_99 = arith.addf %dot_general3A_94, %add3A_98 : vector<128x384xf32>
    %max3A_100 = arith.constant 0.000000e+00 : f32
    %max3A_101 = vector.broadcast %max3A_100 : f32 to vector<128x384xf32>
    %max3A_102 = arith.maximumf %add3A_99, %max3A_101 : vector<128x384xf32>
    %get3A_103 = arith.constant 0 : index
    %get3A_104 = arith.constant 0 : index
    %get3A_105 = vector.load %arg9[%get3A_103, %get3A_104] : memref<384x384xf32, #tpu.memory_space<vmem>>, vector<384x384xf32>
    %dot_general3A_106 = arith.constant dense<0.000000e+00> : vector<128x384xf32>
    %dot_general3A_107 = tpu.matmul %max3A_102, %get3A_105, %dot_general3A_106 {dimension_numbers = #tpu.dot_dimension_numbers<[1], [0], [0], [1], [0, 0, 1, 1], [], []>, transpose_lhs_hint = false} : vector<128x384xf32>, vector<384x384xf32>, vector<128x384xf32> -> vector<128x384xf32>
    %get3A_108 = arith.constant 0 : index
    %get3A_109 = arith.constant 0 : index
    %get3A_110 = vector.load %arg10[%get3A_108, %get3A_109] : memref<1x384xf32, #tpu.memory_space<vmem>>, vector<1x384xf32>
    %add3A_111 = vector.broadcast %get3A_110 : vector<1x384xf32> to vector<128x384xf32>
    %add3A_112 = arith.addf %dot_general3A_107, %add3A_111 : vector<128x384xf32>
    %swap3A = arith.constant 0 : index
    %swap3A_113 = arith.constant 0 : index
    %swap3A_114 = vector.load %arg11[%swap3A, %swap3A_113] : memref<128x384xf32, #tpu.memory_space<vmem>>, vector<128x384xf32>
    tpu.vector_store %arg11[%swap3A, %swap3A_113], %add3A_112 {strides = array<i32>} : memref<128x384xf32, #tpu.memory_space<vmem>>, vector<128x384xf32>,
    return
  }
}

</mosaic_0001>

<sc_bundles>
// kernel: kernel.5.cloned.1.call-start
scs
__scs_entry_jumppad:
0x0: {  	(pc) =	sbr.rel $0x88, $3  }
0x1: {  	(tag) =	ssettag $0x0;
	lr =	simm.s32 $0x1  }
0x2: {  	[smem:$0x3F94] =	sst lr;
	_ =	strace $0xD0000000  }
0x3: {  	_ = 	snop  }
0x4: {  	_ = 	snop  }
0x5: {  	_ = 	snop  }
0x6: {  	_ = 	snop  }
0x7: {  	_ = 	snop  }
__scs_overlays_trampoline_lowered:
0x8: {  	[smem:$0x3FA3] =	sst s0  }
0x9: {  	[smem:$0x3FA4] =	sst s1  }
0xa: {  	[smem:$0x3FA5] =	sst s2  }
0xb: {  	[smem:$0x3FA6] =	sst s3  }
0xc: {  	[smem:$0x3FA7] =	sst s4  }
0xd: {  	[smem:$0x3FA8] =	sst s5  }
0xe: {  	[smem:$0x3FA9] =	sst s6  }
0xf: {  	[smem:$0x3FAA] =	sst s7  }
0x10: {  	[smem:$0x3FAB] =	sst s8  }
0x11: {  	[smem:$0x3FAC] =	sst s9;
	s0 =	simm.s32 @!p0 $0x0  }
0x12: {  	s1 =	sld [smem:$0x3F92];
	s0 =	simm.s32 @p0 $0x1  }
0x13: {  	[smem:$0x3FAD] =	sst s0;
	s0 =	simm.s32 @!p1 $0x0  }
0x14: {  	s2 =	sld [smem:$0x3F91];
	s0 =	simm.s32 @p1 $0x1  }
0x15: {  	[smem:$0x3FAE] =	sst s0;
	s0 =	simm.s32 @!p2 $0x0  }
0x16: {  	s3 =	sld [smem:$0x3FDB];
	s0 =	simm.s32 @p2 $0x1  }
0x17: {  	s4 =	simm.s32 $0x1BF5;
	[smem:$0x3FB0] =	sst s0  }
0x18: {  	s0 =	sld [smem:$0x3F93];
	_ =	swait.ge [sflag:s4], $0x0  }
0x19: {  	s7 =	sld [smem:$0x3F94]  }
0x1a: {  	s8 =	sadd.s32 $0xFFFFE003, lr  }
0x1b: {  	s9 =	sadd.s32 $0xFFFFFEF7, lr;
	s5 =	simm.s32 $0xFFFFFFFF;
	p2 =	slt.u32 s8, $0xFFFFF086  }
0x1c: {  	p1 =	slt.u32 s9, $0xF7A;
	s5 =	simm.s32 @!p2 $0x0  }
0x1d: {  	s5 =	simm.s32 @p1 $0x1;
	p0 =	seq.s32 s7, s2  }
0x1e: {  	s7 =	smul.u32 @!p0 $0xF7A, s2;
	p2 =	seq.s32 @!p0 s5, $0x0  }
0x1f: {  	s9 =	smul.u32 $0xF7A, s1;
	s8 =	simm.s32 @!p0 $0x1BF5;
	p2 =	por !p2, p0  }
0x20: {  	[sflag:s8] =	ssyncset.s32 @!p0 $0xFFFFF086;
	s6 =	sadd.s32 @!p0 s3, s7;
	s7 =	simm.s32 @!p0 $0x108  }
0x21: {  	s3 =	sadd.s32 s3, s9;
	s6 =	sadd.s32 @!p0 $0x88, s6;
	s7 =	simm.s32 @p2 $0x1082  }
0x22: {  	[simem:s7], [sflag:s8] =	dma.local @!p0 [hbm:s6], $0xF7A  }
0x23: {  	s9 =	sor.u32 $0xD0000000, s2;
	s6 =	simm.s32 $0x108;
	_ =	swait.ge @!p0 [sflag:s8], $0x0  }
0x24: {  	s3 =	sadd.s32 $0x88, s3;
	s6 =	simm.s32 @!p1 $0x1082;
	[sflag:s4] =	ssyncset.s32 $0xFFFFF086  }
0x25: {  	[simem:s6], [sflag:s4] =	dma.local [hbm:s3], $0xF7A  }
0x26: {  	[smem:$0x3F94] =	sst s1;
	(tag) =	ssettag s2;
	_ =	strace s9  }
0x27: {  	s1 =	sld [smem:$0x3FA4]  }
0x28: {  	s2 =	sld [smem:$0x3FA5]  }
0x29: {  	s4 =	sld [smem:$0x3FA7]  }
0x2a: {  	p0 =	seq.s32 s5, $0x0;
	s5 =	sld [smem:$0x3FA8]  }
0x2b: {  	s6 =	sld [smem:$0x3FA9]  }
0x2c: {  	s7 =	sld [smem:$0x3FAA]  }
0x2d: {  	s3 =	simm.s32 $0x108;
	s8 =	sld [smem:$0x3FAB]  }
0x2e: {  	s3 =	simm.s32 @!p0 $0x1082;
	s9 =	sld [smem:$0x3FAC]  }
0x2f: {  	lr =	sadd.s32 s0, s3;
	s0 =	sld [smem:$0x3FA3]  }
0x30: {  	s3 =	sld [smem:$0x3FA6]  }
0x31: {  	[smem:$0x3FAF] =	sst s10  }
0x32: {  	s10 =	sld [smem:$0x3FAD];
	_ =	sdelay $0x3  }
0x33: {  	p0 =	seq.s32 s10, $0x1;
	s10 =	sld [smem:$0x3FAF];
	_ =	sdelay $0x3  }
0x34: {  	[smem:$0x3FAF] =	sst s10  }
0x35: {  	s10 =	sld [smem:$0x3FAE];
	_ =	sdelay $0x3  }
0x36: {  	p1 =	seq.s32 s10, $0x1;
	s10 =	sld [smem:$0x3FAF];
	_ =	sdelay $0x3  }
0x37: {  	[smem:$0x3FAF] =	sst s10  }
0x38: {  	s10 =	sld [smem:$0x3FB0]  }
0x39: {  	_ = 	snop;
	(pc) =	sbr.ind lr, $3  }
0x3a: {  	_ = 	snop  }
0x3b: {  	_ = 	snop  }
0x3c: {  	p2 =	seq.s32 s10, $0x1;
	s10 =	sld [smem:$0x3FAF]  }
0x3d: {  	_ =	shalt  }
0x3e: {  	_ =	shalt  }
0x3f: {  	_ =	shalt  }
0x40: {  	_ =	shalt  }
0x41: {  	_ =	shalt  }
0x42: {  	_ =	shalt  }
0x43: {  	_ =	shalt  }
0x44: {  	_ =	shalt  }
0x45: {  	_ =	shalt  }
0x46: {  	_ =	shalt  }
0x47: {  	_ =	shalt  }
0x48: {  	_ =	shalt  }
0x49: {  	_ =	shalt  }
0x4a: {  	_ =	shalt  }
0x4b: {  	_ =	shalt  }
0x4c: {  	_ =	shalt  }
0x4d: {  	_ =	shalt  }
0x4e: {  	_ =	shalt  }
0x4f: {  	_ =	shalt  }
0x50: {  	_ =	shalt  }
0x51: {  	_ =	shalt  }
0x52: {  	_ =	shalt  }
0x53: {  	_ =	shalt  }
0x54: {  	_ =	shalt  }
0x55: {  	_ =	shalt  }
0x56: {  	_ =	shalt  }
0x57: {  	_ =	shalt  }
0x58: {  	_ =	shalt  }
0x59: {  	_ =	shalt  }
0x5a: {  	_ =	shalt  }
0x5b: {  	_ =	shalt  }
0x5c: {  	_ =	shalt  }
0x5d: {  	_ =	shalt  }
0x5e: {  	_ =	shalt  }
0x5f: {  	_ =	shalt  }
0x60: {  	_ =	shalt  }
0x61: {  	_ =	shalt  }
0x62: {  	_ =	shalt  }
0x63: {  	_ =	shalt  }
0x64: {  	_ =	shalt  }
0x65: {  	_ =	shalt  }
0x66: {  	_ =	shalt  }
0x67: {  	_ =	shalt  }
0x68: {  	_ =	shalt  }
0x69: {  	_ =	shalt  }
0x6a: {  	_ =	shalt  }
0x6b: {  	_ =	shalt  }
0x6c: {  	_ =	shalt  }
0x6d: {  	_ =	shalt  }
0x6e: {  	_ =	shalt  }
0x6f: {  	_ =	shalt  }
0x70: {  	_ =	shalt  }
0x71: {  	_ =	shalt  }
0x72: {  	_ =	shalt  }
0x73: {  	_ =	shalt  }
0x74: {  	_ =	shalt  }
0x75: {  	_ =	shalt  }
0x76: {  	_ =	shalt  }
0x77: {  	_ =	shalt  }
0x78: {  	_ =	shalt  }
0x79: {  	_ =	shalt  }
0x7a: {  	_ =	shalt  }
0x7b: {  	_ =	shalt  }
0x7c: {  	_ =	shalt  }
0x7d: {  	_ =	shalt  }
0x7e: {  	_ =	shalt  }
0x7f: {  	_ =	shalt  }
0x80: {  	_ =	shalt  }
0x81: {  	_ =	shalt  }
0x82: {  	_ =	shalt  }
0x83: {  	_ =	shalt  }
0x84: {  	_ =	shalt  }
0x85: {  	_ =	shalt  }
0x86: {  	_ =	shalt  }
0x87: {  	_ =	shalt  }
.Lfunc_end0:
.L_simem_size_0:
called_computation_lowered:
.L_overlay_start_0:
0x88: {  	s2 =	sld [smem:$0x3FD9]  }
0x89: {  	s3 =	sld [smem:$0x3FFE];
	_ =	sdelay $0x1  }
0x8a: {  	s1 =	srdreg.scid  }
0x8b: {  	s0 =	sand.u32 $0x1, s1  }
0x8c: {  	s16 =	sshll.u32 s0, $0xA;
	s2 =	sadd.s32 s3, s2  }
0x8d: {  	s2 =	sadd.s32 s2, s16  }
0x8e: {  	[smem:$0x3FBB] =	sst s2  }
0x8f: {  	_ = 	snop  }
0x90: {  	(tm) =	ssettm $0x1  }
0x91: {  	s17 =	sld [smem:$0x3FFB];
	_ =	sdelay $0x3  }
0x92: {  	_ =	strace s17  }
0x93: {  	s2 =	sld [smem:$0x3FFC];
	_ =	sdelay $0x3  }
0x94: {  	_ =	strace s2  }
0x95: {  	s2 =	sld [smem:$0x3FFD];
	_ =	sdelay $0x3  }
0x96: {  	_ =	strace s2  }
0x97: {  	_ =	strace $0x8FFFFFFF  }
0x98: {  	s18 =	sld [smem:$0x3FDB];
	_ =	sdelay $0x1  }
0x99: {  	s19 =	simm.s32 $_scs_section_size  }
0x9a: {  	s4 =	simm.s32 $_size__tile_overlayer_lowered;
	s5 =	simm.s32 $_tile_overlayer_lowered  }
0x9b: {  	s22 =	simm.s32 $0x1BFF;
	s21 =	sshll.u32 s5, $0x1;
	s2 =	sadd.s32 s19, s18  }
0x9c: {  	s6 =	simm.s32 $0x0;
	s20 =	sshll.u32 s4, $0x1;
	s4 =	sadd.s32 s21, s2  }
0x9d: {  	[timem:s6], [sflag:s22] =	dma.local [hbm:s4], s20  }
0x9e: {  	_ =	swait.ge [sflag:s22], s20  }
0x9f: {  	s3 =	ssub.s32 $0x0, s20;
	[sflag:s22] =	ssyncset.done $0x0  }
0xa0: {  	[sflag:s22] =	ssyncadd.s32 s3;
	_ =	sdelay $0x1  }
0xa1: {  	s23 =	simm.s32 $0x1B8B  }
0xa2: {  	_ =	swait.ge [sflag:s23], $0x1  }
0xa3: {  	[sflag:s23] =	ssyncset.done $0x0  }
0xa4: {  	s25 =	simm.s32 $0x1B8E;
	s24 =	sld [smem:$0x3FFE];
	[sflag:s23] =	ssyncadd.s32 $0xFFFFFFFF  }
0xa5: {  	s26 =	simm.s32 $execute0_lowered;
	[smem:$0x3FD2] =	sst s25  }
0xa6: {  	s4 =	sshll.u32 s26, $0x1;
	_ =	strace $0x80000046;
	[dreg:$0x1] =	wrdreg $0xFFFFFFFF  }
0xa7: {  	s28 =	simm.s32 $_size_execute0_lowered;
	s2 =	sadd.s32 s2, s4;
	[dreg:$0x0] =	wrdreg $0x0  }
0xa8: {  	s4 =	sshll.u32 s28, $0x1;
	[dreg:$0x2] =	wrdreg s2  }
0xa9: {  	[dreg:$0x3] =	wrdreg s4  }
0xaa: {  	[dreg:$0x4] =	wrdreg $0xC0  }
0xab: {  	_ =	task [dreg:s6], $0x5FFFF  }
0xac: {  	[dreg:$0x1] =	wrdreg $0xFFFFFFFF  }
0xad: {  	[dreg:$0x0] =	wrdreg $0x60  }
0xae: {  	[dreg:$0x2] =	wrdreg s24  }
0xaf: {  	[dreg:$0x3] =	wrdreg $0x0  }
0xb0: {  	[dreg:$0x4] =	wrdreg $0x9  }
0xb1: {  	_ =	task.clear_ibuf [dreg:s6], $0x5FFFF;
	_ =	strace $0x90000046  }
0xb2: {  	s29 =	simm.s32 $0x9;
	_ =	strace $0x80000048  }
0xb3: {  	_ =	swait.ge [sflag:s29], $0x1  }
0xb4: {  	[sflag:s29] =	ssyncadd.s32 $0xFFFFFFFF  }
0xb5: {  	_ =	strace $0x90000048  }
0xb6: {  	_ =	sfence  }
0xb7: {  	s30 =	sld [smem:$0x0];
	_ =	sdelay $0x2  }
0xb8: {  	s31 =	sshll.u32 s1, $0xD;
	s1 =	sshrl.u32 s1, $0x2  }
0xb9: {  	s3 =	sand.u32 $0x4000, s31;
	s1 =	sadd.s32 s1, s30  }
0xba: {  	s0 =	sor.u32 s3, s0;
	s1 =	sshll.u32 s1, $0x11  }
0xbb: {  	s0 =	sor.u32 s1, s0  }
0xbc: {  	s0 =	sadd.s32 $0x8F2B, s0  }
0xbd: {  	[sflag:s0] =	ssyncadd.remote.s32 $0x1  }
0xbe: {  	_ =	sfence.sel $0xFFFF  }
0xbf: {  	[dreg:$0x0] =	wrdreg $0xFFFFFFFF;
	(pc) =	sbr.abs _section_cstart, $3  }
0xc0: {  	[dreg:$0x1] =	wrdreg $0xFFFFFFFF  }
0xc1: {  	_ =	task.clear_ibuf [dreg:s6], $0x2FFFF;
	_ =	strace $0x9FFFFFFF  }
0xc2: {  	(tm) =	ssettm $0x7FFFFFFF  }
0xc3: {  	_ =	shalt  }
tec
execute0_lowered:
.L_overlay_start_1:
0x0: {  	(tag) =	ssettag $0x1  }
0x1: {  	s6 =	rddreg [dreg:$0x0]  }
0x2: {  	s1 =	rddreg [dreg:$0x1]  }
0x3: {  	s2 =	simm.s32 $0x0;
	s5 =	srdreg.scid;
	s0 =	stileid.u32  }
0x4: {  	[smem:$0x7FF] =	sst s2;
	s4 =	sadd.s32 $0xA08200, s6;
	s7 =	sand.u32 $0x1, s5  }
0x5: {  	s3 =	sadd.s32 $0x1E00, s6;
	s5 =	smul.u32 $0x280, s0;
	s10 =	sadd.s32 $0x2A600, s6  }
0x6: {  	s23 =	smul.u32 $0xA2, s0;
	_ =	strace $0x80000047;
	[dreg:$0x5] =	wrdreg s3  }
0x7: {  	s8 =	ssub.s32 $0x2, s7;
	s9 =	sshll.u32 s7, $0x4;
	s12 =	smul.u32 $0xA20, s7  }
0x8: {  	s26 =	smul.u32 $0x2800, s7;
	s29 =	sshrl.u32 s8, $0x1;
	s31 =	sor.u32 s0, s9  }
0x9: {  	s9 =	sor.u32 $0x20, s5;
	s14 =	sor.u32 $0x30, s5;
	s15 =	sor.u32 $0x40, s5  }
0xa: {  	s16 =	sor.u32 $0x50, s5;
	s17 =	sor.u32 $0x60, s5;
	s18 =	sor.u32 $0x70, s5  }
0xb: {  	s19 =	sadd.s32 $0x80, s5;
	s20 =	sadd.s32 $0x90, s5;
	s21 =	sadd.s32 $0xA0, s5  }
0xc: {  	s22 =	sadd.s32 $0xB0, s5;
	s24 =	sadd.s32 $0xC0, s5;
	s25 =	sadd.s32 $0xD0, s5  }
0xd: {  	s7 =	sadd.s32 $0xF0, s5;
	s28 =	sadd.s32 $0x100, s5;
	s13 =	sadd.s32 $0x150, s5  }
0xe: {  	s11 =	sadd.s32 $0x160, s5;
	s0 =	sadd.s32 $0x180, s5;
	s30 =	ssub.s32 s8, s29  }
0xf: {  	s8 =	sor.u32 $0x10, s5;
	s3 =	smul.u32 $0x1440, s31;
	s6 =	sadd.s32 s23, s12  }
0x10: {  	v0 =	vlaneseq.u32;
	s23 =	sadd.s32 $0xE0, s5;
	s29 =	sadd.s32 $0x110, s5;
	s31 =	sadd.s32 $0x130, s5  }
0x11: {  	s12 =	sadd.s32 $0x170, s5;
	v2 =	vor.u32 s9, v0;
	v3 =	vor.u32 s14, v0;
	s9 =	sadd.s32 $0x1B0, s5;
	s14 =	sadd.s32 $0x1C0, s5  }
0x12: {  	v4 =	vor.u32 s15, v0;
	v5 =	vor.u32 s16, v0;
	v6 =	vor.u32 s17, v0;
	s15 =	sadd.s32 $0x1E0, s5;
	s16 =	sadd.s32 $0x1F0, s5;
	s17 =	sadd.s32 $0x200, s5  }
0x13: {  	v7 =	vor.u32 s18, v0;
	v8 =	vor.u32 s20, v0;
	v9 =	vor.u32 s21, v0;
	s18 =	sadd.s32 $0x210, s5;
	s20 =	sadd.s32 $0x220, s5;
	s21 =	sadd.s32 $0x230, s5  }
0x14: {  	v10 =	vor.u32 s22, v0;
	v11 =	vor.u32 s24, v0;
	s22 =	sadd.s32 $0x240, s5;
	s24 =	sadd.s32 $0x250, s5;
	[dreg:$0x3] =	wrdreg s30  }
0x15: {  	v12 =	vor.u32 s25, v0;
	s25 =	sadd.s32 $0x260, s5;
	v15 =	vor.u32 s19, v0;
	s19 =	sadd.s32 s26, s19;
	[dreg:$0x4] =	wrdreg s6  }
0x16: {  	s30 =	sadd.s32 $0x120, s5;
	s6 =	sadd.s32 $0x190, s5;
	v1 =	vor.u32 s8, v0;
	s8 =	sadd.s32 $0x1D0, s5  }
0x17: {  	v13 =	vor.u32 s23, v0;
	s23 =	sadd.s32 $0x270, s5;
	v17 =	vor.u32 s29, v0;
	s29 =	rddreg [dreg:$0x5];
	v31 =	vor.u32 s15, v0;
	s15 =	simm.s32 $0x80  }
0x18: {  	v32 =	vor.u32 s16, v0;
	v34 =	vor.u32 s18, v0;
	v35 =	vor.u32 s20, v0;
	s16 =	simm.s32 $0x14000;
	s18 =	simm.s32 $0x5;
	s20 =	simm.s32 $0x14180  }
0x19: {  	v36 =	vor.u32 s21, v0;
	v37 =	vor.u32 s22, v0;
	s21 =	simm.s32 $0x18200;
	s22 =	simm.s32 $0x3;
	[dreg:$0x9] =	wrdreg s3  }
0x1a: {  	v38 =	vor.u32 s24, v0;
	v39 =	vor.u32 s25, v0;
	s24 =	simm.s32 $0x14100;
	s25 =	simm.s32 $0x1;
	[dreg:$0x6] =	wrdreg s6  }
0x1b: {  	s3 =	sadd.s32 $0x140, s5;
	s6 =	sadd.s32 $0x1A0, s5;
	[dreg:$0x8] =	wrdreg s8  }
0x1c: {  	v18 =	vor.u32 s30, v0;
	s30 =	sshll.u32 s19, $0x4;
	s19 =	sadd.s32 s26, s0;
	[dreg:$0x7] =	wrdreg s6  }
0x1d: {  	v16 =	vor.u32 s7, v0;
	v40 =	vor.u32 s23, v0;
	s23 =	simm.s32 $0x4;
	s6 =	sadd.s32 s5, s26;
	s7 =	rddreg [dreg:$0x9]  }
0x1e: {  	v14 =	vor.u32 s5, v0;
	v22 =	vor.u32 s13, v0;
	v19 =	vor.u32 s31, v0;
	s31 =	rddreg [dreg:$0x6];
	s13 =	sshll.u32 s19, $0x4;
	s5 =	sadd.s32 s29, s7  }
0x1f: {  	s8 =	sshll.u32 s6, $0x4;
	s7 =	sadd.s32 s10, s30;
	s30 =	sadd.s32 s26, s17  }
0x20: {  	v28 =	vor.u32 s9, v0;
	v33 =	vor.u32 s17, v0;
	v26 =	vor.u32 s31, v0;
	s9 =	sadd.s32 s10, s13;
	s31 =	rddreg [dreg:$0x3];
	s17 =	simm.s32 $0x14200  }
0x21: {  	v41 =	vimm.f32 $0.0e+00;
	s6 =	sadd.s32 s10, s8;
	s8 =	sadd.s32 s26, s28;
	s26 =	rddreg [dreg:$0x8]  }
0x22: {  	v42 =	vor.u32 $0x10, v0;
	v43 =	vor.u32 $0x20, v0;
	v23 =	vor.u32 s11, v0;
	s19 =	sshll.u32 s30, $0x4;
	s30 =	rddreg [dreg:$0x4];
	s11 =	smax.u32 s31, $0x1  }
0x23: {  	v21 =	vor.u32 s28, v0;
	v24 =	vor.u32 s12, v0;
	v20 =	vor.u32 s3, v0;
	s12 =	sadd.s32 $0x1420, s5;
	s28 =	simm.s32 $0x0;
	s3 =	sshll.u32 s8, $0x4  }
0x24: {  	v44 =	vor.u32 $0x30, v0;
	v25 =	vor.u32 s0, v0;
	s8 =	rddreg [dreg:$0x7];
	v30 =	vor.u32 s26, v0;
	s0 =	sshll.u32 s30, $0x5;
	s26 =	simm.s32 $0x2  }
0x25: {  	v45 =	vor.u32 $0x40, v0;
	v46 =	vor.u32 $0x50, v0;
	v27 =	vor.u32 s8, v0;
	s8 =	sadd.s32 s10, s3;
	s10 =	sadd.s32 s10, s19;
	s0 =	sadd.s32 s0, s29  }
0x26: {  	v47 =	vor.u32 $0x60, v0;
	v48 =	vor.u32 $0x70, v0;
	v29 =	vor.u32 s14, v0;
	s19 =	simm.s32 $0x14080;
	s13 =	sadd.s32 $0x40, s0;
	s14 =	sadd.s32 $0x20, s0  }
.LBB2_1:
0x27: {  	s29 =	simm.s32 $0x0;
	s30 =	simm.s32 $0x200  }
.LBB2_2:
0x28: {  	p0 =	sne.s32 s30, $0xFE00;
	[tilespmem:s29+$0x18270] =	vst v41  }
0x29: {  	[tilespmem:s29+$0x14200] =	vst v41  }
0x2a: {  	[tilespmem:s29+$0x18200] =	vst v41  }
0x2b: {  	[tilespmem:s29+$0x14210] =	vst v41  }
0x2c: {  	[tilespmem:s29+$0x18210] =	vst v41  }
0x2d: {  	[tilespmem:s29+$0x14220] =	vst v41  }
0x2e: {  	[tilespmem:s29+$0x18220] =	vst v41  }
0x2f: {  	[tilespmem:s29+$0x14230] =	vst v41  }
0x30: {  	[tilespmem:s29+$0x18230] =	vst v41  }
0x31: {  	[tilespmem:s29+$0x14240] =	vst v41  }
0x32: {  	[tilespmem:s29+$0x18240] =	vst v41  }
.Ltmp0:
0x33: {  	[tilespmem:s29+$0x14250] =	vst v41;
	(pc) =	sbr.rel @p0 .LBB2_2-.Ltmp0, $4  }
0x34: {  	[tilespmem:s29+$0x18250] =	vst v41  }
0x35: {  	[tilespmem:s29+$0x14260] =	vst v41  }
0x36: {  	[tilespmem:s29+$0x18260] =	vst v41  }
0x37: {  	[tilespmem:s29+$0x14270] =	vst v41;
	s29 =	sshra.s32 s30, $0x2;
	s30 =	sadd.s32 $0x200, s30  }
0x38: {  	[tilespmem:s29+$0x18270] =	vst v41  }
0x39: {  	[tilespmem:s29+$0x14200] =	vst v41  }
0x3a: {  	[tilespmem:s29+$0x18200] =	vst v41  }
0x3b: {  	[tilespmem:s29+$0x14210] =	vst v41  }
0x3c: {  	[tilespmem:s29+$0x18210] =	vst v41  }
0x3d: {  	[tilespmem:s29+$0x14220] =	vst v41  }
0x3e: {  	[tilespmem:s29+$0x18220] =	vst v41  }
0x3f: {  	[tilespmem:s29+$0x14230] =	vst v41  }
0x40: {  	[tilespmem:s29+$0x18230] =	vst v41  }
0x41: {  	[tilespmem:s29+$0x14240] =	vst v41  }
0x42: {  	[tilespmem:s29+$0x18240] =	vst v41  }
0x43: {  	[tilespmem:s29+$0x14250] =	vst v41  }
0x44: {  	[tilespmem:s29+$0x18250] =	vst v41  }
0x45: {  	[tilespmem:s29+$0x14260] =	vst v41  }
0x46: {  	[tilespmem:s29+$0x18260] =	vst v41  }
0x47: {  	[tilespmem:s29+$0x14270] =	vst v41  }
0x48: {  	[tilespmem:$0x14000] =	vst v14  }
0x49: {  	[tilespmem:$0x14010] =	vst v1  }
0x4a: {  	[tilespmem:$0x14020] =	vst v2  }
0x4b: {  	[tilespmem:$0x14030] =	vst v3  }
0x4c: {  	[tilespmem:$0x14040] =	vst v4  }
0x4d: {  	[tilespmem:$0x14050] =	vst v5  }
0x4e: {  	[tilespmem:$0x14060] =	vst v6  }
0x4f: {  	[tilespmem:$0x14070] =	vst v7  }
0x50: {  	[spmem:s1] =	stream.indirect.scatter [tilespmem:s17], [sflag:$0x5], $0x80, s16, s15, $0xb8;
	[tilespmem:$0x1C200] =	vst v63  }
0x51: {  	_ =	swait.ge [sflag:s18], $0x4000  }
0x52: {  	[sflag:s18] =	ssyncset.done $0x0  }
0x53: {  	[sflag:s18] =	ssyncadd.s32 $0xFFFFC000  }
0x54: {  	[tilespmem:$0x14000] =	vst v15  }
0x55: {  	[tilespmem:$0x14010] =	vst v8  }
0x56: {  	[tilespmem:$0x14020] =	vst v9  }
0x57: {  	[tilespmem:$0x14030] =	vst v10  }
0x58: {  	[tilespmem:$0x14040] =	vst v11  }
0x59: {  	[tilespmem:$0x14050] =	vst v12  }
0x5a: {  	[tilespmem:$0x14060] =	vst v13  }
0x5b: {  	[tilespmem:$0x14070] =	vst v16  }
0x5c: {  	[spmem:s1] =	stream.indirect.scatter [tilespmem:s17], [sflag:$0x5], $0x80, s16, s15, $0xb8;
	[tilespmem:$0x1C200] =	vst v63  }
0x5d: {  	_ =	swait.ge [sflag:s18], $0x4000  }
0x5e: {  	[sflag:s18] =	ssyncset.done $0x0  }
0x5f: {  	[sflag:s18] =	ssyncadd.s32 $0xFFFFC000  }
0x60: {  	[tilespmem:$0x14000] =	vst v21  }
0x61: {  	[tilespmem:$0x14010] =	vst v17  }
0x62: {  	[tilespmem:$0x14020] =	vst v18  }
0x63: {  	[tilespmem:$0x14030] =	vst v19  }
0x64: {  	[tilespmem:$0x14040] =	vst v20  }
0x65: {  	[tilespmem:$0x14050] =	vst v22  }
0x66: {  	[tilespmem:$0x14060] =	vst v23  }
0x67: {  	[tilespmem:$0x14070] =	vst v24  }
0x68: {  	[spmem:s1] =	stream.indirect.scatter [tilespmem:s17], [sflag:$0x5], $0x80, s16, s15, $0xb8;
	[tilespmem:$0x1C200] =	vst v63  }
0x69: {  	_ =	swait.ge [sflag:s18], $0x4000  }
0x6a: {  	[sflag:s18] =	ssyncset.done $0x0  }
0x6b: {  	[sflag:s18] =	ssyncadd.s32 $0xFFFFC000  }
0x6c: {  	[tilespmem:$0x14000] =	vst v25  }
0x6d: {  	[tilespmem:$0x14010] =	vst v26  }
0x6e: {  	[tilespmem:$0x14020] =	vst v27  }
0x6f: {  	[tilespmem:$0x14030] =	vst v28  }
0x70: {  	[tilespmem:$0x14040] =	vst v29  }
0x71: {  	[tilespmem:$0x14050] =	vst v30  }
0x72: {  	[tilespmem:$0x14060] =	vst v31  }
0x73: {  	[tilespmem:$0x14070] =	vst v32  }
0x74: {  	[spmem:s1] =	stream.indirect.scatter [tilespmem:s17], [sflag:$0x5], $0x80, s16, s15, $0xb8;
	[tilespmem:$0x1C200] =	vst v63  }
0x75: {  	_ =	swait.ge [sflag:s18], $0x4000  }
0x76: {  	[sflag:s18] =	ssyncset.done $0x0  }
0x77: {  	[sflag:s18] =	ssyncadd.s32 $0xFFFFC000  }
0x78: {  	[tilespmem:$0x14000] =	vst v33  }
0x79: {  	[tilespmem:$0x14010] =	vst v34  }
0x7a: {  	[tilespmem:$0x14020] =	vst v35  }
0x7b: {  	[tilespmem:$0x14030] =	vst v36  }
0x7c: {  	[tilespmem:$0x14040] =	vst v37  }
0x7d: {  	[tilespmem:$0x14050] =	vst v38  }
0x7e: {  	[tilespmem:$0x14060] =	vst v39  }
0x7f: {  	[tilespmem:$0x14070] =	vst v40  }
0x80: {  	[spmem:s1] =	stream.indirect.scatter [tilespmem:s17], [sflag:$0x5], $0x80, s16, s15, $0xb8;
	[tilespmem:$0x1C200] =	vst v63  }
0x81: {  	_ =	swait.ge [sflag:s18], $0x4000  }
0x82: {  	[sflag:s18] =	ssyncset.done $0x0  }
0x83: {  	[sflag:s18] =	ssyncadd.s32 $0xFFFFC000  }
0x84: {  	[bflag:$0x0] =	sbarrier.arrive $0xFFFF  }
0x85: {  	[tilespmem:$0x14080] =	vst v0  }
0x86: {  	[tilespmem:$0x14090] =	vst v42  }
0x87: {  	[tilespmem:$0x140A0] =	vst v43  }
0x88: {  	[tilespmem:$0x140B0] =	vst v44  }
0x89: {  	[tilespmem:$0x140C0] =	vst v45  }
0x8a: {  	[tilespmem:$0x140D0] =	vst v46  }
0x8b: {  	[tilespmem:$0x140E0] =	vst v47  }
0x8c: {  	[tilespmem:$0x140F0] =	vst v48  }
0x8d: {  	[spmem:s1] =	stream.indirect.scatter.add.f32 [tilespmem:s17], [sflag:$0x3], $0x80, s19, s15, $0xb8;
	[tilespmem:$0x1C200] =	vst v63  }
0x8e: {  	[tilespmem:$0x14180] =	vst v0  }
0x8f: {  	[tilespmem:$0x14190] =	vst v42  }
0x90: {  	[tilespmem:$0x141A0] =	vst v43  }
0x91: {  	[tilespmem:$0x141B0] =	vst v44  }
0x92: {  	[tilespmem:$0x141C0] =	vst v45  }
0x93: {  	[tilespmem:$0x141D0] =	vst v46  }
0x94: {  	[tilespmem:$0x141E0] =	vst v47  }
0x95: {  	[tilespmem:$0x141F0] =	vst v48  }
0x96: {  	[spmem:s1] =	stream.indirect.scatter.add.f32 [tilespmem:s21], [sflag:$0x4], $0x80, s20, s15, $0xb8;
	[tilespmem:$0x1C200] =	vst v63  }
0x97: {  	_ =	swait.ge [sflag:s22], $0x4000  }
0x98: {  	[sflag:s22] =	ssyncset.done $0x0  }
0x99: {  	s0 =	simm.s32 $0x0;
	[sflag:s22] =	ssyncadd.s32 $0xFFFFC000  }
0x9a: {  	[tilespmem:s16], [sflag:$0x5] =	stream.linear.gather [hbm4b:s5+s0], $0x100, $0x38;
	[tilespmem:$0x1C200] =	vst v63  }
0x9b: {  	_ =	swait.ge [sflag:s18], $0x100  }
0x9c: {  	[sflag:s18] =	ssyncset.done $0x0  }
0x9d: {  	[sflag:s18] =	ssyncadd.s32 $0xFFFFFF00  }
0x9e: {  	[tilespmem:s17], [sflag:$0x1] =	stream.indirect.gather [hbm4b:s4+s15], $0x80, s16, s15, $0xb8;
	[tilespmem:$0x1C200] =	vst v63  }
0x9f: {  	_ =	swait.ge [sflag:s23], $0x4000  }
0xa0: {  	[sflag:s23] =	ssyncset.done $0x0  }
0xa1: {  	s30 =	sadd.s32 $0x0, s14;
	[sflag:s23] =	ssyncadd.s32 $0xFFFFC000  }
0xa2: {  	[tilespmem:s24], [sflag:$0x5] =	stream.linear.gather [hbm4b:s30+s2], $0x100, $0x38;
	[tilespmem:$0x1C200] =	vst v63  }
0xa3: {  	_ =	swait.ge [sflag:s18], $0x100  }
0xa4: {  	[sflag:s18] =	ssyncset.done $0x0  }
0xa5: {  	[sflag:s18] =	ssyncadd.s32 $0xFFFFFF00  }
0xa6: {  	[tilespmem:s21], [sflag:$0x2] =	stream.indirect.gather [hbm4b:s4+s15], $0x80, s24, s15, $0xb8;
	[tilespmem:$0x1C200] =	vst v63  }
0xa7: {  	_ =	swait.ge [sflag:s25], $0x4000  }
0xa8: {  	[sflag:s25] =	ssyncset.done $0x0  }
0xa9: {  	[sflag:s25] =	ssyncadd.s32 $0xFFFFC000  }
0xaa: {  	[spmem:s1] =	stream.indirect.scatter.add.f32 [tilespmem:s17], [sflag:$0x3], $0x80, s19, s15, $0xb8;
	[tilespmem:$0x1C200] =	vst v63  }
0xab: {  	_ =	swait.ge [sflag:s22], $0x4000  }
0xac: {  	[sflag:s22] =	ssyncset.done $0x0  }
0xad: {  	s31 =	sadd.s32 $0x0, s13;
	[sflag:s22] =	ssyncadd.s32 $0xFFFFC000  }
0xae: {  	[tilespmem:s16], [sflag:$0x5] =	stream.linear.gather [hbm4b:s31+s2], $0x100, $0x38;
	[tilespmem:$0x1C200] =	vst v63  }
0xaf: {  	_ =	swait.ge [sflag:s18], $0x100  }
0xb0: {  	[sflag:s18] =	ssyncset.done $0x0  }
0xb1: {  	[sflag:s18] =	ssyncadd.s32 $0xFFFFFF00  }
0xb2: {  	[tilespmem:s17], [sflag:$0x1] =	stream.indirect.gather [hbm4b:s4+s15], $0x80, s16, s15, $0xb8;
	[tilespmem:$0x1C200] =	vst v63  }
0xb3: {  	_ =	swait.ge [sflag:s26], $0x4000  }
0xb4: {  	[sflag:s26] =	ssyncset.done $0x0  }
0xb5: {  	s29 =	simm.s32 $0x40;
	[sflag:s26] =	ssyncadd.s32 $0xFFFFC000  }
.LBB2_4:
0xb6: {  	[spmem:s1] =	stream.indirect.scatter.add.f32 [tilespmem:s21], [sflag:$0x4], $0x80, s20, s15, $0xb8;
	[tilespmem:$0x1C200] =	vst v63  }
0xb7: {  	s0 =	smov.u32 s29  }
0xb8: {  	p0 =	sne.s32 s29, $0x13C0;
	s29 =	sadd.s32 $0x40, s29;
	_ =	swait.ge [sflag:s23], $0x4000  }
0xb9: {  	[sflag:s23] =	ssyncset.done $0x0  }
0xba: {  	s3 =	sadd.s32 s0, s14;
	[sflag:s23] =	ssyncadd.s32 $0xFFFFC000  }
0xbb: {  	[tilespmem:s24], [sflag:$0x5] =	stream.linear.gather [hbm4b:s3+s2], $0x100, $0x38;
	[tilespmem:$0x1C200] =	vst v63  }
0xbc: {  	_ =	swait.ge [sflag:s18], $0x100  }
0xbd: {  	[sflag:s18] =	ssyncset.done $0x0  }
0xbe: {  	[sflag:s18] =	ssyncadd.s32 $0xFFFFFF00  }
0xbf: {  	[tilespmem:s21], [sflag:$0x2] =	stream.indirect.gather [hbm4b:s4+s15], $0x80, s24, s15, $0xb8;
	[tilespmem:$0x1C200] =	vst v63  }
0xc0: {  	_ =	swait.ge [sflag:s25], $0x4000  }
0xc1: {  	[sflag:s25] =	ssyncset.done $0x0  }
0xc2: {  	[sflag:s25] =	ssyncadd.s32 $0xFFFFC000  }
0xc3: {  	[spmem:s1] =	stream.indirect.scatter.add.f32 [tilespmem:s17], [sflag:$0x3], $0x80, s19, s15, $0xb8;
	[tilespmem:$0x1C200] =	vst v63  }
0xc4: {  	_ =	swait.ge [sflag:s22], $0x4000  }
0xc5: {  	[sflag:s22] =	ssyncset.done $0x0  }
0xc6: {  	s0 =	sadd.s32 s0, s13;
	[sflag:s22] =	ssyncadd.s32 $0xFFFFC000  }
0xc7: {  	[tilespmem:s16], [sflag:$0x5] =	stream.linear.gather [hbm4b:s0+s2], $0x100, $0x38;
	[tilespmem:$0x1C200] =	vst v63  }
0xc8: {  	_ =	swait.ge [sflag:s18], $0x100  }
0xc9: {  	[sflag:s18] =	ssyncset.done $0x0  }
.Ltmp1:
0xca: {  	[sflag:s18] =	ssyncadd.s32 $0xFFFFFF00;
	(pc) =	sbr.rel @p0 .LBB2_4-.Ltmp1, $4  }
0xcb: {  	[tilespmem:s17], [sflag:$0x1] =	stream.indirect.gather [hbm4b:s4+s15], $0x80, s16, s15, $0xb8;
	[tilespmem:$0x1C200] =	vst v63  }
0xcc: {  	_ =	swait.ge [sflag:s26], $0x4000  }
0xcd: {  	[sflag:s26] =	ssyncset.done $0x0  }
0xce: {  	[sflag:s26] =	ssyncadd.s32 $0xFFFFC000  }
0xcf: {  	[spmem:s1] =	stream.indirect.scatter.add.f32 [tilespmem:s21], [sflag:$0x4], $0x80, s20, s15, $0xb8;
	[tilespmem:$0x1C200] =	vst v63  }
0xd0: {  	_ =	swait.ge [sflag:s23], $0x4000  }
0xd1: {  	[sflag:s23] =	ssyncset.done $0x0  }
0xd2: {  	[sflag:s23] =	ssyncadd.s32 $0xFFFFC000  }
0xd3: {  	[tilespmem:s24], [sflag:$0x5] =	stream.linear.gather [hbm4b:s12+s2], $0x100, $0x38;
	[tilespmem:$0x1C200] =	vst v63  }
0xd4: {  	_ =	swait.ge [sflag:s18], $0x100  }
0xd5: {  	[sflag:s18] =	ssyncset.done $0x0  }
0xd6: {  	[sflag:s18] =	ssyncadd.s32 $0xFFFFFF00  }
0xd7: {  	[tilespmem:s21], [sflag:$0x2] =	stream.indirect.gather [hbm4b:s4+s15], $0x80, s24, s15, $0xb8;
	[tilespmem:$0x1C200] =	vst v63  }
0xd8: {  	_ =	swait.ge [sflag:s25], $0x4000  }
0xd9: {  	[sflag:s25] =	ssyncset.done $0x0  }
0xda: {  	[sflag:s25] =	ssyncadd.s32 $0xFFFFC000  }
0xdb: {  	[spmem:s1] =	stream.indirect.scatter.add.f32 [tilespmem:s17], [sflag:$0x3], $0x80, s19, s15, $0xb8;
	[tilespmem:$0x1C200] =	vst v63  }
0xdc: {  	_ =	swait.ge [sflag:s26], $0x4000  }
0xdd: {  	[sflag:s26] =	ssyncset.done $0x0  }
0xde: {  	[sflag:s26] =	ssyncadd.s32 $0xFFFFC000  }
0xdf: {  	[spmem:s1] =	stream.indirect.scatter.add.f32 [tilespmem:s21], [sflag:$0x4], $0x80, s20, s15, $0xb8;
	[tilespmem:$0x1C200] =	vst v63  }
0xe0: {  	_ =	swait.ge [sflag:s22], $0x4000  }
0xe1: {  	[sflag:s22] =	ssyncset.done $0x0  }
0xe2: {  	[sflag:s22] =	ssyncadd.s32 $0xFFFFC000  }
0xe3: {  	_ =	swait.ge [sflag:s23], $0x4000  }
0xe4: {  	[sflag:s23] =	ssyncset.done $0x0  }
0xe5: {  	[sflag:s23] =	ssyncadd.s32 $0xFFFFC000  }
0xe6: {  	[bflag:$0x0] =	sbarrier.arrive $0xFFFF  }
0xe7: {  	[tilespmem:$0x14000] =	vst v14  }
0xe8: {  	[tilespmem:$0x14010] =	vst v1  }
0xe9: {  	[tilespmem:$0x14020] =	vst v2  }
0xea: {  	[tilespmem:$0x14030] =	vst v3  }
0xeb: {  	[tilespmem:$0x14040] =	vst v4  }
0xec: {  	[tilespmem:$0x14050] =	vst v5  }
0xed: {  	[tilespmem:$0x14060] =	vst v6  }
0xee: {  	[tilespmem:$0x14070] =	vst v7  }
0xef: {  	[tilespmem:s17], [sflag:$0x5] =	stream.indirect.gather [spmem:s1], $0x80, s16, s15, $0xb8;
	[tilespmem:$0x1C200] =	vst v63  }
0xf0: {  	_ =	swait.ge [sflag:s18], $0x4000  }
0xf1: {  	[sflag:s18] =	ssyncset.done $0x0  }
0xf2: {  	[sflag:s18] =	ssyncadd.s32 $0xFFFFC000  }
0xf3: {  	[hbm4b:s6+s2] =	stream.linear.scatter [tilespmem:s17], [sflag:$0x5], $0x4000, $0x38;
	[tilespmem:$0x1C200] =	vst v63  }
0xf4: {  	_ =	swait.ge [sflag:s18], $0x4000  }
0xf5: {  	[sflag:s18] =	ssyncset.done $0x0  }
0xf6: {  	[sflag:s18] =	ssyncadd.s32 $0xFFFFC000  }
0xf7: {  	[tilespmem:$0x14000] =	vst v15  }
0xf8: {  	[tilespmem:$0x14010] =	vst v8  }
0xf9: {  	[tilespmem:$0x14020] =	vst v9  }
0xfa: {  	[tilespmem:$0x14030] =	vst v10  }
0xfb: {  	[tilespmem:$0x14040] =	vst v11  }
0xfc: {  	[tilespmem:$0x14050] =	vst v12  }
0xfd: {  	[tilespmem:$0x14060] =	vst v13  }
0xfe: {  	[tilespmem:$0x14070] =	vst v16  }
0xff: {  	[tilespmem:s17], [sflag:$0x5] =	stream.indirect.gather [spmem:s1], $0x80, s16, s15, $0xb8;
	[tilespmem:$0x1C200] =	vst v63  }
0x100: {  	_ =	swait.ge [sflag:s18], $0x4000  }
0x101: {  	[sflag:s18] =	ssyncset.done $0x0  }
0x102: {  	[sflag:s18] =	ssyncadd.s32 $0xFFFFC000  }
0x103: {  	[hbm4b:s7+s2] =	stream.linear.scatter [tilespmem:s17], [sflag:$0x5], $0x4000, $0x38;
	[tilespmem:$0x1C200] =	vst v63  }
0x104: {  	_ =	swait.ge [sflag:s18], $0x4000  }
0x105: {  	[sflag:s18] =	ssyncset.done $0x0  }
0x106: {  	[sflag:s18] =	ssyncadd.s32 $0xFFFFC000  }
0x107: {  	[tilespmem:$0x14000] =	vst v21  }
0x108: {  	[tilespmem:$0x14010] =	vst v17  }
0x109: {  	[tilespmem:$0x14020] =	vst v18  }
0x10a: {  	[tilespmem:$0x14030] =	vst v19  }
0x10b: {  	[tilespmem:$0x14040] =	vst v20  }
0x10c: {  	[tilespmem:$0x14050] =	vst v22  }
0x10d: {  	[tilespmem:$0x14060] =	vst v23  }
0x10e: {  	[tilespmem:$0x14070] =	vst v24  }
0x10f: {  	[tilespmem:s17], [sflag:$0x5] =	stream.indirect.gather [spmem:s1], $0x80, s16, s15, $0xb8;
	[tilespmem:$0x1C200] =	vst v63  }
0x110: {  	_ =	swait.ge [sflag:s18], $0x4000  }
0x111: {  	[sflag:s18] =	ssyncset.done $0x0  }
0x112: {  	[sflag:s18] =	ssyncadd.s32 $0xFFFFC000  }
0x113: {  	[hbm4b:s8+s2] =	stream.linear.scatter [tilespmem:s17], [sflag:$0x5], $0x4000, $0x38;
	[tilespmem:$0x1C200] =	vst v63  }
0x114: {  	_ =	swait.ge [sflag:s18], $0x4000  }
0x115: {  	[sflag:s18] =	ssyncset.done $0x0  }
0x116: {  	[sflag:s18] =	ssyncadd.s32 $0xFFFFC000  }
0x117: {  	[tilespmem:$0x14000] =	vst v25  }
0x118: {  	[tilespmem:$0x14010] =	vst v26  }
0x119: {  	[tilespmem:$0x14020] =	vst v27  }
0x11a: {  	[tilespmem:$0x14030] =	vst v28  }
0x11b: {  	[tilespmem:$0x14040] =	vst v29  }
0x11c: {  	[tilespmem:$0x14050] =	vst v30  }
0x11d: {  	[tilespmem:$0x14060] =	vst v31  }
0x11e: {  	[tilespmem:$0x14070] =	vst v32  }
0x11f: {  	[tilespmem:s17], [sflag:$0x5] =	stream.indirect.gather [spmem:s1], $0x80, s16, s15, $0xb8;
	[tilespmem:$0x1C200] =	vst v63  }
0x120: {  	_ =	swait.ge [sflag:s18], $0x4000  }
0x121: {  	[sflag:s18] =	ssyncset.done $0x0  }
0x122: {  	[sflag:s18] =	ssyncadd.s32 $0xFFFFC000  }
0x123: {  	[hbm4b:s9+s2] =	stream.linear.scatter [tilespmem:s17], [sflag:$0x5], $0x4000, $0x38;
	[tilespmem:$0x1C200] =	vst v63  }
0x124: {  	_ =	swait.ge [sflag:s18], $0x4000  }
0x125: {  	[sflag:s18] =	ssyncset.done $0x0  }
0x126: {  	[sflag:s18] =	ssyncadd.s32 $0xFFFFC000  }
0x127: {  	[tilespmem:$0x14000] =	vst v33  }
0x128: {  	[tilespmem:$0x14010] =	vst v34  }
0x129: {  	[tilespmem:$0x14020] =	vst v35  }
0x12a: {  	[tilespmem:$0x14030] =	vst v36  }
0x12b: {  	[tilespmem:$0x14040] =	vst v37  }
0x12c: {  	[tilespmem:$0x14050] =	vst v38  }
0x12d: {  	[tilespmem:$0x14060] =	vst v39  }
0x12e: {  	[tilespmem:$0x14070] =	vst v40  }
0x12f: {  	[tilespmem:s17], [sflag:$0x5] =	stream.indirect.gather [spmem:s1], $0x80, s16, s15, $0xb8;
	[tilespmem:$0x1C200] =	vst v63  }
0x130: {  	s28 =	sadd.s32 $0x1, s28;
	_ =	swait.ge [sflag:s18], $0x4000  }
0x131: {  	p0 =	sne.s32 s28, s11;
	[sflag:s18] =	ssyncset.done $0x0  }
.Ltmp2:
0x132: {  	[sflag:s18] =	ssyncadd.s32 $0xFFFFC000;
	(pc) =	sbr.rel @p0 .LBB2_1-.Ltmp2, $4  }
0x133: {  	[hbm4b:s10+s2] =	stream.linear.scatter [tilespmem:s17], [sflag:$0x5], $0x4000, $0x38;
	[tilespmem:$0x1C200] =	vst v63  }
0x134: {  	_ =	swait.ge [sflag:s18], $0x4000  }
0x135: {  	[sflag:s18] =	ssyncset.done $0x0  }
0x136: {  	[sflag:s18] =	ssyncadd.s32 $0xFFFFC000  }
0x137: {  	_ =	sfence.sel $0x180000  }
0x138: {  	[bflag:$0x0] =	sbarrier.arrive $0xFFFF  }
0x139: {  	_ =	strace $0x90000047  }
0x13a: {  	s0 =	stileid.u32;
	[bflag:$0x2] =	sbarrier.arrive $0xFFFF  }
0x13b: {  	p0 =	sne.s32 s0, $0x0;
	s0 =	rddreg [dreg:$0x2]  }
0x13c: {  	s0 =	sadd.s32 @!p0 $0x100000, s0  }
0x13d: {  	[sflag:s0] =	ssyncadd.tile.s32 @!p0 $0x1;
	_ =	shalt  }
.Lfunc_end2:
_tile_overlayer_lowered:
.L_overlay_start_2:
0x13e: {  	(tag) =	ssettag $0x2  }
0x13f: {  	s0 =	rddreg [dreg:$0x0];
	s2 =	stileid.u32  }
0x140: {  	s1 =	rddreg [dreg:$0x1];
	p0 =	sne.s32 s2, $0x0  }
0x141: {  	s3 =	rddreg [dreg:$0x2];
	[bflag:$0x3] =	sbarrier.arrive $0xFFFF;
	s2 =	simm.s32 @!p0 $0x1C05  }
0x142: {  	[timem:s3], [sflag:s2] =	dma.local @!p0 [hbm:s0], s1  }
0x143: {  	s0 =	simm.s32 @!p0 $0x5  }
0x144: {  	_ =	swait.ge @!p0 [sflag:s0], s1  }
0x145: {  	s1 =	ssub.s32 @!p0 $0x0, s1;
	[sflag:s0] =	ssyncset.done @!p0 $0x0  }
0x146: {  	[sflag:s0] =	ssyncadd.s32 @!p0 s1  }
0x147: {  	[bflag:$0x3] =	sbarrier.arrive $0xFFFF  }
0x148: {  	_ =	shalt  }

</sc_bundles>
